<compile_context>
chip_gen: v7x
topology: tpu7x:2x2x1
jax: 0.10.2.dev20260603
libtpu: 0.0.44.dev20260713+nightly
codegen_flags: <defaults>
</compile_context>

<pallas_src>
import functools

import jax
import jax.numpy as jnp
from jax import lax
from jax.experimental import pallas as pl
from jax.experimental.pallas import tpu as pltpu
from jax.experimental.pallas import tpu_sc as plsc

_STRIDE = 8
_NCLS = 80
_L = 16


def _sc_decode(cls1, bbox1, cen1, n_loc, grid_w):
    NC, NS = 2, 16
    NW = NC * NS
    n_rows = n_loc // grid_w
    rows_per_w = n_rows // NW
    RCH = 4
    CH = RCH * grid_w
    n_chunks = rows_per_w // RCH
    n_groups = CH // _L
    gpr = grid_w // _L
    cls_row = _NCLS * grid_w
    bb_row = 4 * grid_w
    half = _NCLS // 2

    wshift = (grid_w - 1).bit_length()
    mesh = plsc.VectorSubcoreMesh(core_axis_name="c", subcore_axis_name="s")
    f32 = jnp.float32
    i32 = jnp.int32

    hw = grid_w * grid_w
    out_type = (
        jax.ShapeDtypeStruct((n_loc,), f32),
        jax.ShapeDtypeStruct((n_loc,), i32),
        jax.ShapeDtypeStruct((4 * n_loc,), f32),
    )
    scratch = (
        [pltpu.VMEM((CH * _NCLS,), f32) for _ in range(2)]
        + [pltpu.VMEM((CH * 4,), f32) for _ in range(2)]
        + [pltpu.VMEM((CH,), f32) for _ in range(2)]
        + [pltpu.VMEM((CH,), f32) for _ in range(2)]
        + [pltpu.VMEM((CH,), i32) for _ in range(2)]
        + [pltpu.VMEM((4 * CH,), f32) for _ in range(2)]
        + [pltpu.SemaphoreType.DMA for _ in range(4)]
    )

    @functools.partial(
        pl.kernel, mesh=mesh, out_type=out_type, scratch_types=scratch,
        compiler_params=pltpu.CompilerParams(needs_layout_passes=False))
    def body(cls_hbm, bbox_hbm, cen_hbm,
             conf_hbm, idx_hbm, xywh_hbm,
             cls_v0, cls_v1, bbox_v0, bbox_v1, cen_v0, cen_v1,
             conf_v0, conf_v1, idx_v0, idx_v1, xywh_v0, xywh_v1,
             sem_in0, sem_in1, sem_out0, sem_out1):
        cls_v = (cls_v0, cls_v1)
        bbox_v = (bbox_v0, bbox_v1)
        cen_v = (cen_v0, cen_v1)
        conf_v = (conf_v0, conf_v1)
        idx_v = (idx_v0, idx_v1)
        xywh_v = (xywh_v0, xywh_v1)
        sem_in = (sem_in0, sem_in1)
        sem_out = (sem_out0, sem_out1)

        wid = lax.axis_index("c") * NS + lax.axis_index("s")
        w_row0 = wid * rows_per_w
        iota = lax.iota(i32, _L)

        def in_copies(row, s, issue):
            mk = pltpu.async_copy if issue else pltpu.make_async_copy
            return (
                mk(cls_hbm.at[pl.ds(row * cls_row, RCH * cls_row)],
                   cls_v[s], sem_in[s]),
                mk(bbox_hbm.at[pl.ds(row * bb_row, RCH * bb_row)],
                   bbox_v[s], sem_in[s]),
                mk(cen_hbm.at[pl.ds(row * grid_w, CH)], cen_v[s], sem_in[s]),
            )

        def out_copies(row, s, issue):
            mk = pltpu.async_copy if issue else pltpu.make_async_copy
            b = row >> wshift
            h0 = row & (grid_w - 1)
            tbase = h0 * (8 * grid_w) + b * grid_w
            cps = []
            for r in range(RCH):
                dst = tbase + r * (8 * grid_w)
                cps.append(mk(conf_v[s].at[pl.ds(r * grid_w, grid_w)],
                              conf_hbm.at[pl.ds(dst, grid_w)], sem_out[s]))
                cps.append(mk(idx_v[s].at[pl.ds(r * grid_w, grid_w)],
                              idx_hbm.at[pl.ds(dst, grid_w)], sem_out[s]))
            cps.append(mk(xywh_v[s],
                          xywh_hbm.at[pl.ds(b * 4 * hw + h0 * 4 * grid_w,
                                            4 * CH)],
                          sem_out[s]))
            return cps

        def compute_chunk(row, s):
            @plsc.parallel_loop(0, n_groups, unroll=2)
            def group_body(g):
                g16 = g * _L
                rloc = g >> 3
                w0 = (g & (gpr - 1)) * _L
                coff = rloc * cls_row + w0
                ninf = iota.astype(f32) * 0.0 - jnp.inf
                zf = iota.astype(f32) * 0.0
                q = _NCLS // 4

                def cls_step(k, carry):
                    m0, a0, m1, a1, m2, a2, m3, a3 = carry
                    off = coff + k * (4 * grid_w)
                    cf = zf + (k * 4).astype(f32)
                    for u in range(4):
                        v0 = cls_v[s][pl.ds(off + u * grid_w, _L)]
                        v1 = cls_v[s][pl.ds(off + (q + u) * grid_w, _L)]
                        v2 = cls_v[s][pl.ds(off + (2 * q + u) * grid_w, _L)]
                        v3 = cls_v[s][pl.ds(off + (3 * q + u) * grid_w, _L)]
                        cfu = cf + float(u)
                        p0 = v0 > m0
                        p1 = v1 > m1
                        p2 = v2 > m2
                        p3 = v3 > m3
                        m0 = jnp.where(p0, v0, m0)
                        a0 = jnp.where(p0, cfu, a0)
                        m1 = jnp.where(p1, v1, m1)
                        a1 = jnp.where(p1, cfu, a1)
                        m2 = jnp.where(p2, v2, m2)
                        a2 = jnp.where(p2, cfu, a2)
                        m3 = jnp.where(p3, v3, m3)
                        a3 = jnp.where(p3, cfu, a3)
                    return (m0, a0, m1, a1, m2, a2, m3, a3)

                (m0, a0, m1, a1, m2, a2, m3, a3) = plsc.parallel_loop(
                    0, q // 4,
                    carry=(ninf, zf, ninf, zf, ninf, zf, ninf, zf))(cls_step)
                a1 = a1 + float(q)
                a2 = a2 + float(2 * q)
                a3 = a3 + float(3 * q)
                p01 = m1 > m0
                m01 = jnp.where(p01, m1, m0)
                a01 = jnp.where(p01, a1, a0)
                p23 = m3 > m2
                m23 = jnp.where(p23, m3, m2)
                a23 = jnp.where(p23, a3, a2)
                p = m23 > m01
                m = jnp.where(p, m23, m01)
                a = jnp.where(p, a23, a01).astype(i32)

                cen = cen_v[s][pl.ds(rloc * grid_w + w0, _L)]
                sig_c = 1.0 / (1.0 + jnp.exp(-cen))
                sig_m = 1.0 / (1.0 + jnp.exp(-m))
                t = sig_c * sig_m
                yi = jnp.int32(0x5F3759DF) - (plsc.bitcast(t, i32) >> 1)
                yr = plsc.bitcast(yi, f32)
                yr = yr * (1.5 - 0.5 * t * yr * yr)
                yr = yr * (1.5 - 0.5 * t * yr * yr)
                conf = t * yr

                boff = rloc * bb_row + w0
                l_ = bbox_v[s][pl.ds(boff, _L)]
                t_ = bbox_v[s][pl.ds(boff + grid_w, _L)]
                r_ = bbox_v[s][pl.ds(boff + 2 * grid_w, _L)]
                b_ = bbox_v[s][pl.ds(boff + 3 * grid_w, _L)]
                el = jnp.exp(l_)
                et = jnp.exp(t_)
                er = jnp.exp(r_)
                eb = jnp.exp(b_)
                loc = iota + (g16 + row * grid_w)
                wl = loc & (grid_w - 1)
                hl = (loc >> wshift) & (grid_w - 1)
                cx = wl.astype(f32) * float(_STRIDE) + (_STRIDE / 2.0)
                cy = hl.astype(f32) * float(_STRIDE) + (_STRIDE / 2.0)
                half_s = _STRIDE / 2.0
                xo = cx - (el - er) * half_s
                yo = cy - (et - eb) * half_s
                wo = (el + er) * float(_STRIDE)
                ho = (et + eb) * float(_STRIDE)

                conf_v[s][pl.ds(g16, _L)] = conf
                idx_v[s][pl.ds(g16, _L)] = a
                xb = rloc * (4 * grid_w) + w0
                xywh_v[s][pl.ds(xb, _L)] = xo
                xywh_v[s][pl.ds(xb + grid_w, _L)] = yo
                xywh_v[s][pl.ds(xb + 2 * grid_w, _L)] = wo
                xywh_v[s][pl.ds(xb + 3 * grid_w, _L)] = ho

        in_copies(w_row0, 0, True)

        def loop_body(k, _):
            c0 = 2 * k

            def do_slot(c, s):
                row = w_row0 + c * RCH

                @pl.when(c + 1 < n_chunks)
                def _prefetch():
                    in_copies(row + RCH, 1 - s, True)

                for hcpy in in_copies(row, s, False):
                    hcpy.wait()

                @pl.when(c >= 2)
                def _drain_out():
                    for hcpy in out_copies(row - 2 * RCH, s, False):
                        hcpy.wait()

                compute_chunk(row, s)
                out_copies(row, s, True)

            do_slot(c0, 0)
            do_slot(c0 + 1, 1)
            return _

        lax.fori_loop(0, n_chunks // 2, loop_body, None)

        for s, c in ((0, n_chunks - 2), (1, n_chunks - 1)):
            for hcpy in out_copies(w_row0 + c * RCH, s, False):
                hcpy.wait()

    return body(cls1, bbox1, cen1)


def kernel(bbox, center, cls_logits, img_size):
    nB, nH, nW = bbox.shape[0], bbox.shape[1], bbox.shape[2]
    n_loc = nB * nH * nW
    cls1 = jnp.transpose(cls_logits, (0, 1, 3, 2)).reshape(n_loc * _NCLS)
    bbox1 = jnp.transpose(bbox, (0, 1, 3, 2)).reshape(n_loc * 4)
    cen1 = center.reshape(n_loc)
    conf, idx, xywh = _sc_decode(cls1, bbox1, cen1, n_loc, nW)
    preds_bbox = jnp.transpose(
        xywh.reshape(nB, (nH * nW) // nW, 4, nW),
        (0, 1, 3, 2)).reshape(nB, nH * nW, 4)
    preds_cls_idx = jnp.transpose(
        idx.reshape(nH, nB, nW), (1, 0, 2)).reshape(nB, nH * nW)
    preds_conf = jnp.transpose(
        conf.reshape(nH, nB, nW), (1, 0, 2)).reshape(nB, nH * nW)
    return (preds_bbox, preds_cls_idx, preds_conf)

# --- scband reference (transcript-rebuilt; emitter-appended) ---
"""Pipeline reference for scband-fcos-52390011077066 (READ-ONLY COPY).

The authoritative reference and input builder live on the scoring server;
editing this copy changes nothing except your own understanding.
"""

import jax, jax.numpy as jnp
import numpy as np

STRIDE = 8
NUM_CLASS = 80


def setup_inputs(seed: int = 0) -> dict:
    key = jax.random.key(seed)
    k1, k2, k3 = jax.random.split(key, 3)
    B, H, W = 8, 128, 128
    bbox = jax.random.normal(k1, (B, H, W, 4), dtype=jnp.float32) * 0.5
    center = jax.random.normal(k2, (B, H, W, 1), dtype=jnp.float32)
    cls_logits = jax.random.normal(k3, (B, H, W, NUM_CLASS), dtype=jnp.float32)
    return {"bbox": bbox, "center": center, "cls_logits": cls_logits, "img_size": 1024}


def _ltrb_to_xywh(ltrb, nH, nW, stride):
    # transform (left, top, right, bottom) distances to (cx, cy, w, h)
    y_ = jnp.arange(nH, dtype=jnp.float32) * stride
    x_ = jnp.arange(nW, dtype=jnp.float32) * stride
    centers_y, centers_x = jnp.meshgrid(y_, x_, indexing='ij')
    centers_x = centers_x[None, :, :] + stride / 2.0
    centers_y = centers_y[None, :, :] + stride / 2.0
    x = centers_x - (ltrb[..., 0] - ltrb[..., 2]) / 2.0
    y = centers_y - (ltrb[..., 1] - ltrb[..., 3]) / 2.0
    w = ltrb[..., 0] + ltrb[..., 2]
    h = ltrb[..., 1] + ltrb[..., 3]
    return jnp.stack([x, y, w, h], axis=-1)


def reference(bbox, center, cls_logits, img_size):
    # FCOSLayer.forward inference path (labels=None), ltrb_setting='exp_sl1'
    nB, nH, nW = bbox.shape[0], bbox.shape[1], bbox.shape[2]
    p_ltrb = jnp.exp(bbox) * STRIDE
    p_xywh = _ltrb_to_xywh(p_ltrb, nH, nW, STRIDE)
    p_center_conf = jax.nn.sigmoid(center)
    p_cls = jax.nn.sigmoid(cls_logits)
    cls_score = jnp.max(p_cls, axis=3, keepdims=True)
    cls_idx = jnp.argmax(p_cls, axis=3)
    confs = jnp.sqrt(p_center_conf * cls_score)
    preds_bbox = p_xywh.reshape(nB, -1, 4)
    preds_cls_idx = cls_idx.reshape(nB, -1)
    preds_conf = confs.reshape(nB, -1)
    return (preds_bbox, preds_cls_idx, preds_conf)

if __name__ == "__main__":
    import jax
    _d = setup_inputs()
    print(jax.jit(kernel)(*tuple(_d.values())))

</pallas_src>

<mosaic_0001>
#map = affine_map<(d0, d1) -> (0)>
module attributes {stable_mosaic.version = 14 : i64} {
  func.func @body(%arg0: i32, %arg1: i32, %arg2: memref<10485760xf32, #tpu.memory_space<hbm>>, %arg3: memref<524288xf32, #tpu.memory_space<hbm>>, %arg4: memref<131072xf32, #tpu.memory_space<hbm>>, %arg5: memref<131072xf32, #tpu.memory_space<hbm>>, %arg6: memref<131072xi32, #tpu.memory_space<hbm>>, %arg7: memref<524288xf32, #tpu.memory_space<hbm>>, %arg8: memref<40960xf32, #tpu.memory_space<vmem>>, %arg9: memref<40960xf32, #tpu.memory_space<vmem>>, %arg10: memref<2048xf32, #tpu.memory_space<vmem>>, %arg11: memref<2048xf32, #tpu.memory_space<vmem>>, %arg12: memref<512xf32, #tpu.memory_space<vmem>>, %arg13: memref<512xf32, #tpu.memory_space<vmem>>, %arg14: memref<512xf32, #tpu.memory_space<vmem>>, %arg15: memref<512xf32, #tpu.memory_space<vmem>>, %arg16: memref<512xi32, #tpu.memory_space<vmem>>, %arg17: memref<512xi32, #tpu.memory_space<vmem>>, %arg18: memref<2048xf32, #tpu.memory_space<vmem>>, %arg19: memref<2048xf32, #tpu.memory_space<vmem>>, %arg20: memref<!tpu.dma_semaphore, #tpu.memory_space<semaphore_mem>>, %arg21: memref<!tpu.dma_semaphore, #tpu.memory_space<semaphore_mem>>, %arg22: memref<!tpu.dma_semaphore, #tpu.memory_space<semaphore_mem>>, %arg23: memref<!tpu.dma_semaphore, #tpu.memory_space<semaphore_mem>>) attributes {dimension_semantics = [#tpu.dimension_semantics<core_parallel>, #tpu.dimension_semantics<subcore_parallel>], iteration_bounds = array<i64: 2, 16>, scalar_prefetch = 0 : i64, scratch_operands = 16 : i64, tpu.core_type = #tpu.core_type<sc_vector_subcore>, window_params = [{transform_indices = #map}, {transform_indices = #map}, {transform_indices = #map}, {transform_indices = #map}, {transform_indices = #map}, {transform_indices = #map}]} {
    %mul3A = arith.constant 16 : i32
    %mul3A_0 = arith.muli %arg0, %mul3A : i32
    %add3A = arith.addi %mul3A_0, %arg1 : i32
    %mul3A_1 = arith.constant 32 : i32
    %mul3A_2 = arith.muli %add3A, %mul3A_1 : i32
    %iota3A = tpu.iota {dimensions = array<i32: 0>} : vector<16xi32>
    %mul3A_3 = arith.constant 10240 : i32
    %mul3A_4 = arith.muli %mul3A_2, %mul3A_3 : i32
    %dma_start3A = tpu.memref_slice %arg2[%mul3A_4] : memref<10485760xf32, #tpu.memory_space<hbm>> -> memref<40960xf32, #tpu.memory_space<hbm>>
    %dma_start3A_5 = tpu.memref_slice %arg2[%mul3A_4] : memref<10485760xf32, #tpu.memory_space<hbm>> -> memref<40960xf32, #tpu.memory_space<hbm>>
    tpu.enqueue_dma source(%dma_start3A_5 : memref<40960xf32, #tpu.memory_space<hbm>>) target(%arg8 : memref<40960xf32, #tpu.memory_space<vmem>>) target_semaphore(%arg20 : memref<!tpu.dma_semaphore, #tpu.memory_space<semaphore_mem>>)
    %mul3A_6 = arith.constant 512 : i32
    %mul3A_7 = arith.muli %mul3A_2, %mul3A_6 : i32
    %dma_start3A_8 = tpu.memref_slice %arg3[%mul3A_7] : memref<524288xf32, #tpu.memory_space<hbm>> -> memref<2048xf32, #tpu.memory_space<hbm>>
    %dma_start3A_9 = tpu.memref_slice %arg3[%mul3A_7] : memref<524288xf32, #tpu.memory_space<hbm>> -> memref<2048xf32, #tpu.memory_space<hbm>>
    tpu.enqueue_dma source(%dma_start3A_9 : memref<2048xf32, #tpu.memory_space<hbm>>) target(%arg10 : memref<2048xf32, #tpu.memory_space<vmem>>) target_semaphore(%arg20 : memref<!tpu.dma_semaphore, #tpu.memory_space<semaphore_mem>>)
    %mul3A_10 = arith.constant 128 : i32
    %mul3A_11 = arith.muli %mul3A_2, %mul3A_10 : i32
    %dma_start3A_12 = tpu.memref_slice %arg4[%mul3A_11] : memref<131072xf32, #tpu.memory_space<hbm>> -> memref<512xf32, #tpu.memory_space<hbm>>
    %dma_start3A_13 = tpu.memref_slice %arg4[%mul3A_11] : memref<131072xf32, #tpu.memory_space<hbm>> -> memref<512xf32, #tpu.memory_space<hbm>>
    tpu.enqueue_dma source(%dma_start3A_13 : memref<512xf32, #tpu.memory_space<hbm>>) target(%arg12 : memref<512xf32, #tpu.memory_space<vmem>>) target_semaphore(%arg20 : memref<!tpu.dma_semaphore, #tpu.memory_space<semaphore_mem>>)
    %scan3A = arith.constant 0 : i32
    %scan3A_14 = arith.constant 4 : i32
    %scan3A_15 = arith.addi %scan3A, %scan3A_14 : i32
    %scan3A_16 = arith.constant 1 : i32
    scf.for %scan3A_171 = %scan3A to %scan3A_15 step %scan3A_16  : i32 {
      %mul3A_172 = arith.constant 2 : i32
      %mul3A_173 = arith.muli %mul3A_172, %scan3A_171 : i32
      %mul3A_174 = arith.constant 4 : i32
      %mul3A_175 = arith.muli %mul3A_173, %mul3A_174 : i32
      %add3A_176 = arith.addi %mul3A_2, %mul3A_175 : i32
      %add3A_177 = arith.constant 1 : i32
      %add3A_178 = arith.addi %mul3A_173, %add3A_177 : i32
      %lt3A = arith.constant 8 : i32
      %lt3A_179 = arith.cmpi slt, %add3A_178, %lt3A : i32
      %convert_element_type3A = arith.extui %lt3A_179 : i1 to i32
      %cond3A = arith.constant 0 : i32
      %cond3A_180 = arith.cmpi ne, %convert_element_type3A, %cond3A : i32
      scf.if %cond3A_180 {
        %add3A_383 = arith.constant 4 : i32
        %add3A_384 = arith.addi %add3A_176, %add3A_383 : i32
        %mul3A_385 = arith.constant 10240 : i32
        %mul3A_386 = arith.muli %add3A_384, %mul3A_385 : i32
        %dma_start3A_387 = tpu.memref_slice %arg2[%mul3A_386] : memref<10485760xf32, #tpu.memory_space<hbm>> -> memref<40960xf32, #tpu.memory_space<hbm>>
        %dma_start3A_388 = tpu.memref_slice %arg2[%mul3A_386] : memref<10485760xf32, #tpu.memory_space<hbm>> -> memref<40960xf32, #tpu.memory_space<hbm>>
        tpu.enqueue_dma source(%dma_start3A_388 : memref<40960xf32, #tpu.memory_space<hbm>>) target(%arg9 : memref<40960xf32, #tpu.memory_space<vmem>>) target_semaphore(%arg21 : memref<!tpu.dma_semaphore, #tpu.memory_space<semaphore_mem>>)
        %mul3A_389 = arith.constant 512 : i32
        %mul3A_390 = arith.muli %add3A_384, %mul3A_389 : i32
        %dma_start3A_391 = tpu.memref_slice %arg3[%mul3A_390] : memref<524288xf32, #tpu.memory_space<hbm>> -> memref<2048xf32, #tpu.memory_space<hbm>>
        %dma_start3A_392 = tpu.memref_slice %arg3[%mul3A_390] : memref<524288xf32, #tpu.memory_space<hbm>> -> memref<2048xf32, #tpu.memory_space<hbm>>
        tpu.enqueue_dma source(%dma_start3A_392 : memref<2048xf32, #tpu.memory_space<hbm>>) target(%arg11 : memref<2048xf32, #tpu.memory_space<vmem>>) target_semaphore(%arg21 : memref<!tpu.dma_semaphore, #tpu.memory_space<semaphore_mem>>)
        %mul3A_393 = arith.constant 128 : i32
        %mul3A_394 = arith.muli %add3A_384, %mul3A_393 : i32
        %dma_start3A_395 = tpu.memref_slice %arg4[%mul3A_394] : memref<131072xf32, #tpu.memory_space<hbm>> -> memref<512xf32, #tpu.memory_space<hbm>>
        %dma_start3A_396 = tpu.memref_slice %arg4[%mul3A_394] : memref<131072xf32, #tpu.memory_space<hbm>> -> memref<512xf32, #tpu.memory_space<hbm>>
        tpu.enqueue_dma source(%dma_start3A_396 : memref<512xf32, #tpu.memory_space<hbm>>) target(%arg13 : memref<512xf32, #tpu.memory_space<vmem>>) target_semaphore(%arg21 : memref<!tpu.dma_semaphore, #tpu.memory_space<semaphore_mem>>)
      } else {
      }
      %mul3A_181 = arith.constant 10240 : i32
      %mul3A_182 = arith.muli %add3A_176, %mul3A_181 : i32
      %mul3A_183 = arith.constant 512 : i32
      %mul3A_184 = arith.muli %add3A_176, %mul3A_183 : i32
      %mul3A_185 = arith.constant 128 : i32
      %mul3A_186 = arith.muli %add3A_176, %mul3A_185 : i32
      %dma_wait3A_187 = tpu.memref_slice %arg2[%mul3A_182] : memref<10485760xf32, #tpu.memory_space<hbm>> -> memref<40960xf32, #tpu.memory_space<hbm>>
      %dma_wait3A_188 = tpu.memref_slice %arg2[%mul3A_182] : memref<10485760xf32, #tpu.memory_space<hbm>> -> memref<40960xf32, #tpu.memory_space<hbm>>
      tpu.wait_dma2 semaphore(%arg20 : memref<!tpu.dma_semaphore, #tpu.memory_space<semaphore_mem>>) src(%dma_wait3A_188 : memref<40960xf32, #tpu.memory_space<hbm>>) dst(%arg8 : memref<40960xf32, #tpu.memory_space<vmem>>)
      %dma_wait3A_189 = tpu.memref_slice %arg3[%mul3A_184] : memref<524288xf32, #tpu.memory_space<hbm>> -> memref<2048xf32, #tpu.memory_space<hbm>>
      %dma_wait3A_190 = tpu.memref_slice %arg3[%mul3A_184] : memref<524288xf32, #tpu.memory_space<hbm>> -> memref<2048xf32, #tpu.memory_space<hbm>>
      tpu.wait_dma2 semaphore(%arg20 : memref<!tpu.dma_semaphore, #tpu.memory_space<semaphore_mem>>) src(%dma_wait3A_190 : memref<2048xf32, #tpu.memory_space<hbm>>) dst(%arg10 : memref<2048xf32, #tpu.memory_space<vmem>>)
      %dma_wait3A_191 = tpu.memref_slice %arg4[%mul3A_186] : memref<131072xf32, #tpu.memory_space<hbm>> -> memref<512xf32, #tpu.memory_space<hbm>>
      %dma_wait3A_192 = tpu.memref_slice %arg4[%mul3A_186] : memref<131072xf32, #tpu.memory_space<hbm>> -> memref<512xf32, #tpu.memory_space<hbm>>
      tpu.wait_dma2 semaphore(%arg20 : memref<!tpu.dma_semaphore, #tpu.memory_space<semaphore_mem>>) src(%dma_wait3A_192 : memref<512xf32, #tpu.memory_space<hbm>>) dst(%arg12 : memref<512xf32, #tpu.memory_space<vmem>>)
      %ge3A = arith.constant 2 : i32
      %ge3A_193 = arith.cmpi sge, %mul3A_173, %ge3A : i32
      %convert_element_type3A_194 = arith.extui %ge3A_193 : i1 to i32
      %cond3A_195 = arith.constant 0 : i32
      %cond3A_196 = arith.cmpi ne, %convert_element_type3A_194, %cond3A_195 : i32
      scf.if %cond3A_196 {
        %sub3A = arith.constant 8 : i32
        %sub3A_383 = arith.subi %add3A_176, %sub3A : i32
        %shift_right_arithmetic3A_384 = arith.constant 7 : i32
        %shift_right_arithmetic3A_385 = arith.shrsi %sub3A_383, %shift_right_arithmetic3A_384 : i32
        %and3A_386 = arith.constant 127 : i32
        %and3A_387 = arith.andi %sub3A_383, %and3A_386 : i32
        %mul3A_388 = arith.constant 1024 : i32
        %mul3A_389 = arith.muli %and3A_387, %mul3A_388 : i32
        %mul3A_390 = arith.constant 128 : i32
        %mul3A_391 = arith.muli %shift_right_arithmetic3A_385, %mul3A_390 : i32
        %add3A_392 = arith.addi %mul3A_389, %mul3A_391 : i32
        %add3A_393 = arith.constant 0 : i32
        %add3A_394 = arith.addi %add3A_392, %add3A_393 : i32
        %add3A_395 = arith.constant 1024 : i32
        %add3A_396 = arith.addi %add3A_392, %add3A_395 : i32
        %add3A_397 = arith.constant 2048 : i32
        %add3A_398 = arith.addi %add3A_392, %add3A_397 : i32
        %add3A_399 = arith.constant 3072 : i32
        %add3A_400 = arith.addi %add3A_392, %add3A_399 : i32
        %mul3A_401 = arith.constant 4 : i32
        %mul3A_402 = arith.muli %shift_right_arithmetic3A_385, %mul3A_401 : i32
        %mul3A_403 = arith.constant 16384 : i32
        %mul3A_404 = arith.muli %mul3A_402, %mul3A_403 : i32
        %mul3A_405 = arith.constant 4 : i32
        %mul3A_406 = arith.muli %and3A_387, %mul3A_405 : i32
        %mul3A_407 = arith.constant 128 : i32
        %mul3A_408 = arith.muli %mul3A_406, %mul3A_407 : i32
        %add3A_409 = arith.addi %mul3A_404, %mul3A_408 : i32
        %dma_wait3A_410 = arith.constant 0 : i32
        %dma_wait3A_411 = tpu.memref_slice %arg14[%dma_wait3A_410] : memref<512xf32, #tpu.memory_space<vmem>> -> memref<128xf32, #tpu.memory_space<vmem>>
        %dma_wait3A_412 = tpu.memref_slice %arg5[%add3A_394] : memref<131072xf32, #tpu.memory_space<hbm>> -> memref<128xf32, #tpu.memory_space<hbm>>
        %dma_wait3A_413 = tpu.memref_slice %arg5[%add3A_394] : memref<131072xf32, #tpu.memory_space<hbm>> -> memref<128xf32, #tpu.memory_space<hbm>>
        %dma_wait3A_414 = arith.constant 0 : i32
        %dma_wait3A_415 = tpu.memref_slice %arg14[%dma_wait3A_414] : memref<512xf32, #tpu.memory_space<vmem>> -> memref<128xf32, #tpu.memory_space<vmem>>
        tpu.wait_dma2 semaphore(%arg22 : memref<!tpu.dma_semaphore, #tpu.memory_space<semaphore_mem>>) src(%dma_wait3A_415 : memref<128xf32, #tpu.memory_space<vmem>>) dst(%dma_wait3A_413 : memref<128xf32, #tpu.memory_space<hbm>>)
        %dma_wait3A_416 = arith.constant 0 : i32
        %dma_wait3A_417 = tpu.memref_slice %arg16[%dma_wait3A_416] : memref<512xi32, #tpu.memory_space<vmem>> -> memref<128xi32, #tpu.memory_space<vmem>>
        %dma_wait3A_418 = tpu.memref_slice %arg6[%add3A_394] : memref<131072xi32, #tpu.memory_space<hbm>> -> memref<128xi32, #tpu.memory_space<hbm>>
        %dma_wait3A_419 = tpu.memref_slice %arg6[%add3A_394] : memref<131072xi32, #tpu.memory_space<hbm>> -> memref<128xi32, #tpu.memory_space<hbm>>
        %dma_wait3A_420 = arith.constant 0 : i32
        %dma_wait3A_421 = tpu.memref_slice %arg16[%dma_wait3A_420] : memref<512xi32, #tpu.memory_space<vmem>> -> memref<128xi32, #tpu.memory_space<vmem>>
        tpu.wait_dma2 semaphore(%arg22 : memref<!tpu.dma_semaphore, #tpu.memory_space<semaphore_mem>>) src(%dma_wait3A_421 : memref<128xi32, #tpu.memory_space<vmem>>) dst(%dma_wait3A_419 : memref<128xi32, #tpu.memory_space<hbm>>)
        %dma_wait3A_422 = arith.constant 128 : i32
        %dma_wait3A_423 = tpu.memref_slice %arg14[%dma_wait3A_422] : memref<512xf32, #tpu.memory_space<vmem>> -> memref<128xf32, #tpu.memory_space<vmem>>
        %dma_wait3A_424 = tpu.memref_slice %arg5[%add3A_396] : memref<131072xf32, #tpu.memory_space<hbm>> -> memref<128xf32, #tpu.memory_space<hbm>>
        %dma_wait3A_425 = tpu.memref_slice %arg5[%add3A_396] : memref<131072xf32, #tpu.memory_space<hbm>> -> memref<128xf32, #tpu.memory_space<hbm>>
        %dma_wait3A_426 = arith.constant 128 : i32
        %dma_wait3A_427 = tpu.memref_slice %arg14[%dma_wait3A_426] : memref<512xf32, #tpu.memory_space<vmem>> -> memref<128xf32, #tpu.memory_space<vmem>>
        tpu.wait_dma2 semaphore(%arg22 : memref<!tpu.dma_semaphore, #tpu.memory_space<semaphore_mem>>) src(%dma_wait3A_427 : memref<128xf32, #tpu.memory_space<vmem>>) dst(%dma_wait3A_425 : memref<128xf32, #tpu.memory_space<hbm>>)
        %dma_wait3A_428 = arith.constant 128 : i32
        %dma_wait3A_429 = tpu.memref_slice %arg16[%dma_wait3A_428] : memref<512xi32, #tpu.memory_space<vmem>> -> memref<128xi32, #tpu.memory_space<vmem>>
        %dma_wait3A_430 = tpu.memref_slice %arg6[%add3A_396] : memref<131072xi32, #tpu.memory_space<hbm>> -> memref<128xi32, #tpu.memory_space<hbm>>
        %dma_wait3A_431 = tpu.memref_slice %arg6[%add3A_396] : memref<131072xi32, #tpu.memory_space<hbm>> -> memref<128xi32, #tpu.memory_space<hbm>>
        %dma_wait3A_432 = arith.constant 128 : i32
        %dma_wait3A_433 = tpu.memref_slice %arg16[%dma_wait3A_432] : memref<512xi32, #tpu.memory_space<vmem>> -> memref<128xi32, #tpu.memory_space<vmem>>
        tpu.wait_dma2 semaphore(%arg22 : memref<!tpu.dma_semaphore, #tpu.memory_space<semaphore_mem>>) src(%dma_wait3A_433 : memref<128xi32, #tpu.memory_space<vmem>>) dst(%dma_wait3A_431 : memref<128xi32, #tpu.memory_space<hbm>>)
        %dma_wait3A_434 = arith.constant 256 : i32
        %dma_wait3A_435 = tpu.memref_slice %arg14[%dma_wait3A_434] : memref<512xf32, #tpu.memory_space<vmem>> -> memref<128xf32, #tpu.memory_space<vmem>>
        %dma_wait3A_436 = tpu.memref_slice %arg5[%add3A_398] : memref<131072xf32, #tpu.memory_space<hbm>> -> memref<128xf32, #tpu.memory_space<hbm>>
        %dma_wait3A_437 = tpu.memref_slice %arg5[%add3A_398] : memref<131072xf32, #tpu.memory_space<hbm>> -> memref<128xf32, #tpu.memory_space<hbm>>
        %dma_wait3A_438 = arith.constant 256 : i32
        %dma_wait3A_439 = tpu.memref_slice %arg14[%dma_wait3A_438] : memref<512xf32, #tpu.memory_space<vmem>> -> memref<128xf32, #tpu.memory_space<vmem>>
        tpu.wait_dma2 semaphore(%arg22 : memref<!tpu.dma_semaphore, #tpu.memory_space<semaphore_mem>>) src(%dma_wait3A_439 : memref<128xf32, #tpu.memory_space<vmem>>) dst(%dma_wait3A_437 : memref<128xf32, #tpu.memory_space<hbm>>)
        %dma_wait3A_440 = arith.constant 256 : i32
        %dma_wait3A_441 = tpu.memref_slice %arg16[%dma_wait3A_440] : memref<512xi32, #tpu.memory_space<vmem>> -> memref<128xi32, #tpu.memory_space<vmem>>
        %dma_wait3A_442 = tpu.memref_slice %arg6[%add3A_398] : memref<131072xi32, #tpu.memory_space<hbm>> -> memref<128xi32, #tpu.memory_space<hbm>>
        %dma_wait3A_443 = tpu.memref_slice %arg6[%add3A_398] : memref<131072xi32, #tpu.memory_space<hbm>> -> memref<128xi32, #tpu.memory_space<hbm>>
        %dma_wait3A_444 = arith.constant 256 : i32
        %dma_wait3A_445 = tpu.memref_slice %arg16[%dma_wait3A_444] : memref<512xi32, #tpu.memory_space<vmem>> -> memref<128xi32, #tpu.memory_space<vmem>>
        tpu.wait_dma2 semaphore(%arg22 : memref<!tpu.dma_semaphore, #tpu.memory_space<semaphore_mem>>) src(%dma_wait3A_445 : memref<128xi32, #tpu.memory_space<vmem>>) dst(%dma_wait3A_443 : memref<128xi32, #tpu.memory_space<hbm>>)
        %dma_wait3A_446 = arith.constant 384 : i32
        %dma_wait3A_447 = tpu.memref_slice %arg14[%dma_wait3A_446] : memref<512xf32, #tpu.memory_space<vmem>> -> memref<128xf32, #tpu.memory_space<vmem>>
        %dma_wait3A_448 = tpu.memref_slice %arg5[%add3A_400] : memref<131072xf32, #tpu.memory_space<hbm>> -> memref<128xf32, #tpu.memory_space<hbm>>
        %dma_wait3A_449 = tpu.memref_slice %arg5[%add3A_400] : memref<131072xf32, #tpu.memory_space<hbm>> -> memref<128xf32, #tpu.memory_space<hbm>>
        %dma_wait3A_450 = arith.constant 384 : i32
        %dma_wait3A_451 = tpu.memref_slice %arg14[%dma_wait3A_450] : memref<512xf32, #tpu.memory_space<vmem>> -> memref<128xf32, #tpu.memory_space<vmem>>
        tpu.wait_dma2 semaphore(%arg22 : memref<!tpu.dma_semaphore, #tpu.memory_space<semaphore_mem>>) src(%dma_wait3A_451 : memref<128xf32, #tpu.memory_space<vmem>>) dst(%dma_wait3A_449 : memref<128xf32, #tpu.memory_space<hbm>>)
        %dma_wait3A_452 = arith.constant 384 : i32
        %dma_wait3A_453 = tpu.memref_slice %arg16[%dma_wait3A_452] : memref<512xi32, #tpu.memory_space<vmem>> -> memref<128xi32, #tpu.memory_space<vmem>>
        %dma_wait3A_454 = tpu.memref_slice %arg6[%add3A_400] : memref<131072xi32, #tpu.memory_space<hbm>> -> memref<128xi32, #tpu.memory_space<hbm>>
        %dma_wait3A_455 = tpu.memref_slice %arg6[%add3A_400] : memref<131072xi32, #tpu.memory_space<hbm>> -> memref<128xi32, #tpu.memory_space<hbm>>
        %dma_wait3A_456 = arith.constant 384 : i32
        %dma_wait3A_457 = tpu.memref_slice %arg16[%dma_wait3A_456] : memref<512xi32, #tpu.memory_space<vmem>> -> memref<128xi32, #tpu.memory_space<vmem>>
        tpu.wait_dma2 semaphore(%arg22 : memref<!tpu.dma_semaphore, #tpu.memory_space<semaphore_mem>>) src(%dma_wait3A_457 : memref<128xi32, #tpu.memory_space<vmem>>) dst(%dma_wait3A_455 : memref<128xi32, #tpu.memory_space<hbm>>)
        %dma_wait3A_458 = tpu.memref_slice %arg7[%add3A_409] : memref<524288xf32, #tpu.memory_space<hbm>> -> memref<2048xf32, #tpu.memory_space<hbm>>
        %dma_wait3A_459 = tpu.memref_slice %arg7[%add3A_409] : memref<524288xf32, #tpu.memory_space<hbm>> -> memref<2048xf32, #tpu.memory_space<hbm>>
        tpu.wait_dma2 semaphore(%arg22 : memref<!tpu.dma_semaphore, #tpu.memory_space<semaphore_mem>>) src(%arg18 : memref<2048xf32, #tpu.memory_space<vmem>>) dst(%dma_wait3A_459 : memref<2048xf32, #tpu.memory_space<hbm>>)
      } else {
      }
      %parallel_loop3A = arith.constant 0 : i32
      %parallel_loop3A_197 = arith.constant 32 : i32
      %parallel_loop3A_198 = arith.constant 1 : i32
      scf.for %parallel_loop3A_383 = %parallel_loop3A to %parallel_loop3A_197 step %parallel_loop3A_198  : i32 {
        %parallel_loop3A_384 = arith.constant 16 : i32
        %parallel_loop3A_385 = arith.muli %parallel_loop3A_383, %parallel_loop3A_384 : i32
        %parallel_loop3A_386 = arith.constant 3 : i32
        %parallel_loop3A_387 = arith.shrsi %parallel_loop3A_383, %parallel_loop3A_386 : i32
        %parallel_loop3A_388 = arith.constant 7 : i32
        %parallel_loop3A_389 = arith.andi %parallel_loop3A_383, %parallel_loop3A_388 : i32
        %parallel_loop3A_390 = arith.constant 16 : i32
        %parallel_loop3A_391 = arith.muli %parallel_loop3A_389, %parallel_loop3A_390 : i32
        %parallel_loop3A_392 = arith.constant 10240 : i32
        %parallel_loop3A_393 = arith.muli %parallel_loop3A_387, %parallel_loop3A_392 : i32
        %parallel_loop3A_394 = arith.addi %parallel_loop3A_393, %parallel_loop3A_391 : i32
        %parallel_loop3A_395 = arith.sitofp %iota3A : vector<16xi32> to vector<16xf32>
        %parallel_loop3A_396 = arith.constant 0.000000e+00 : f32
        %parallel_loop3A_397 = vector.broadcast %parallel_loop3A_396 : f32 to vector<16xf32>
        %parallel_loop3A_398 = arith.mulf %parallel_loop3A_395, %parallel_loop3A_397 : vector<16xf32>
        %parallel_loop3A_399 = arith.constant 0x7F800000 : f32
        %parallel_loop3A_400 = vector.broadcast %parallel_loop3A_399 : f32 to vector<16xf32>
        %parallel_loop3A_401 = arith.subf %parallel_loop3A_398, %parallel_loop3A_400 : vector<16xf32>
        %parallel_loop3A_402 = arith.sitofp %iota3A : vector<16xi32> to vector<16xf32>
        %parallel_loop3A_403 = arith.constant 0.000000e+00 : f32
        %parallel_loop3A_404 = vector.broadcast %parallel_loop3A_403 : f32 to vector<16xf32>
        %parallel_loop3A_405 = arith.mulf %parallel_loop3A_402, %parallel_loop3A_404 : vector<16xf32>
        %parallel_loop3A_406 = arith.constant 0 : i32
        %parallel_loop3A_407 = arith.constant 5 : i32
        %parallel_loop3A_408 = arith.constant 1 : i32
        %parallel_loop3A_409:8 = scf.for %parallel_loop3A_570 = %parallel_loop3A_406 to %parallel_loop3A_407 step %parallel_loop3A_408 iter_args(%parallel_loop3A_571 = %parallel_loop3A_401, %parallel_loop3A_572 = %parallel_loop3A_405, %parallel_loop3A_573 = %parallel_loop3A_401, %parallel_loop3A_574 = %parallel_loop3A_405, %parallel_loop3A_575 = %parallel_loop3A_401, %parallel_loop3A_576 = %parallel_loop3A_405, %parallel_loop3A_577 = %parallel_loop3A_401, %parallel_loop3A_578 = %parallel_loop3A_405) -> (vector<16xf32>, vector<16xf32>, vector<16xf32>, vector<16xf32>, vector<16xf32>, vector<16xf32>, vector<16xf32>, vector<16xf32>)  : i32 {
          %parallel_loop3A_579 = arith.constant 512 : i32
          %parallel_loop3A_580 = arith.muli %parallel_loop3A_570, %parallel_loop3A_579 : i32
          %parallel_loop3A_581 = arith.addi %parallel_loop3A_394, %parallel_loop3A_580 : i32
          %parallel_loop3A_582 = arith.constant 4 : i32
          %parallel_loop3A_583 = arith.muli %parallel_loop3A_570, %parallel_loop3A_582 : i32
          %parallel_loop3A_584 = arith.sitofp %parallel_loop3A_583 : i32 to f32
          %parallel_loop3A_585 = vector.broadcast %parallel_loop3A_584 : f32 to vector<16xf32>
          %parallel_loop3A_586 = arith.addf %parallel_loop3A_405, %parallel_loop3A_585 : vector<16xf32>
          %parallel_loop3A_587 = arith.constant 0 : i32
          %parallel_loop3A_588 = arith.addi %parallel_loop3A_581, %parallel_loop3A_587 : i32
          %parallel_loop3A_589 = arith.index_cast %parallel_loop3A_588 : i32 to index
          %parallel_loop3A_590 = tpu.vector_load %arg8[%parallel_loop3A_589] {strides = array<i32>} : memref<40960xf32, #tpu.memory_space<vmem>>, vector<16xf32>,
          %parallel_loop3A_591 = arith.constant 2560 : i32
          %parallel_loop3A_592 = arith.addi %parallel_loop3A_581, %parallel_loop3A_591 : i32
          %parallel_loop3A_593 = arith.index_cast %parallel_loop3A_592 : i32 to index
          %parallel_loop3A_594 = tpu.vector_load %arg8[%parallel_loop3A_593] {strides = array<i32>} : memref<40960xf32, #tpu.memory_space<vmem>>, vector<16xf32>,
          %parallel_loop3A_595 = arith.constant 5120 : i32
          %parallel_loop3A_596 = arith.addi %parallel_loop3A_581, %parallel_loop3A_595 : i32
          %parallel_loop3A_597 = arith.index_cast %parallel_loop3A_596 : i32 to index
          %parallel_loop3A_598 = tpu.vector_load %arg8[%parallel_loop3A_597] {strides = array<i32>} : memref<40960xf32, #tpu.memory_space<vmem>>, vector<16xf32>,
          %parallel_loop3A_599 = arith.constant 7680 : i32
          %parallel_loop3A_600 = arith.addi %parallel_loop3A_581, %parallel_loop3A_599 : i32
          %parallel_loop3A_601 = arith.index_cast %parallel_loop3A_600 : i32 to index
          %parallel_loop3A_602 = tpu.vector_load %arg8[%parallel_loop3A_601] {strides = array<i32>} : memref<40960xf32, #tpu.memory_space<vmem>>, vector<16xf32>,
          %parallel_loop3A_603 = arith.constant 0.000000e+00 : f32
          %parallel_loop3A_604 = vector.broadcast %parallel_loop3A_603 : f32 to vector<16xf32>
          %parallel_loop3A_605 = arith.addf %parallel_loop3A_586, %parallel_loop3A_604 : vector<16xf32>
          %parallel_loop3A_606 = arith.cmpf ogt, %parallel_loop3A_590, %parallel_loop3A_571 : vector<16xf32>
          %parallel_loop3A_607 = arith.cmpf ogt, %parallel_loop3A_594, %parallel_loop3A_573 : vector<16xf32>
          %parallel_loop3A_608 = arith.cmpf ogt, %parallel_loop3A_598, %parallel_loop3A_575 : vector<16xf32>
          %parallel_loop3A_609 = arith.cmpf ogt, %parallel_loop3A_602, %parallel_loop3A_577 : vector<16xf32>
          %parallel_loop3A_610 = arith.select %parallel_loop3A_606, %parallel_loop3A_590, %parallel_loop3A_571 : vector<16xi1>, vector<16xf32>
          %parallel_loop3A_611 = arith.select %parallel_loop3A_606, %parallel_loop3A_605, %parallel_loop3A_572 : vector<16xi1>, vector<16xf32>
          %parallel_loop3A_612 = arith.select %parallel_loop3A_607, %parallel_loop3A_594, %parallel_loop3A_573 : vector<16xi1>, vector<16xf32>
          %parallel_loop3A_613 = arith.select %parallel_loop3A_607, %parallel_loop3A_605, %parallel_loop3A_574 : vector<16xi1>, vector<16xf32>
          %parallel_loop3A_614 = arith.select %parallel_loop3A_608, %parallel_loop3A_598, %parallel_loop3A_575 : vector<16xi1>, vector<16xf32>
          %parallel_loop3A_615 = arith.select %parallel_loop3A_608, %parallel_loop3A_605, %parallel_loop3A_576 : vector<16xi1>, vector<16xf32>
          %parallel_loop3A_616 = arith.select %parallel_loop3A_609, %parallel_loop3A_602, %parallel_loop3A_577 : vector<16xi1>, vector<16xf32>
          %parallel_loop3A_617 = arith.select %parallel_loop3A_609, %parallel_loop3A_605, %parallel_loop3A_578 : vector<16xi1>, vector<16xf32>
          %parallel_loop3A_618 = arith.constant 128 : i32
          %parallel_loop3A_619 = arith.addi %parallel_loop3A_581, %parallel_loop3A_618 : i32
          %parallel_loop3A_620 = arith.index_cast %parallel_loop3A_619 : i32 to index
          %parallel_loop3A_621 = tpu.vector_load %arg8[%parallel_loop3A_620] {strides = array<i32>} : memref<40960xf32, #tpu.memory_space<vmem>>, vector<16xf32>,
          %parallel_loop3A_622 = arith.constant 2688 : i32
          %parallel_loop3A_623 = arith.addi %parallel_loop3A_581, %parallel_loop3A_622 : i32
          %parallel_loop3A_624 = arith.index_cast %parallel_loop3A_623 : i32 to index
          %parallel_loop3A_625 = tpu.vector_load %arg8[%parallel_loop3A_624] {strides = array<i32>} : memref<40960xf32, #tpu.memory_space<vmem>>, vector<16xf32>,
          %parallel_loop3A_626 = arith.constant 5248 : i32
          %parallel_loop3A_627 = arith.addi %parallel_loop3A_581, %parallel_loop3A_626 : i32
          %parallel_loop3A_628 = arith.index_cast %parallel_loop3A_627 : i32 to index
          %parallel_loop3A_629 = tpu.vector_load %arg8[%parallel_loop3A_628] {strides = array<i32>} : memref<40960xf32, #tpu.memory_space<vmem>>, vector<16xf32>,
          %parallel_loop3A_630 = arith.constant 7808 : i32
          %parallel_loop3A_631 = arith.addi %parallel_loop3A_581, %parallel_loop3A_630 : i32
          %parallel_loop3A_632 = arith.index_cast %parallel_loop3A_631 : i32 to index
          %parallel_loop3A_633 = tpu.vector_load %arg8[%parallel_loop3A_632] {strides = array<i32>} : memref<40960xf32, #tpu.memory_space<vmem>>, vector<16xf32>,
          %parallel_loop3A_634 = arith.constant 1.000000e+00 : f32
          %parallel_loop3A_635 = vector.broadcast %parallel_loop3A_634 : f32 to vector<16xf32>
          %parallel_loop3A_636 = arith.addf %parallel_loop3A_586, %parallel_loop3A_635 : vector<16xf32>
          %parallel_loop3A_637 = arith.cmpf ogt, %parallel_loop3A_621, %parallel_loop3A_610 : vector<16xf32>
          %parallel_loop3A_638 = arith.cmpf ogt, %parallel_loop3A_625, %parallel_loop3A_612 : vector<16xf32>
          %parallel_loop3A_639 = arith.cmpf ogt, %parallel_loop3A_629, %parallel_loop3A_614 : vector<16xf32>
          %parallel_loop3A_640 = arith.cmpf ogt, %parallel_loop3A_633, %parallel_loop3A_616 : vector<16xf32>
          %parallel_loop3A_641 = arith.select %parallel_loop3A_637, %parallel_loop3A_621, %parallel_loop3A_610 : vector<16xi1>, vector<16xf32>
          %parallel_loop3A_642 = arith.select %parallel_loop3A_637, %parallel_loop3A_636, %parallel_loop3A_611 : vector<16xi1>, vector<16xf32>
          %parallel_loop3A_643 = arith.select %parallel_loop3A_638, %parallel_loop3A_625, %parallel_loop3A_612 : vector<16xi1>, vector<16xf32>
          %parallel_loop3A_644 = arith.select %parallel_loop3A_638, %parallel_loop3A_636, %parallel_loop3A_613 : vector<16xi1>, vector<16xf32>
          %parallel_loop3A_645 = arith.select %parallel_loop3A_639, %parallel_loop3A_629, %parallel_loop3A_614 : vector<16xi1>, vector<16xf32>
          %parallel_loop3A_646 = arith.select %parallel_loop3A_639, %parallel_loop3A_636, %parallel_loop3A_615 : vector<16xi1>, vector<16xf32>
          %parallel_loop3A_647 = arith.select %parallel_loop3A_640, %parallel_loop3A_633, %parallel_loop3A_616 : vector<16xi1>, vector<16xf32>
          %parallel_loop3A_648 = arith.select %parallel_loop3A_640, %parallel_loop3A_636, %parallel_loop3A_617 : vector<16xi1>, vector<16xf32>
          %parallel_loop3A_649 = arith.constant 256 : i32
          %parallel_loop3A_650 = arith.addi %parallel_loop3A_581, %parallel_loop3A_649 : i32
          %parallel_loop3A_651 = arith.index_cast %parallel_loop3A_650 : i32 to index
          %parallel_loop3A_652 = tpu.vector_load %arg8[%parallel_loop3A_651] {strides = array<i32>} : memref<40960xf32, #tpu.memory_space<vmem>>, vector<16xf32>,
          %parallel_loop3A_653 = arith.constant 2816 : i32
          %parallel_loop3A_654 = arith.addi %parallel_loop3A_581, %parallel_loop3A_653 : i32
          %parallel_loop3A_655 = arith.index_cast %parallel_loop3A_654 : i32 to index
          %parallel_loop3A_656 = tpu.vector_load %arg8[%parallel_loop3A_655] {strides = array<i32>} : memref<40960xf32, #tpu.memory_space<vmem>>, vector<16xf32>,
          %parallel_loop3A_657 = arith.constant 5376 : i32
          %parallel_loop3A_658 = arith.addi %parallel_loop3A_581, %parallel_loop3A_657 : i32
          %parallel_loop3A_659 = arith.index_cast %parallel_loop3A_658 : i32 to index
          %parallel_loop3A_660 = tpu.vector_load %arg8[%parallel_loop3A_659] {strides = array<i32>} : memref<40960xf32, #tpu.memory_space<vmem>>, vector<16xf32>,
          %parallel_loop3A_661 = arith.constant 7936 : i32
          %parallel_loop3A_662 = arith.addi %parallel_loop3A_581, %parallel_loop3A_661 : i32
          %parallel_loop3A_663 = arith.index_cast %parallel_loop3A_662 : i32 to index
          %parallel_loop3A_664 = tpu.vector_load %arg8[%parallel_loop3A_663] {strides = array<i32>} : memref<40960xf32, #tpu.memory_space<vmem>>, vector<16xf32>,
          %parallel_loop3A_665 = arith.constant 2.000000e+00 : f32
          %parallel_loop3A_666 = vector.broadcast %parallel_loop3A_665 : f32 to vector<16xf32>
          %parallel_loop3A_667 = arith.addf %parallel_loop3A_586, %parallel_loop3A_666 : vector<16xf32>
          %parallel_loop3A_668 = arith.cmpf ogt, %parallel_loop3A_652, %parallel_loop3A_641 : vector<16xf32>
          %parallel_loop3A_669 = arith.cmpf ogt, %parallel_loop3A_656, %parallel_loop3A_643 : vector<16xf32>
          %parallel_loop3A_670 = arith.cmpf ogt, %parallel_loop3A_660, %parallel_loop3A_645 : vector<16xf32>
          %parallel_loop3A_671 = arith.cmpf ogt, %parallel_loop3A_664, %parallel_loop3A_647 : vector<16xf32>
          %parallel_loop3A_672 = arith.select %parallel_loop3A_668, %parallel_loop3A_652, %parallel_loop3A_641 : vector<16xi1>, vector<16xf32>
          %parallel_loop3A_673 = arith.select %parallel_loop3A_668, %parallel_loop3A_667, %parallel_loop3A_642 : vector<16xi1>, vector<16xf32>
          %parallel_loop3A_674 = arith.select %parallel_loop3A_669, %parallel_loop3A_656, %parallel_loop3A_643 : vector<16xi1>, vector<16xf32>
          %parallel_loop3A_675 = arith.select %parallel_loop3A_669, %parallel_loop3A_667, %parallel_loop3A_644 : vector<16xi1>, vector<16xf32>
          %parallel_loop3A_676 = arith.select %parallel_loop3A_670, %parallel_loop3A_660, %parallel_loop3A_645 : vector<16xi1>, vector<16xf32>
          %parallel_loop3A_677 = arith.select %parallel_loop3A_670, %parallel_loop3A_667, %parallel_loop3A_646 : vector<16xi1>, vector<16xf32>
          %parallel_loop3A_678 = arith.select %parallel_loop3A_671, %parallel_loop3A_664, %parallel_loop3A_647 : vector<16xi1>, vector<16xf32>
          %parallel_loop3A_679 = arith.select %parallel_loop3A_671, %parallel_loop3A_667, %parallel_loop3A_648 : vector<16xi1>, vector<16xf32>
          %parallel_loop3A_680 = arith.constant 384 : i32
          %parallel_loop3A_681 = arith.addi %parallel_loop3A_581, %parallel_loop3A_680 : i32
          %parallel_loop3A_682 = arith.index_cast %parallel_loop3A_681 : i32 to index
          %parallel_loop3A_683 = tpu.vector_load %arg8[%parallel_loop3A_682] {strides = array<i32>} : memref<40960xf32, #tpu.memory_space<vmem>>, vector<16xf32>,
          %parallel_loop3A_684 = arith.constant 2944 : i32
          %parallel_loop3A_685 = arith.addi %parallel_loop3A_581, %parallel_loop3A_684 : i32
          %parallel_loop3A_686 = arith.index_cast %parallel_loop3A_685 : i32 to index
          %parallel_loop3A_687 = tpu.vector_load %arg8[%parallel_loop3A_686] {strides = array<i32>} : memref<40960xf32, #tpu.memory_space<vmem>>, vector<16xf32>,
          %parallel_loop3A_688 = arith.constant 5504 : i32
          %parallel_loop3A_689 = arith.addi %parallel_loop3A_581, %parallel_loop3A_688 : i32
          %parallel_loop3A_690 = arith.index_cast %parallel_loop3A_689 : i32 to index
          %parallel_loop3A_691 = tpu.vector_load %arg8[%parallel_loop3A_690] {strides = array<i32>} : memref<40960xf32, #tpu.memory_space<vmem>>, vector<16xf32>,
          %parallel_loop3A_692 = arith.constant 8064 : i32
          %parallel_loop3A_693 = arith.addi %parallel_loop3A_581, %parallel_loop3A_692 : i32
          %parallel_loop3A_694 = arith.index_cast %parallel_loop3A_693 : i32 to index
          %parallel_loop3A_695 = tpu.vector_load %arg8[%parallel_loop3A_694] {strides = array<i32>} : memref<40960xf32, #tpu.memory_space<vmem>>, vector<16xf32>,
          %parallel_loop3A_696 = arith.constant 3.000000e+00 : f32
          %parallel_loop3A_697 = vector.broadcast %parallel_loop3A_696 : f32 to vector<16xf32>
          %parallel_loop3A_698 = arith.addf %parallel_loop3A_586, %parallel_loop3A_697 : vector<16xf32>
          %parallel_loop3A_699 = arith.cmpf ogt, %parallel_loop3A_683, %parallel_loop3A_672 : vector<16xf32>
          %parallel_loop3A_700 = arith.cmpf ogt, %parallel_loop3A_687, %parallel_loop3A_674 : vector<16xf32>
          %parallel_loop3A_701 = arith.cmpf ogt, %parallel_loop3A_691, %parallel_loop3A_676 : vector<16xf32>
          %parallel_loop3A_702 = arith.cmpf ogt, %parallel_loop3A_695, %parallel_loop3A_678 : vector<16xf32>
          %parallel_loop3A_703 = arith.select %parallel_loop3A_699, %parallel_loop3A_683, %parallel_loop3A_672 : vector<16xi1>, vector<16xf32>
          %parallel_loop3A_704 = arith.select %parallel_loop3A_699, %parallel_loop3A_698, %parallel_loop3A_673 : vector<16xi1>, vector<16xf32>
          %parallel_loop3A_705 = arith.select %parallel_loop3A_700, %parallel_loop3A_687, %parallel_loop3A_674 : vector<16xi1>, vector<16xf32>
          %parallel_loop3A_706 = arith.select %parallel_loop3A_700, %parallel_loop3A_698, %parallel_loop3A_675 : vector<16xi1>, vector<16xf32>
          %parallel_loop3A_707 = arith.select %parallel_loop3A_701, %parallel_loop3A_691, %parallel_loop3A_676 : vector<16xi1>, vector<16xf32>
          %parallel_loop3A_708 = arith.select %parallel_loop3A_701, %parallel_loop3A_698, %parallel_loop3A_677 : vector<16xi1>, vector<16xf32>
          %parallel_loop3A_709 = arith.select %parallel_loop3A_702, %parallel_loop3A_695, %parallel_loop3A_678 : vector<16xi1>, vector<16xf32>
          %parallel_loop3A_710 = arith.select %parallel_loop3A_702, %parallel_loop3A_698, %parallel_loop3A_679 : vector<16xi1>, vector<16xf32>
          scf.yield %parallel_loop3A_703, %parallel_loop3A_704, %parallel_loop3A_705, %parallel_loop3A_706, %parallel_loop3A_707, %parallel_loop3A_708, %parallel_loop3A_709, %parallel_loop3A_710 : vector<16xf32>, vector<16xf32>, vector<16xf32>, vector<16xf32>, vector<16xf32>, vector<16xf32>, vector<16xf32>, vector<16xf32>
        } {sc.loop_unroll_factor = 1 : i64, sc.parallel_access}
        %parallel_loop3A_410 = arith.constant 2.000000e+01 : f32
        %parallel_loop3A_411 = vector.broadcast %parallel_loop3A_410 : f32 to vector<16xf32>
        %parallel_loop3A_412 = arith.addf %parallel_loop3A_409#3, %parallel_loop3A_411 : vector<16xf32>
        %parallel_loop3A_413 = arith.constant 4.000000e+01 : f32
        %parallel_loop3A_414 = vector.broadcast %parallel_loop3A_413 : f32 to vector<16xf32>
        %parallel_loop3A_415 = arith.addf %parallel_loop3A_409#5, %parallel_loop3A_414 : vector<16xf32>
        %parallel_loop3A_416 = arith.constant 6.000000e+01 : f32
        %parallel_loop3A_417 = vector.broadcast %parallel_loop3A_416 : f32 to vector<16xf32>
        %parallel_loop3A_418 = arith.addf %parallel_loop3A_409#7, %parallel_loop3A_417 : vector<16xf32>
        %parallel_loop3A_419 = arith.cmpf ogt, %parallel_loop3A_409#2, %parallel_loop3A_409#0 : vector<16xf32>
        %parallel_loop3A_420 = arith.select %parallel_loop3A_419, %parallel_loop3A_409#2, %parallel_loop3A_409#0 : vector<16xi1>, vector<16xf32>
        %parallel_loop3A_421 = arith.select %parallel_loop3A_419, %parallel_loop3A_412, %parallel_loop3A_409#1 : vector<16xi1>, vector<16xf32>
        %parallel_loop3A_422 = arith.cmpf ogt, %parallel_loop3A_409#6, %parallel_loop3A_409#4 : vector<16xf32>
        %parallel_loop3A_423 = arith.select %parallel_loop3A_422, %parallel_loop3A_409#6, %parallel_loop3A_409#4 : vector<16xi1>, vector<16xf32>
        %parallel_loop3A_424 = arith.select %parallel_loop3A_422, %parallel_loop3A_418, %parallel_loop3A_415 : vector<16xi1>, vector<16xf32>
        %parallel_loop3A_425 = arith.cmpf ogt, %parallel_loop3A_423, %parallel_loop3A_420 : vector<16xf32>
        %parallel_loop3A_426 = arith.select %parallel_loop3A_425, %parallel_loop3A_423, %parallel_loop3A_420 : vector<16xi1>, vector<16xf32>
        %parallel_loop3A_427 = arith.select %parallel_loop3A_425, %parallel_loop3A_424, %parallel_loop3A_421 : vector<16xi1>, vector<16xf32>
        %parallel_loop3A_428 = arith.fptosi %parallel_loop3A_427 : vector<16xf32> to vector<16xi32>
        %parallel_loop3A_429 = arith.constant 128 : i32
        %parallel_loop3A_430 = arith.muli %parallel_loop3A_387, %parallel_loop3A_429 : i32
        %parallel_loop3A_431 = arith.addi %parallel_loop3A_430, %parallel_loop3A_391 : i32
        %parallel_loop3A_432 = arith.index_cast %parallel_loop3A_431 : i32 to index
        %parallel_loop3A_433 = tpu.vector_load %arg12[%parallel_loop3A_432] {strides = array<i32>} : memref<512xf32, #tpu.memory_space<vmem>>, vector<16xf32>,
        %parallel_loop3A_434 = arith.constant 0.000000e+00 : f32
        %parallel_loop3A_435 = vector.broadcast %parallel_loop3A_434 : f32 to vector<16xf32>
        %parallel_loop3A_436 = arith.subf %parallel_loop3A_435, %parallel_loop3A_433 : vector<16xf32>
        %parallel_loop3A_437 = math.exp %parallel_loop3A_436 : vector<16xf32>
        %parallel_loop3A_438 = arith.constant 1.000000e+00 : f32
        %parallel_loop3A_439 = vector.broadcast %parallel_loop3A_438 : f32 to vector<16xf32>
        %parallel_loop3A_440 = arith.addf %parallel_loop3A_439, %parallel_loop3A_437 : vector<16xf32>
        %parallel_loop3A_441 = arith.constant 1.000000e+00 : f32
        %parallel_loop3A_442 = vector.broadcast %parallel_loop3A_441 : f32 to vector<16xf32>
        %parallel_loop3A_443 = arith.divf %parallel_loop3A_442, %parallel_loop3A_440 : vector<16xf32>
        %parallel_loop3A_444 = arith.constant 0.000000e+00 : f32
        %parallel_loop3A_445 = vector.broadcast %parallel_loop3A_444 : f32 to vector<16xf32>
        %parallel_loop3A_446 = arith.subf %parallel_loop3A_445, %parallel_loop3A_426 : vector<16xf32>
        %parallel_loop3A_447 = math.exp %parallel_loop3A_446 : vector<16xf32>
        %parallel_loop3A_448 = arith.constant 1.000000e+00 : f32
        %parallel_loop3A_449 = vector.broadcast %parallel_loop3A_448 : f32 to vector<16xf32>
        %parallel_loop3A_450 = arith.addf %parallel_loop3A_449, %parallel_loop3A_447 : vector<16xf32>
        %parallel_loop3A_451 = arith.constant 1.000000e+00 : f32
        %parallel_loop3A_452 = vector.broadcast %parallel_loop3A_451 : f32 to vector<16xf32>
        %parallel_loop3A_453 = arith.divf %parallel_loop3A_452, %parallel_loop3A_450 : vector<16xf32>
        %parallel_loop3A_454 = arith.mulf %parallel_loop3A_443, %parallel_loop3A_453 : vector<16xf32>
        %parallel_loop3A_455 = vector.bitcast %parallel_loop3A_454 : vector<16xf32> to vector<16xi32>
        %parallel_loop3A_456 = arith.constant 1 : i32
        %parallel_loop3A_457 = vector.broadcast %parallel_loop3A_456 : i32 to vector<16xi32>
        %parallel_loop3A_458 = arith.shrsi %parallel_loop3A_455, %parallel_loop3A_457 : vector<16xi32>
        %parallel_loop3A_459 = arith.constant 1597463007 : i32
        %parallel_loop3A_460 = vector.broadcast %parallel_loop3A_459 : i32 to vector<16xi32>
        %parallel_loop3A_461 = arith.subi %parallel_loop3A_460, %parallel_loop3A_458 : vector<16xi32>
        %parallel_loop3A_462 = vector.bitcast %parallel_loop3A_461 : vector<16xi32> to vector<16xf32>
        %parallel_loop3A_463 = arith.constant 5.000000e-01 : f32
        %parallel_loop3A_464 = vector.broadcast %parallel_loop3A_463 : f32 to vector<16xf32>
        %parallel_loop3A_465 = arith.mulf %parallel_loop3A_464, %parallel_loop3A_454 : vector<16xf32>
        %parallel_loop3A_466 = arith.mulf %parallel_loop3A_465, %parallel_loop3A_462 : vector<16xf32>
        %parallel_loop3A_467 = arith.mulf %parallel_loop3A_466, %parallel_loop3A_462 : vector<16xf32>
        %parallel_loop3A_468 = arith.constant 1.500000e+00 : f32
        %parallel_loop3A_469 = vector.broadcast %parallel_loop3A_468 : f32 to vector<16xf32>
        %parallel_loop3A_470 = arith.subf %parallel_loop3A_469, %parallel_loop3A_467 : vector<16xf32>
        %parallel_loop3A_471 = arith.mulf %parallel_loop3A_462, %parallel_loop3A_470 : vector<16xf32>
        %parallel_loop3A_472 = arith.constant 5.000000e-01 : f32
        %parallel_loop3A_473 = vector.broadcast %parallel_loop3A_472 : f32 to vector<16xf32>
        %parallel_loop3A_474 = arith.mulf %parallel_loop3A_473, %parallel_loop3A_454 : vector<16xf32>
        %parallel_loop3A_475 = arith.mulf %parallel_loop3A_474, %parallel_loop3A_471 : vector<16xf32>
        %parallel_loop3A_476 = arith.mulf %parallel_loop3A_475, %parallel_loop3A_471 : vector<16xf32>
        %parallel_loop3A_477 = arith.constant 1.500000e+00 : f32
        %parallel_loop3A_478 = vector.broadcast %parallel_loop3A_477 : f32 to vector<16xf32>
        %parallel_loop3A_479 = arith.subf %parallel_loop3A_478, %parallel_loop3A_476 : vector<16xf32>
        %parallel_loop3A_480 = arith.mulf %parallel_loop3A_471, %parallel_loop3A_479 : vector<16xf32>
        %parallel_loop3A_481 = arith.mulf %parallel_loop3A_454, %parallel_loop3A_480 : vector<16xf32>
        %parallel_loop3A_482 = arith.constant 512 : i32
        %parallel_loop3A_483 = arith.muli %parallel_loop3A_387, %parallel_loop3A_482 : i32
        %parallel_loop3A_484 = arith.addi %parallel_loop3A_483, %parallel_loop3A_391 : i32
        %parallel_loop3A_485 = arith.index_cast %parallel_loop3A_484 : i32 to index
        %parallel_loop3A_486 = tpu.vector_load %arg10[%parallel_loop3A_485] {strides = array<i32>} : memref<2048xf32, #tpu.memory_space<vmem>>, vector<16xf32>,
        %parallel_loop3A_487 = arith.constant 128 : i32
        %parallel_loop3A_488 = arith.addi %parallel_loop3A_484, %parallel_loop3A_487 : i32
        %parallel_loop3A_489 = arith.index_cast %parallel_loop3A_488 : i32 to index
        %parallel_loop3A_490 = tpu.vector_load %arg10[%parallel_loop3A_489] {strides = array<i32>} : memref<2048xf32, #tpu.memory_space<vmem>>, vector<16xf32>,
        %parallel_loop3A_491 = arith.constant 256 : i32
        %parallel_loop3A_492 = arith.addi %parallel_loop3A_484, %parallel_loop3A_491 : i32
        %parallel_loop3A_493 = arith.index_cast %parallel_loop3A_492 : i32 to index
        %parallel_loop3A_494 = tpu.vector_load %arg10[%parallel_loop3A_493] {strides = array<i32>} : memref<2048xf32, #tpu.memory_space<vmem>>, vector<16xf32>,
        %parallel_loop3A_495 = arith.constant 384 : i32
        %parallel_loop3A_496 = arith.addi %parallel_loop3A_484, %parallel_loop3A_495 : i32
        %parallel_loop3A_497 = arith.index_cast %parallel_loop3A_496 : i32 to index
        %parallel_loop3A_498 = tpu.vector_load %arg10[%parallel_loop3A_497] {strides = array<i32>} : memref<2048xf32, #tpu.memory_space<vmem>>, vector<16xf32>,
        %parallel_loop3A_499 = math.exp %parallel_loop3A_486 : vector<16xf32>
        %parallel_loop3A_500 = math.exp %parallel_loop3A_490 : vector<16xf32>
        %parallel_loop3A_501 = math.exp %parallel_loop3A_494 : vector<16xf32>
        %parallel_loop3A_502 = math.exp %parallel_loop3A_498 : vector<16xf32>
        %parallel_loop3A_503 = arith.constant 128 : i32
        %parallel_loop3A_504 = arith.muli %add3A_176, %parallel_loop3A_503 : i32
        %parallel_loop3A_505 = arith.addi %parallel_loop3A_385, %parallel_loop3A_504 : i32
        %parallel_loop3A_506 = vector.broadcast %parallel_loop3A_505 : i32 to vector<16xi32>
        %parallel_loop3A_507 = arith.addi %iota3A, %parallel_loop3A_506 : vector<16xi32>
        %parallel_loop3A_508 = arith.constant 127 : i32
        %parallel_loop3A_509 = vector.broadcast %parallel_loop3A_508 : i32 to vector<16xi32>
        %parallel_loop3A_510 = arith.andi %parallel_loop3A_507, %parallel_loop3A_509 : vector<16xi32>
        %parallel_loop3A_511 = arith.constant 7 : i32
        %parallel_loop3A_512 = vector.broadcast %parallel_loop3A_511 : i32 to vector<16xi32>
        %parallel_loop3A_513 = arith.shrsi %parallel_loop3A_507, %parallel_loop3A_512 : vector<16xi32>
        %parallel_loop3A_514 = arith.constant 127 : i32
        %parallel_loop3A_515 = vector.broadcast %parallel_loop3A_514 : i32 to vector<16xi32>
        %parallel_loop3A_516 = arith.andi %parallel_loop3A_513, %parallel_loop3A_515 : vector<16xi32>
        %parallel_loop3A_517 = arith.sitofp %parallel_loop3A_510 : vector<16xi32> to vector<16xf32>
        %parallel_loop3A_518 = arith.constant 8.000000e+00 : f32
        %parallel_loop3A_519 = vector.broadcast %parallel_loop3A_518 : f32 to vector<16xf32>
        %parallel_loop3A_520 = arith.mulf %parallel_loop3A_517, %parallel_loop3A_519 : vector<16xf32>
        %parallel_loop3A_521 = arith.constant 4.000000e+00 : f32
        %parallel_loop3A_522 = vector.broadcast %parallel_loop3A_521 : f32 to vector<16xf32>
        %parallel_loop3A_523 = arith.addf %parallel_loop3A_520, %parallel_loop3A_522 : vector<16xf32>
        %parallel_loop3A_524 = arith.sitofp %parallel_loop3A_516 : vector<16xi32> to vector<16xf32>
        %parallel_loop3A_525 = arith.constant 8.000000e+00 : f32
        %parallel_loop3A_526 = vector.broadcast %parallel_loop3A_525 : f32 to vector<16xf32>
        %parallel_loop3A_527 = arith.mulf %parallel_loop3A_524, %parallel_loop3A_526 : vector<16xf32>
        %parallel_loop3A_528 = arith.constant 4.000000e+00 : f32
        %parallel_loop3A_529 = vector.broadcast %parallel_loop3A_528 : f32 to vector<16xf32>
        %parallel_loop3A_530 = arith.addf %parallel_loop3A_527, %parallel_loop3A_529 : vector<16xf32>
        %parallel_loop3A_531 = arith.subf %parallel_loop3A_499, %parallel_loop3A_501 : vector<16xf32>
        %parallel_loop3A_532 = arith.constant 4.000000e+00 : f32
        %parallel_loop3A_533 = vector.broadcast %parallel_loop3A_532 : f32 to vector<16xf32>
        %parallel_loop3A_534 = arith.mulf %parallel_loop3A_531, %parallel_loop3A_533 : vector<16xf32>
        %parallel_loop3A_535 = arith.subf %parallel_loop3A_523, %parallel_loop3A_534 : vector<16xf32>
        %parallel_loop3A_536 = arith.subf %parallel_loop3A_500, %parallel_loop3A_502 : vector<16xf32>
        %parallel_loop3A_537 = arith.constant 4.000000e+00 : f32
        %parallel_loop3A_538 = vector.broadcast %parallel_loop3A_537 : f32 to vector<16xf32>
        %parallel_loop3A_539 = arith.mulf %parallel_loop3A_536, %parallel_loop3A_538 : vector<16xf32>
        %parallel_loop3A_540 = arith.subf %parallel_loop3A_530, %parallel_loop3A_539 : vector<16xf32>
        %parallel_loop3A_541 = arith.addf %parallel_loop3A_499, %parallel_loop3A_501 : vector<16xf32>
        %parallel_loop3A_542 = arith.constant 8.000000e+00 : f32
        %parallel_loop3A_543 = vector.broadcast %parallel_loop3A_542 : f32 to vector<16xf32>
        %parallel_loop3A_544 = arith.mulf %parallel_loop3A_541, %parallel_loop3A_543 : vector<16xf32>
        %parallel_loop3A_545 = arith.addf %parallel_loop3A_500, %parallel_loop3A_502 : vector<16xf32>
        %parallel_loop3A_546 = arith.constant 8.000000e+00 : f32
        %parallel_loop3A_547 = vector.broadcast %parallel_loop3A_546 : f32 to vector<16xf32>
        %parallel_loop3A_548 = arith.mulf %parallel_loop3A_545, %parallel_loop3A_547 : vector<16xf32>
        %parallel_loop3A_549 = arith.index_cast %parallel_loop3A_385 : i32 to index
        %parallel_loop3A_550 = tpu.vector_load %arg14[%parallel_loop3A_549] {strides = array<i32>} : memref<512xf32, #tpu.memory_space<vmem>>, vector<16xf32>,
        tpu.vector_store %arg14[%parallel_loop3A_549], %parallel_loop3A_481 {strides = array<i32>} : memref<512xf32, #tpu.memory_space<vmem>>, vector<16xf32>,
        %parallel_loop3A_551 = arith.index_cast %parallel_loop3A_385 : i32 to index
        %parallel_loop3A_552 = tpu.vector_load %arg16[%parallel_loop3A_551] {strides = array<i32>} : memref<512xi32, #tpu.memory_space<vmem>>, vector<16xi32>,
        tpu.vector_store %arg16[%parallel_loop3A_551], %parallel_loop3A_428 {strides = array<i32>} : memref<512xi32, #tpu.memory_space<vmem>>, vector<16xi32>,
        %parallel_loop3A_553 = arith.constant 512 : i32
        %parallel_loop3A_554 = arith.muli %parallel_loop3A_387, %parallel_loop3A_553 : i32
        %parallel_loop3A_555 = arith.addi %parallel_loop3A_554, %parallel_loop3A_391 : i32
        %parallel_loop3A_556 = arith.index_cast %parallel_loop3A_555 : i32 to index
        %parallel_loop3A_557 = tpu.vector_load %arg18[%parallel_loop3A_556] {strides = array<i32>} : memref<2048xf32, #tpu.memory_space<vmem>>, vector<16xf32>,
        tpu.vector_store %arg18[%parallel_loop3A_556], %parallel_loop3A_535 {strides = array<i32>} : memref<2048xf32, #tpu.memory_space<vmem>>, vector<16xf32>,
        %parallel_loop3A_558 = arith.constant 128 : i32
        %parallel_loop3A_559 = arith.addi %parallel_loop3A_555, %parallel_loop3A_558 : i32
        %parallel_loop3A_560 = arith.index_cast %parallel_loop3A_559 : i32 to index
        %parallel_loop3A_561 = tpu.vector_load %arg18[%parallel_loop3A_560] {strides = array<i32>} : memref<2048xf32, #tpu.memory_space<vmem>>, vector<16xf32>,
        tpu.vector_store %arg18[%parallel_loop3A_560], %parallel_loop3A_540 {strides = array<i32>} : memref<2048xf32, #tpu.memory_space<vmem>>, vector<16xf32>,
        %parallel_loop3A_562 = arith.constant 256 : i32
        %parallel_loop3A_563 = arith.addi %parallel_loop3A_555, %parallel_loop3A_562 : i32
        %parallel_loop3A_564 = arith.index_cast %parallel_loop3A_563 : i32 to index
        %parallel_loop3A_565 = tpu.vector_load %arg18[%parallel_loop3A_564] {strides = array<i32>} : memref<2048xf32, #tpu.memory_space<vmem>>, vector<16xf32>,
        tpu.vector_store %arg18[%parallel_loop3A_564], %parallel_loop3A_544 {strides = array<i32>} : memref<2048xf32, #tpu.memory_space<vmem>>, vector<16xf32>,
        %parallel_loop3A_566 = arith.constant 384 : i32
        %parallel_loop3A_567 = arith.addi %parallel_loop3A_555, %parallel_loop3A_566 : i32
        %parallel_loop3A_568 = arith.index_cast %parallel_loop3A_567 : i32 to index
        %parallel_loop3A_569 = tpu.vector_load %arg18[%parallel_loop3A_568] {strides = array<i32>} : memref<2048xf32, #tpu.memory_space<vmem>>, vector<16xf32>,
        tpu.vector_store %arg18[%parallel_loop3A_568], %parallel_loop3A_548 {strides = array<i32>} : memref<2048xf32, #tpu.memory_space<vmem>>, vector<16xf32>,
      } {sc.loop_unroll_factor = 2 : i64, sc.parallel_access}
      %shift_right_arithmetic3A_199 = arith.constant 7 : i32
      %shift_right_arithmetic3A_200 = arith.shrsi %add3A_176, %shift_right_arithmetic3A_199 : i32
      %and3A_201 = arith.constant 127 : i32
      %and3A_202 = arith.andi %add3A_176, %and3A_201 : i32
      %mul3A_203 = arith.constant 1024 : i32
      %mul3A_204 = arith.muli %and3A_202, %mul3A_203 : i32
      %mul3A_205 = arith.constant 128 : i32
      %mul3A_206 = arith.muli %shift_right_arithmetic3A_200, %mul3A_205 : i32
      %add3A_207 = arith.addi %mul3A_204, %mul3A_206 : i32
      %add3A_208 = arith.constant 0 : i32
      %add3A_209 = arith.addi %add3A_207, %add3A_208 : i32
      %dma_start3A_210 = arith.constant 0 : i32
      %dma_start3A_211 = tpu.memref_slice %arg14[%dma_start3A_210] : memref<512xf32, #tpu.memory_space<vmem>> -> memref<128xf32, #tpu.memory_space<vmem>>
      %dma_start3A_212 = tpu.memref_slice %arg5[%add3A_209] : memref<131072xf32, #tpu.memory_space<hbm>> -> memref<128xf32, #tpu.memory_space<hbm>>
      %dma_start3A_213 = tpu.memref_slice %arg5[%add3A_209] : memref<131072xf32, #tpu.memory_space<hbm>> -> memref<128xf32, #tpu.memory_space<hbm>>
      %dma_start3A_214 = arith.constant 0 : i32
      %dma_start3A_215 = tpu.memref_slice %arg14[%dma_start3A_214] : memref<512xf32, #tpu.memory_space<vmem>> -> memref<128xf32, #tpu.memory_space<vmem>>
      tpu.enqueue_dma source(%dma_start3A_215 : memref<128xf32, #tpu.memory_space<vmem>>) target(%dma_start3A_213 : memref<128xf32, #tpu.memory_space<hbm>>) target_semaphore(%arg22 : memref<!tpu.dma_semaphore, #tpu.memory_space<semaphore_mem>>)
      %dma_start3A_216 = arith.constant 0 : i32
      %dma_start3A_217 = tpu.memref_slice %arg16[%dma_start3A_216] : memref<512xi32, #tpu.memory_space<vmem>> -> memref<128xi32, #tpu.memory_space<vmem>>
      %dma_start3A_218 = tpu.memref_slice %arg6[%add3A_209] : memref<131072xi32, #tpu.memory_space<hbm>> -> memref<128xi32, #tpu.memory_space<hbm>>
      %dma_start3A_219 = tpu.memref_slice %arg6[%add3A_209] : memref<131072xi32, #tpu.memory_space<hbm>> -> memref<128xi32, #tpu.memory_space<hbm>>
      %dma_start3A_220 = arith.constant 0 : i32
      %dma_start3A_221 = tpu.memref_slice %arg16[%dma_start3A_220] : memref<512xi32, #tpu.memory_space<vmem>> -> memref<128xi32, #tpu.memory_space<vmem>>
      tpu.enqueue_dma source(%dma_start3A_221 : memref<128xi32, #tpu.memory_space<vmem>>) target(%dma_start3A_219 : memref<128xi32, #tpu.memory_space<hbm>>) target_semaphore(%arg22 : memref<!tpu.dma_semaphore, #tpu.memory_space<semaphore_mem>>)
      %add3A_222 = arith.constant 1024 : i32
      %add3A_223 = arith.addi %add3A_207, %add3A_222 : i32
      %dma_start3A_224 = arith.constant 128 : i32
      %dma_start3A_225 = tpu.memref_slice %arg14[%dma_start3A_224] : memref<512xf32, #tpu.memory_space<vmem>> -> memref<128xf32, #tpu.memory_space<vmem>>
      %dma_start3A_226 = tpu.memref_slice %arg5[%add3A_223] : memref<131072xf32, #tpu.memory_space<hbm>> -> memref<128xf32, #tpu.memory_space<hbm>>
      %dma_start3A_227 = tpu.memref_slice %arg5[%add3A_223] : memref<131072xf32, #tpu.memory_space<hbm>> -> memref<128xf32, #tpu.memory_space<hbm>>
      %dma_start3A_228 = arith.constant 128 : i32
      %dma_start3A_229 = tpu.memref_slice %arg14[%dma_start3A_228] : memref<512xf32, #tpu.memory_space<vmem>> -> memref<128xf32, #tpu.memory_space<vmem>>
      tpu.enqueue_dma source(%dma_start3A_229 : memref<128xf32, #tpu.memory_space<vmem>>) target(%dma_start3A_227 : memref<128xf32, #tpu.memory_space<hbm>>) target_semaphore(%arg22 : memref<!tpu.dma_semaphore, #tpu.memory_space<semaphore_mem>>)
      %dma_start3A_230 = arith.constant 128 : i32
      %dma_start3A_231 = tpu.memref_slice %arg16[%dma_start3A_230] : memref<512xi32, #tpu.memory_space<vmem>> -> memref<128xi32, #tpu.memory_space<vmem>>
      %dma_start3A_232 = tpu.memref_slice %arg6[%add3A_223] : memref<131072xi32, #tpu.memory_space<hbm>> -> memref<128xi32, #tpu.memory_space<hbm>>
      %dma_start3A_233 = tpu.memref_slice %arg6[%add3A_223] : memref<131072xi32, #tpu.memory_space<hbm>> -> memref<128xi32, #tpu.memory_space<hbm>>
      %dma_start3A_234 = arith.constant 128 : i32
      %dma_start3A_235 = tpu.memref_slice %arg16[%dma_start3A_234] : memref<512xi32, #tpu.memory_space<vmem>> -> memref<128xi32, #tpu.memory_space<vmem>>
      tpu.enqueue_dma source(%dma_start3A_235 : memref<128xi32, #tpu.memory_space<vmem>>) target(%dma_start3A_233 : memref<128xi32, #tpu.memory_space<hbm>>) target_semaphore(%arg22 : memref<!tpu.dma_semaphore, #tpu.memory_space<semaphore_mem>>)
      %add3A_236 = arith.constant 2048 : i32
      %add3A_237 = arith.addi %add3A_207, %add3A_236 : i32
      %dma_start3A_238 = arith.constant 256 : i32
      %dma_start3A_239 = tpu.memref_slice %arg14[%dma_start3A_238] : memref<512xf32, #tpu.memory_space<vmem>> -> memref<128xf32, #tpu.memory_space<vmem>>
      %dma_start3A_240 = tpu.memref_slice %arg5[%add3A_237] : memref<131072xf32, #tpu.memory_space<hbm>> -> memref<128xf32, #tpu.memory_space<hbm>>
      %dma_start3A_241 = tpu.memref_slice %arg5[%add3A_237] : memref<131072xf32, #tpu.memory_space<hbm>> -> memref<128xf32, #tpu.memory_space<hbm>>
      %dma_start3A_242 = arith.constant 256 : i32
      %dma_start3A_243 = tpu.memref_slice %arg14[%dma_start3A_242] : memref<512xf32, #tpu.memory_space<vmem>> -> memref<128xf32, #tpu.memory_space<vmem>>
      tpu.enqueue_dma source(%dma_start3A_243 : memref<128xf32, #tpu.memory_space<vmem>>) target(%dma_start3A_241 : memref<128xf32, #tpu.memory_space<hbm>>) target_semaphore(%arg22 : memref<!tpu.dma_semaphore, #tpu.memory_space<semaphore_mem>>)
      %dma_start3A_244 = arith.constant 256 : i32
      %dma_start3A_245 = tpu.memref_slice %arg16[%dma_start3A_244] : memref<512xi32, #tpu.memory_space<vmem>> -> memref<128xi32, #tpu.memory_space<vmem>>
      %dma_start3A_246 = tpu.memref_slice %arg6[%add3A_237] : memref<131072xi32, #tpu.memory_space<hbm>> -> memref<128xi32, #tpu.memory_space<hbm>>
      %dma_start3A_247 = tpu.memref_slice %arg6[%add3A_237] : memref<131072xi32, #tpu.memory_space<hbm>> -> memref<128xi32, #tpu.memory_space<hbm>>
      %dma_start3A_248 = arith.constant 256 : i32
      %dma_start3A_249 = tpu.memref_slice %arg16[%dma_start3A_248] : memref<512xi32, #tpu.memory_space<vmem>> -> memref<128xi32, #tpu.memory_space<vmem>>
      tpu.enqueue_dma source(%dma_start3A_249 : memref<128xi32, #tpu.memory_space<vmem>>) target(%dma_start3A_247 : memref<128xi32, #tpu.memory_space<hbm>>) target_semaphore(%arg22 : memref<!tpu.dma_semaphore, #tpu.memory_space<semaphore_mem>>)
      %add3A_250 = arith.constant 3072 : i32
      %add3A_251 = arith.addi %add3A_207, %add3A_250 : i32
      %dma_start3A_252 = arith.constant 384 : i32
      %dma_start3A_253 = tpu.memref_slice %arg14[%dma_start3A_252] : memref<512xf32, #tpu.memory_space<vmem>> -> memref<128xf32, #tpu.memory_space<vmem>>
      %dma_start3A_254 = tpu.memref_slice %arg5[%add3A_251] : memref<131072xf32, #tpu.memory_space<hbm>> -> memref<128xf32, #tpu.memory_space<hbm>>
      %dma_start3A_255 = tpu.memref_slice %arg5[%add3A_251] : memref<131072xf32, #tpu.memory_space<hbm>> -> memref<128xf32, #tpu.memory_space<hbm>>
      %dma_start3A_256 = arith.constant 384 : i32
      %dma_start3A_257 = tpu.memref_slice %arg14[%dma_start3A_256] : memref<512xf32, #tpu.memory_space<vmem>> -> memref<128xf32, #tpu.memory_space<vmem>>
      tpu.enqueue_dma source(%dma_start3A_257 : memref<128xf32, #tpu.memory_space<vmem>>) target(%dma_start3A_255 : memref<128xf32, #tpu.memory_space<hbm>>) target_semaphore(%arg22 : memref<!tpu.dma_semaphore, #tpu.memory_space<semaphore_mem>>)
      %dma_start3A_258 = arith.constant 384 : i32
      %dma_start3A_259 = tpu.memref_slice %arg16[%dma_start3A_258] : memref<512xi32, #tpu.memory_space<vmem>> -> memref<128xi32, #tpu.memory_space<vmem>>
      %dma_start3A_260 = tpu.memref_slice %arg6[%add3A_251] : memref<131072xi32, #tpu.memory_space<hbm>> -> memref<128xi32, #tpu.memory_space<hbm>>
      %dma_start3A_261 = tpu.memref_slice %arg6[%add3A_251] : memref<131072xi32, #tpu.memory_space<hbm>> -> memref<128xi32, #tpu.memory_space<hbm>>
      %dma_start3A_262 = arith.constant 384 : i32
      %dma_start3A_263 = tpu.memref_slice %arg16[%dma_start3A_262] : memref<512xi32, #tpu.memory_space<vmem>> -> memref<128xi32, #tpu.memory_space<vmem>>
      tpu.enqueue_dma source(%dma_start3A_263 : memref<128xi32, #tpu.memory_space<vmem>>) target(%dma_start3A_261 : memref<128xi32, #tpu.memory_space<hbm>>) target_semaphore(%arg22 : memref<!tpu.dma_semaphore, #tpu.memory_space<semaphore_mem>>)
      %mul3A_264 = arith.constant 4 : i32
      %mul3A_265 = arith.muli %shift_right_arithmetic3A_200, %mul3A_264 : i32
      %mul3A_266 = arith.constant 16384 : i32
      %mul3A_267 = arith.muli %mul3A_265, %mul3A_266 : i32
      %mul3A_268 = arith.constant 4 : i32
      %mul3A_269 = arith.muli %and3A_202, %mul3A_268 : i32
      %mul3A_270 = arith.constant 128 : i32
      %mul3A_271 = arith.muli %mul3A_269, %mul3A_270 : i32
      %add3A_272 = arith.addi %mul3A_267, %mul3A_271 : i32
      %dma_start3A_273 = tpu.memref_slice %arg7[%add3A_272] : memref<524288xf32, #tpu.memory_space<hbm>> -> memref<2048xf32, #tpu.memory_space<hbm>>
      %dma_start3A_274 = tpu.memref_slice %arg7[%add3A_272] : memref<524288xf32, #tpu.memory_space<hbm>> -> memref<2048xf32, #tpu.memory_space<hbm>>
      tpu.enqueue_dma source(%arg18 : memref<2048xf32, #tpu.memory_space<vmem>>) target(%dma_start3A_274 : memref<2048xf32, #tpu.memory_space<hbm>>) target_semaphore(%arg22 : memref<!tpu.dma_semaphore, #tpu.memory_space<semaphore_mem>>)
      %add3A_275 = arith.constant 1 : i32
      %add3A_276 = arith.addi %mul3A_173, %add3A_275 : i32
      %mul3A_277 = arith.constant 4 : i32
      %mul3A_278 = arith.muli %add3A_276, %mul3A_277 : i32
      %add3A_279 = arith.addi %mul3A_2, %mul3A_278 : i32
      %add3A_280 = arith.constant 1 : i32
      %add3A_281 = arith.addi %add3A_276, %add3A_280 : i32
      %lt3A_282 = arith.constant 8 : i32
      %lt3A_283 = arith.cmpi slt, %add3A_281, %lt3A_282 : i32
      %convert_element_type3A_284 = arith.extui %lt3A_283 : i1 to i32
      %cond3A_285 = arith.constant 0 : i32
      %cond3A_286 = arith.cmpi ne, %convert_element_type3A_284, %cond3A_285 : i32
      scf.if %cond3A_286 {
        %add3A_383 = arith.constant 4 : i32
        %add3A_384 = arith.addi %add3A_279, %add3A_383 : i32
        %mul3A_385 = arith.constant 10240 : i32
        %mul3A_386 = arith.muli %add3A_384, %mul3A_385 : i32
        %dma_start3A_387 = tpu.memref_slice %arg2[%mul3A_386] : memref<10485760xf32, #tpu.memory_space<hbm>> -> memref<40960xf32, #tpu.memory_space<hbm>>
        %dma_start3A_388 = tpu.memref_slice %arg2[%mul3A_386] : memref<10485760xf32, #tpu.memory_space<hbm>> -> memref<40960xf32, #tpu.memory_space<hbm>>
        tpu.enqueue_dma source(%dma_start3A_388 : memref<40960xf32, #tpu.memory_space<hbm>>) target(%arg8 : memref<40960xf32, #tpu.memory_space<vmem>>) target_semaphore(%arg20 : memref<!tpu.dma_semaphore, #tpu.memory_space<semaphore_mem>>)
        %mul3A_389 = arith.constant 512 : i32
        %mul3A_390 = arith.muli %add3A_384, %mul3A_389 : i32
        %dma_start3A_391 = tpu.memref_slice %arg3[%mul3A_390] : memref<524288xf32, #tpu.memory_space<hbm>> -> memref<2048xf32, #tpu.memory_space<hbm>>
        %dma_start3A_392 = tpu.memref_slice %arg3[%mul3A_390] : memref<524288xf32, #tpu.memory_space<hbm>> -> memref<2048xf32, #tpu.memory_space<hbm>>
        tpu.enqueue_dma source(%dma_start3A_392 : memref<2048xf32, #tpu.memory_space<hbm>>) target(%arg10 : memref<2048xf32, #tpu.memory_space<vmem>>) target_semaphore(%arg20 : memref<!tpu.dma_semaphore, #tpu.memory_space<semaphore_mem>>)
        %mul3A_393 = arith.constant 128 : i32
        %mul3A_394 = arith.muli %add3A_384, %mul3A_393 : i32
        %dma_start3A_395 = tpu.memref_slice %arg4[%mul3A_394] : memref<131072xf32, #tpu.memory_space<hbm>> -> memref<512xf32, #tpu.memory_space<hbm>>
        %dma_start3A_396 = tpu.memref_slice %arg4[%mul3A_394] : memref<131072xf32, #tpu.memory_space<hbm>> -> memref<512xf32, #tpu.memory_space<hbm>>
        tpu.enqueue_dma source(%dma_start3A_396 : memref<512xf32, #tpu.memory_space<hbm>>) target(%arg12 : memref<512xf32, #tpu.memory_space<vmem>>) target_semaphore(%arg20 : memref<!tpu.dma_semaphore, #tpu.memory_space<semaphore_mem>>)
      } else {
      }
      %mul3A_287 = arith.constant 10240 : i32
      %mul3A_288 = arith.muli %add3A_279, %mul3A_287 : i32
      %mul3A_289 = arith.constant 512 : i32
      %mul3A_290 = arith.muli %add3A_279, %mul3A_289 : i32
      %mul3A_291 = arith.constant 128 : i32
      %mul3A_292 = arith.muli %add3A_279, %mul3A_291 : i32
      %dma_wait3A_293 = tpu.memref_slice %arg2[%mul3A_288] : memref<10485760xf32, #tpu.memory_space<hbm>> -> memref<40960xf32, #tpu.memory_space<hbm>>
      %dma_wait3A_294 = tpu.memref_slice %arg2[%mul3A_288] : memref<10485760xf32, #tpu.memory_space<hbm>> -> memref<40960xf32, #tpu.memory_space<hbm>>
      tpu.wait_dma2 semaphore(%arg21 : memref<!tpu.dma_semaphore, #tpu.memory_space<semaphore_mem>>) src(%dma_wait3A_294 : memref<40960xf32, #tpu.memory_space<hbm>>) dst(%arg9 : memref<40960xf32, #tpu.memory_space<vmem>>)
      %dma_wait3A_295 = tpu.memref_slice %arg3[%mul3A_290] : memref<524288xf32, #tpu.memory_space<hbm>> -> memref<2048xf32, #tpu.memory_space<hbm>>
      %dma_wait3A_296 = tpu.memref_slice %arg3[%mul3A_290] : memref<524288xf32, #tpu.memory_space<hbm>> -> memref<2048xf32, #tpu.memory_space<hbm>>
      tpu.wait_dma2 semaphore(%arg21 : memref<!tpu.dma_semaphore, #tpu.memory_space<semaphore_mem>>) src(%dma_wait3A_296 : memref<2048xf32, #tpu.memory_space<hbm>>) dst(%arg11 : memref<2048xf32, #tpu.memory_space<vmem>>)
      %dma_wait3A_297 = tpu.memref_slice %arg4[%mul3A_292] : memref<131072xf32, #tpu.memory_space<hbm>> -> memref<512xf32, #tpu.memory_space<hbm>>
      %dma_wait3A_298 = tpu.memref_slice %arg4[%mul3A_292] : memref<131072xf32, #tpu.memory_space<hbm>> -> memref<512xf32, #tpu.memory_space<hbm>>
      tpu.wait_dma2 semaphore(%arg21 : memref<!tpu.dma_semaphore, #tpu.memory_space<semaphore_mem>>) src(%dma_wait3A_298 : memref<512xf32, #tpu.memory_space<hbm>>) dst(%arg13 : memref<512xf32, #tpu.memory_space<vmem>>)
      %ge3A_299 = arith.constant 2 : i32
      %ge3A_300 = arith.cmpi sge, %add3A_276, %ge3A_299 : i32
      %convert_element_type3A_301 = arith.extui %ge3A_300 : i1 to i32
      %cond3A_302 = arith.constant 0 : i32
      %cond3A_303 = arith.cmpi ne, %convert_element_type3A_301, %cond3A_302 : i32
      scf.if %cond3A_303 {
        %sub3A = arith.constant 8 : i32
        %sub3A_383 = arith.subi %add3A_279, %sub3A : i32
        %shift_right_arithmetic3A_384 = arith.constant 7 : i32
        %shift_right_arithmetic3A_385 = arith.shrsi %sub3A_383, %shift_right_arithmetic3A_384 : i32
        %and3A_386 = arith.constant 127 : i32
        %and3A_387 = arith.andi %sub3A_383, %and3A_386 : i32
        %mul3A_388 = arith.constant 1024 : i32
        %mul3A_389 = arith.muli %and3A_387, %mul3A_388 : i32
        %mul3A_390 = arith.constant 128 : i32
        %mul3A_391 = arith.muli %shift_right_arithmetic3A_385, %mul3A_390 : i32
        %add3A_392 = arith.addi %mul3A_389, %mul3A_391 : i32
        %add3A_393 = arith.constant 0 : i32
        %add3A_394 = arith.addi %add3A_392, %add3A_393 : i32
        %add3A_395 = arith.constant 1024 : i32
        %add3A_396 = arith.addi %add3A_392, %add3A_395 : i32
        %add3A_397 = arith.constant 2048 : i32
        %add3A_398 = arith.addi %add3A_392, %add3A_397 : i32
        %add3A_399 = arith.constant 3072 : i32
        %add3A_400 = arith.addi %add3A_392, %add3A_399 : i32
        %mul3A_401 = arith.constant 4 : i32
        %mul3A_402 = arith.muli %shift_right_arithmetic3A_385, %mul3A_401 : i32
        %mul3A_403 = arith.constant 16384 : i32
        %mul3A_404 = arith.muli %mul3A_402, %mul3A_403 : i32
        %mul3A_405 = arith.constant 4 : i32
        %mul3A_406 = arith.muli %and3A_387, %mul3A_405 : i32
        %mul3A_407 = arith.constant 128 : i32
        %mul3A_408 = arith.muli %mul3A_406, %mul3A_407 : i32
        %add3A_409 = arith.addi %mul3A_404, %mul3A_408 : i32
        %dma_wait3A_410 = arith.constant 0 : i32
        %dma_wait3A_411 = tpu.memref_slice %arg15[%dma_wait3A_410] : memref<512xf32, #tpu.memory_space<vmem>> -> memref<128xf32, #tpu.memory_space<vmem>>
        %dma_wait3A_412 = tpu.memref_slice %arg5[%add3A_394] : memref<131072xf32, #tpu.memory_space<hbm>> -> memref<128xf32, #tpu.memory_space<hbm>>
        %dma_wait3A_413 = tpu.memref_slice %arg5[%add3A_394] : memref<131072xf32, #tpu.memory_space<hbm>> -> memref<128xf32, #tpu.memory_space<hbm>>
        %dma_wait3A_414 = arith.constant 0 : i32
        %dma_wait3A_415 = tpu.memref_slice %arg15[%dma_wait3A_414] : memref<512xf32, #tpu.memory_space<vmem>> -> memref<128xf32, #tpu.memory_space<vmem>>
        tpu.wait_dma2 semaphore(%arg23 : memref<!tpu.dma_semaphore, #tpu.memory_space<semaphore_mem>>) src(%dma_wait3A_415 : memref<128xf32, #tpu.memory_space<vmem>>) dst(%dma_wait3A_413 : memref<128xf32, #tpu.memory_space<hbm>>)
        %dma_wait3A_416 = arith.constant 0 : i32
        %dma_wait3A_417 = tpu.memref_slice %arg17[%dma_wait3A_416] : memref<512xi32, #tpu.memory_space<vmem>> -> memref<128xi32, #tpu.memory_space<vmem>>
        %dma_wait3A_418 = tpu.memref_slice %arg6[%add3A_394] : memref<131072xi32, #tpu.memory_space<hbm>> -> memref<128xi32, #tpu.memory_space<hbm>>
        %dma_wait3A_419 = tpu.memref_slice %arg6[%add3A_394] : memref<131072xi32, #tpu.memory_space<hbm>> -> memref<128xi32, #tpu.memory_space<hbm>>
        %dma_wait3A_420 = arith.constant 0 : i32
        %dma_wait3A_421 = tpu.memref_slice %arg17[%dma_wait3A_420] : memref<512xi32, #tpu.memory_space<vmem>> -> memref<128xi32, #tpu.memory_space<vmem>>
        tpu.wait_dma2 semaphore(%arg23 : memref<!tpu.dma_semaphore, #tpu.memory_space<semaphore_mem>>) src(%dma_wait3A_421 : memref<128xi32, #tpu.memory_space<vmem>>) dst(%dma_wait3A_419 : memref<128xi32, #tpu.memory_space<hbm>>)
        %dma_wait3A_422 = arith.constant 128 : i32
        %dma_wait3A_423 = tpu.memref_slice %arg15[%dma_wait3A_422] : memref<512xf32, #tpu.memory_space<vmem>> -> memref<128xf32, #tpu.memory_space<vmem>>
        %dma_wait3A_424 = tpu.memref_slice %arg5[%add3A_396] : memref<131072xf32, #tpu.memory_space<hbm>> -> memref<128xf32, #tpu.memory_space<hbm>>
        %dma_wait3A_425 = tpu.memref_slice %arg5[%add3A_396] : memref<131072xf32, #tpu.memory_space<hbm>> -> memref<128xf32, #tpu.memory_space<hbm>>
        %dma_wait3A_426 = arith.constant 128 : i32
        %dma_wait3A_427 = tpu.memref_slice %arg15[%dma_wait3A_426] : memref<512xf32, #tpu.memory_space<vmem>> -> memref<128xf32, #tpu.memory_space<vmem>>
        tpu.wait_dma2 semaphore(%arg23 : memref<!tpu.dma_semaphore, #tpu.memory_space<semaphore_mem>>) src(%dma_wait3A_427 : memref<128xf32, #tpu.memory_space<vmem>>) dst(%dma_wait3A_425 : memref<128xf32, #tpu.memory_space<hbm>>)
        %dma_wait3A_428 = arith.constant 128 : i32
        %dma_wait3A_429 = tpu.memref_slice %arg17[%dma_wait3A_428] : memref<512xi32, #tpu.memory_space<vmem>> -> memref<128xi32, #tpu.memory_space<vmem>>
        %dma_wait3A_430 = tpu.memref_slice %arg6[%add3A_396] : memref<131072xi32, #tpu.memory_space<hbm>> -> memref<128xi32, #tpu.memory_space<hbm>>
        %dma_wait3A_431 = tpu.memref_slice %arg6[%add3A_396] : memref<131072xi32, #tpu.memory_space<hbm>> -> memref<128xi32, #tpu.memory_space<hbm>>
        %dma_wait3A_432 = arith.constant 128 : i32
        %dma_wait3A_433 = tpu.memref_slice %arg17[%dma_wait3A_432] : memref<512xi32, #tpu.memory_space<vmem>> -> memref<128xi32, #tpu.memory_space<vmem>>
        tpu.wait_dma2 semaphore(%arg23 : memref<!tpu.dma_semaphore, #tpu.memory_space<semaphore_mem>>) src(%dma_wait3A_433 : memref<128xi32, #tpu.memory_space<vmem>>) dst(%dma_wait3A_431 : memref<128xi32, #tpu.memory_space<hbm>>)
        %dma_wait3A_434 = arith.constant 256 : i32
        %dma_wait3A_435 = tpu.memref_slice %arg15[%dma_wait3A_434] : memref<512xf32, #tpu.memory_space<vmem>> -> memref<128xf32, #tpu.memory_space<vmem>>
        %dma_wait3A_436 = tpu.memref_slice %arg5[%add3A_398] : memref<131072xf32, #tpu.memory_space<hbm>> -> memref<128xf32, #tpu.memory_space<hbm>>
        %dma_wait3A_437 = tpu.memref_slice %arg5[%add3A_398] : memref<131072xf32, #tpu.memory_space<hbm>> -> memref<128xf32, #tpu.memory_space<hbm>>
        %dma_wait3A_438 = arith.constant 256 : i32
        %dma_wait3A_439 = tpu.memref_slice %arg15[%dma_wait3A_438] : memref<512xf32, #tpu.memory_space<vmem>> -> memref<128xf32, #tpu.memory_space<vmem>>
        tpu.wait_dma2 semaphore(%arg23 : memref<!tpu.dma_semaphore, #tpu.memory_space<semaphore_mem>>) src(%dma_wait3A_439 : memref<128xf32, #tpu.memory_space<vmem>>) dst(%dma_wait3A_437 : memref<128xf32, #tpu.memory_space<hbm>>)
        %dma_wait3A_440 = arith.constant 256 : i32
        %dma_wait3A_441 = tpu.memref_slice %arg17[%dma_wait3A_440] : memref<512xi32, #tpu.memory_space<vmem>> -> memref<128xi32, #tpu.memory_space<vmem>>
        %dma_wait3A_442 = tpu.memref_slice %arg6[%add3A_398] : memref<131072xi32, #tpu.memory_space<hbm>> -> memref<128xi32, #tpu.memory_space<hbm>>
        %dma_wait3A_443 = tpu.memref_slice %arg6[%add3A_398] : memref<131072xi32, #tpu.memory_space<hbm>> -> memref<128xi32, #tpu.memory_space<hbm>>
        %dma_wait3A_444 = arith.constant 256 : i32
        %dma_wait3A_445 = tpu.memref_slice %arg17[%dma_wait3A_444] : memref<512xi32, #tpu.memory_space<vmem>> -> memref<128xi32, #tpu.memory_space<vmem>>
        tpu.wait_dma2 semaphore(%arg23 : memref<!tpu.dma_semaphore, #tpu.memory_space<semaphore_mem>>) src(%dma_wait3A_445 : memref<128xi32, #tpu.memory_space<vmem>>) dst(%dma_wait3A_443 : memref<128xi32, #tpu.memory_space<hbm>>)
        %dma_wait3A_446 = arith.constant 384 : i32
        %dma_wait3A_447 = tpu.memref_slice %arg15[%dma_wait3A_446] : memref<512xf32, #tpu.memory_space<vmem>> -> memref<128xf32, #tpu.memory_space<vmem>>
        %dma_wait3A_448 = tpu.memref_slice %arg5[%add3A_400] : memref<131072xf32, #tpu.memory_space<hbm>> -> memref<128xf32, #tpu.memory_space<hbm>>
        %dma_wait3A_449 = tpu.memref_slice %arg5[%add3A_400] : memref<131072xf32, #tpu.memory_space<hbm>> -> memref<128xf32, #tpu.memory_space<hbm>>
        %dma_wait3A_450 = arith.constant 384 : i32
        %dma_wait3A_451 = tpu.memref_slice %arg15[%dma_wait3A_450] : memref<512xf32, #tpu.memory_space<vmem>> -> memref<128xf32, #tpu.memory_space<vmem>>
        tpu.wait_dma2 semaphore(%arg23 : memref<!tpu.dma_semaphore, #tpu.memory_space<semaphore_mem>>) src(%dma_wait3A_451 : memref<128xf32, #tpu.memory_space<vmem>>) dst(%dma_wait3A_449 : memref<128xf32, #tpu.memory_space<hbm>>)
        %dma_wait3A_452 = arith.constant 384 : i32
        %dma_wait3A_453 = tpu.memref_slice %arg17[%dma_wait3A_452] : memref<512xi32, #tpu.memory_space<vmem>> -> memref<128xi32, #tpu.memory_space<vmem>>
        %dma_wait3A_454 = tpu.memref_slice %arg6[%add3A_400] : memref<131072xi32, #tpu.memory_space<hbm>> -> memref<128xi32, #tpu.memory_space<hbm>>
        %dma_wait3A_455 = tpu.memref_slice %arg6[%add3A_400] : memref<131072xi32, #tpu.memory_space<hbm>> -> memref<128xi32, #tpu.memory_space<hbm>>
        %dma_wait3A_456 = arith.constant 384 : i32
        %dma_wait3A_457 = tpu.memref_slice %arg17[%dma_wait3A_456] : memref<512xi32, #tpu.memory_space<vmem>> -> memref<128xi32, #tpu.memory_space<vmem>>
        tpu.wait_dma2 semaphore(%arg23 : memref<!tpu.dma_semaphore, #tpu.memory_space<semaphore_mem>>) src(%dma_wait3A_457 : memref<128xi32, #tpu.memory_space<vmem>>) dst(%dma_wait3A_455 : memref<128xi32, #tpu.memory_space<hbm>>)
        %dma_wait3A_458 = tpu.memref_slice %arg7[%add3A_409] : memref<524288xf32, #tpu.memory_space<hbm>> -> memref<2048xf32, #tpu.memory_space<hbm>>
        %dma_wait3A_459 = tpu.memref_slice %arg7[%add3A_409] : memref<524288xf32, #tpu.memory_space<hbm>> -> memref<2048xf32, #tpu.memory_space<hbm>>
        tpu.wait_dma2 semaphore(%arg23 : memref<!tpu.dma_semaphore, #tpu.memory_space<semaphore_mem>>) src(%arg19 : memref<2048xf32, #tpu.memory_space<vmem>>) dst(%dma_wait3A_459 : memref<2048xf32, #tpu.memory_space<hbm>>)
      } else {
      }
      %parallel_loop3A_304 = arith.constant 0 : i32
      %parallel_loop3A_305 = arith.constant 32 : i32
      %parallel_loop3A_306 = arith.constant 1 : i32
      scf.for %parallel_loop3A_383 = %parallel_loop3A_304 to %parallel_loop3A_305 step %parallel_loop3A_306  : i32 {
        %parallel_loop3A_384 = arith.constant 16 : i32
        %parallel_loop3A_385 = arith.muli %parallel_loop3A_383, %parallel_loop3A_384 : i32
        %parallel_loop3A_386 = arith.constant 3 : i32
        %parallel_loop3A_387 = arith.shrsi %parallel_loop3A_383, %parallel_loop3A_386 : i32
        %parallel_loop3A_388 = arith.constant 7 : i32
        %parallel_loop3A_389 = arith.andi %parallel_loop3A_383, %parallel_loop3A_388 : i32
        %parallel_loop3A_390 = arith.constant 16 : i32
        %parallel_loop3A_391 = arith.muli %parallel_loop3A_389, %parallel_loop3A_390 : i32
        %parallel_loop3A_392 = arith.constant 10240 : i32
        %parallel_loop3A_393 = arith.muli %parallel_loop3A_387, %parallel_loop3A_392 : i32
        %parallel_loop3A_394 = arith.addi %parallel_loop3A_393, %parallel_loop3A_391 : i32
        %parallel_loop3A_395 = arith.sitofp %iota3A : vector<16xi32> to vector<16xf32>
        %parallel_loop3A_396 = arith.constant 0.000000e+00 : f32
        %parallel_loop3A_397 = vector.broadcast %parallel_loop3A_396 : f32 to vector<16xf32>
        %parallel_loop3A_398 = arith.mulf %parallel_loop3A_395, %parallel_loop3A_397 : vector<16xf32>
        %parallel_loop3A_399 = arith.constant 0x7F800000 : f32
        %parallel_loop3A_400 = vector.broadcast %parallel_loop3A_399 : f32 to vector<16xf32>
        %parallel_loop3A_401 = arith.subf %parallel_loop3A_398, %parallel_loop3A_400 : vector<16xf32>
        %parallel_loop3A_402 = arith.sitofp %iota3A : vector<16xi32> to vector<16xf32>
        %parallel_loop3A_403 = arith.constant 0.000000e+00 : f32
        %parallel_loop3A_404 = vector.broadcast %parallel_loop3A_403 : f32 to vector<16xf32>
        %parallel_loop3A_405 = arith.mulf %parallel_loop3A_402, %parallel_loop3A_404 : vector<16xf32>
        %parallel_loop3A_406 = arith.constant 0 : i32
        %parallel_loop3A_407 = arith.constant 5 : i32
        %parallel_loop3A_408 = arith.constant 1 : i32
        %parallel_loop3A_409:8 = scf.for %parallel_loop3A_570 = %parallel_loop3A_406 to %parallel_loop3A_407 step %parallel_loop3A_408 iter_args(%parallel_loop3A_571 = %parallel_loop3A_401, %parallel_loop3A_572 = %parallel_loop3A_405, %parallel_loop3A_573 = %parallel_loop3A_401, %parallel_loop3A_574 = %parallel_loop3A_405, %parallel_loop3A_575 = %parallel_loop3A_401, %parallel_loop3A_576 = %parallel_loop3A_405, %parallel_loop3A_577 = %parallel_loop3A_401, %parallel_loop3A_578 = %parallel_loop3A_405) -> (vector<16xf32>, vector<16xf32>, vector<16xf32>, vector<16xf32>, vector<16xf32>, vector<16xf32>, vector<16xf32>, vector<16xf32>)  : i32 {
          %parallel_loop3A_579 = arith.constant 512 : i32
          %parallel_loop3A_580 = arith.muli %parallel_loop3A_570, %parallel_loop3A_579 : i32
          %parallel_loop3A_581 = arith.addi %parallel_loop3A_394, %parallel_loop3A_580 : i32
          %parallel_loop3A_582 = arith.constant 4 : i32
          %parallel_loop3A_583 = arith.muli %parallel_loop3A_570, %parallel_loop3A_582 : i32
          %parallel_loop3A_584 = arith.sitofp %parallel_loop3A_583 : i32 to f32
          %parallel_loop3A_585 = vector.broadcast %parallel_loop3A_584 : f32 to vector<16xf32>
          %parallel_loop3A_586 = arith.addf %parallel_loop3A_405, %parallel_loop3A_585 : vector<16xf32>
          %parallel_loop3A_587 = arith.constant 0 : i32
          %parallel_loop3A_588 = arith.addi %parallel_loop3A_581, %parallel_loop3A_587 : i32
          %parallel_loop3A_589 = arith.index_cast %parallel_loop3A_588 : i32 to index
          %parallel_loop3A_590 = tpu.vector_load %arg9[%parallel_loop3A_589] {strides = array<i32>} : memref<40960xf32, #tpu.memory_space<vmem>>, vector<16xf32>,
          %parallel_loop3A_591 = arith.constant 2560 : i32
          %parallel_loop3A_592 = arith.addi %parallel_loop3A_581, %parallel_loop3A_591 : i32
          %parallel_loop3A_593 = arith.index_cast %parallel_loop3A_592 : i32 to index
          %parallel_loop3A_594 = tpu.vector_load %arg9[%parallel_loop3A_593] {strides = array<i32>} : memref<40960xf32, #tpu.memory_space<vmem>>, vector<16xf32>,
          %parallel_loop3A_595 = arith.constant 5120 : i32
          %parallel_loop3A_596 = arith.addi %parallel_loop3A_581, %parallel_loop3A_595 : i32
          %parallel_loop3A_597 = arith.index_cast %parallel_loop3A_596 : i32 to index
          %parallel_loop3A_598 = tpu.vector_load %arg9[%parallel_loop3A_597] {strides = array<i32>} : memref<40960xf32, #tpu.memory_space<vmem>>, vector<16xf32>,
          %parallel_loop3A_599 = arith.constant 7680 : i32
          %parallel_loop3A_600 = arith.addi %parallel_loop3A_581, %parallel_loop3A_599 : i32
          %parallel_loop3A_601 = arith.index_cast %parallel_loop3A_600 : i32 to index
          %parallel_loop3A_602 = tpu.vector_load %arg9[%parallel_loop3A_601] {strides = array<i32>} : memref<40960xf32, #tpu.memory_space<vmem>>, vector<16xf32>,
          %parallel_loop3A_603 = arith.constant 0.000000e+00 : f32
          %parallel_loop3A_604 = vector.broadcast %parallel_loop3A_603 : f32 to vector<16xf32>
          %parallel_loop3A_605 = arith.addf %parallel_loop3A_586, %parallel_loop3A_604 : vector<16xf32>
          %parallel_loop3A_606 = arith.cmpf ogt, %parallel_loop3A_590, %parallel_loop3A_571 : vector<16xf32>
          %parallel_loop3A_607 = arith.cmpf ogt, %parallel_loop3A_594, %parallel_loop3A_573 : vector<16xf32>
          %parallel_loop3A_608 = arith.cmpf ogt, %parallel_loop3A_598, %parallel_loop3A_575 : vector<16xf32>
          %parallel_loop3A_609 = arith.cmpf ogt, %parallel_loop3A_602, %parallel_loop3A_577 : vector<16xf32>
          %parallel_loop3A_610 = arith.select %parallel_loop3A_606, %parallel_loop3A_590, %parallel_loop3A_571 : vector<16xi1>, vector<16xf32>
          %parallel_loop3A_611 = arith.select %parallel_loop3A_606, %parallel_loop3A_605, %parallel_loop3A_572 : vector<16xi1>, vector<16xf32>
          %parallel_loop3A_612 = arith.select %parallel_loop3A_607, %parallel_loop3A_594, %parallel_loop3A_573 : vector<16xi1>, vector<16xf32>
          %parallel_loop3A_613 = arith.select %parallel_loop3A_607, %parallel_loop3A_605, %parallel_loop3A_574 : vector<16xi1>, vector<16xf32>
          %parallel_loop3A_614 = arith.select %parallel_loop3A_608, %parallel_loop3A_598, %parallel_loop3A_575 : vector<16xi1>, vector<16xf32>
          %parallel_loop3A_615 = arith.select %parallel_loop3A_608, %parallel_loop3A_605, %parallel_loop3A_576 : vector<16xi1>, vector<16xf32>
          %parallel_loop3A_616 = arith.select %parallel_loop3A_609, %parallel_loop3A_602, %parallel_loop3A_577 : vector<16xi1>, vector<16xf32>
          %parallel_loop3A_617 = arith.select %parallel_loop3A_609, %parallel_loop3A_605, %parallel_loop3A_578 : vector<16xi1>, vector<16xf32>
          %parallel_loop3A_618 = arith.constant 128 : i32
          %parallel_loop3A_619 = arith.addi %parallel_loop3A_581, %parallel_loop3A_618 : i32
          %parallel_loop3A_620 = arith.index_cast %parallel_loop3A_619 : i32 to index
          %parallel_loop3A_621 = tpu.vector_load %arg9[%parallel_loop3A_620] {strides = array<i32>} : memref<40960xf32, #tpu.memory_space<vmem>>, vector<16xf32>,
          %parallel_loop3A_622 = arith.constant 2688 : i32
          %parallel_loop3A_623 = arith.addi %parallel_loop3A_581, %parallel_loop3A_622 : i32
          %parallel_loop3A_624 = arith.index_cast %parallel_loop3A_623 : i32 to index
          %parallel_loop3A_625 = tpu.vector_load %arg9[%parallel_loop3A_624] {strides = array<i32>} : memref<40960xf32, #tpu.memory_space<vmem>>, vector<16xf32>,
          %parallel_loop3A_626 = arith.constant 5248 : i32
          %parallel_loop3A_627 = arith.addi %parallel_loop3A_581, %parallel_loop3A_626 : i32
          %parallel_loop3A_628 = arith.index_cast %parallel_loop3A_627 : i32 to index
          %parallel_loop3A_629 = tpu.vector_load %arg9[%parallel_loop3A_628] {strides = array<i32>} : memref<40960xf32, #tpu.memory_space<vmem>>, vector<16xf32>,
          %parallel_loop3A_630 = arith.constant 7808 : i32
          %parallel_loop3A_631 = arith.addi %parallel_loop3A_581, %parallel_loop3A_630 : i32
          %parallel_loop3A_632 = arith.index_cast %parallel_loop3A_631 : i32 to index
          %parallel_loop3A_633 = tpu.vector_load %arg9[%parallel_loop3A_632] {strides = array<i32>} : memref<40960xf32, #tpu.memory_space<vmem>>, vector<16xf32>,
          %parallel_loop3A_634 = arith.constant 1.000000e+00 : f32
          %parallel_loop3A_635 = vector.broadcast %parallel_loop3A_634 : f32 to vector<16xf32>
          %parallel_loop3A_636 = arith.addf %parallel_loop3A_586, %parallel_loop3A_635 : vector<16xf32>
          %parallel_loop3A_637 = arith.cmpf ogt, %parallel_loop3A_621, %parallel_loop3A_610 : vector<16xf32>
          %parallel_loop3A_638 = arith.cmpf ogt, %parallel_loop3A_625, %parallel_loop3A_612 : vector<16xf32>
          %parallel_loop3A_639 = arith.cmpf ogt, %parallel_loop3A_629, %parallel_loop3A_614 : vector<16xf32>
          %parallel_loop3A_640 = arith.cmpf ogt, %parallel_loop3A_633, %parallel_loop3A_616 : vector<16xf32>
          %parallel_loop3A_641 = arith.select %parallel_loop3A_637, %parallel_loop3A_621, %parallel_loop3A_610 : vector<16xi1>, vector<16xf32>
          %parallel_loop3A_642 = arith.select %parallel_loop3A_637, %parallel_loop3A_636, %parallel_loop3A_611 : vector<16xi1>, vector<16xf32>
          %parallel_loop3A_643 = arith.select %parallel_loop3A_638, %parallel_loop3A_625, %parallel_loop3A_612 : vector<16xi1>, vector<16xf32>
          %parallel_loop3A_644 = arith.select %parallel_loop3A_638, %parallel_loop3A_636, %parallel_loop3A_613 : vector<16xi1>, vector<16xf32>
          %parallel_loop3A_645 = arith.select %parallel_loop3A_639, %parallel_loop3A_629, %parallel_loop3A_614 : vector<16xi1>, vector<16xf32>
          %parallel_loop3A_646 = arith.select %parallel_loop3A_639, %parallel_loop3A_636, %parallel_loop3A_615 : vector<16xi1>, vector<16xf32>
          %parallel_loop3A_647 = arith.select %parallel_loop3A_640, %parallel_loop3A_633, %parallel_loop3A_616 : vector<16xi1>, vector<16xf32>
          %parallel_loop3A_648 = arith.select %parallel_loop3A_640, %parallel_loop3A_636, %parallel_loop3A_617 : vector<16xi1>, vector<16xf32>
          %parallel_loop3A_649 = arith.constant 256 : i32
          %parallel_loop3A_650 = arith.addi %parallel_loop3A_581, %parallel_loop3A_649 : i32
          %parallel_loop3A_651 = arith.index_cast %parallel_loop3A_650 : i32 to index
          %parallel_loop3A_652 = tpu.vector_load %arg9[%parallel_loop3A_651] {strides = array<i32>} : memref<40960xf32, #tpu.memory_space<vmem>>, vector<16xf32>,
          %parallel_loop3A_653 = arith.constant 2816 : i32
          %parallel_loop3A_654 = arith.addi %parallel_loop3A_581, %parallel_loop3A_653 : i32
          %parallel_loop3A_655 = arith.index_cast %parallel_loop3A_654 : i32 to index
          %parallel_loop3A_656 = tpu.vector_load %arg9[%parallel_loop3A_655] {strides = array<i32>} : memref<40960xf32, #tpu.memory_space<vmem>>, vector<16xf32>,
          %parallel_loop3A_657 = arith.constant 5376 : i32
          %parallel_loop3A_658 = arith.addi %parallel_loop3A_581, %parallel_loop3A_657 : i32
          %parallel_loop3A_659 = arith.index_cast %parallel_loop3A_658 : i32 to index
          %parallel_loop3A_660 = tpu.vector_load %arg9[%parallel_loop3A_659] {strides = array<i32>} : memref<40960xf32, #tpu.memory_space<vmem>>, vector<16xf32>,
          %parallel_loop3A_661 = arith.constant 7936 : i32
          %parallel_loop3A_662 = arith.addi %parallel_loop3A_581, %parallel_loop3A_661 : i32
          %parallel_loop3A_663 = arith.index_cast %parallel_loop3A_662 : i32 to index
          %parallel_loop3A_664 = tpu.vector_load %arg9[%parallel_loop3A_663] {strides = array<i32>} : memref<40960xf32, #tpu.memory_space<vmem>>, vector<16xf32>,
          %parallel_loop3A_665 = arith.constant 2.000000e+00 : f32
          %parallel_loop3A_666 = vector.broadcast %parallel_loop3A_665 : f32 to vector<16xf32>
          %parallel_loop3A_667 = arith.addf %parallel_loop3A_586, %parallel_loop3A_666 : vector<16xf32>
          %parallel_loop3A_668 = arith.cmpf ogt, %parallel_loop3A_652, %parallel_loop3A_641 : vector<16xf32>
          %parallel_loop3A_669 = arith.cmpf ogt, %parallel_loop3A_656, %parallel_loop3A_643 : vector<16xf32>
          %parallel_loop3A_670 = arith.cmpf ogt, %parallel_loop3A_660, %parallel_loop3A_645 : vector<16xf32>
          %parallel_loop3A_671 = arith.cmpf ogt, %parallel_loop3A_664, %parallel_loop3A_647 : vector<16xf32>
          %parallel_loop3A_672 = arith.select %parallel_loop3A_668, %parallel_loop3A_652, %parallel_loop3A_641 : vector<16xi1>, vector<16xf32>
          %parallel_loop3A_673 = arith.select %parallel_loop3A_668, %parallel_loop3A_667, %parallel_loop3A_642 : vector<16xi1>, vector<16xf32>
          %parallel_loop3A_674 = arith.select %parallel_loop3A_669, %parallel_loop3A_656, %parallel_loop3A_643 : vector<16xi1>, vector<16xf32>
          %parallel_loop3A_675 = arith.select %parallel_loop3A_669, %parallel_loop3A_667, %parallel_loop3A_644 : vector<16xi1>, vector<16xf32>
          %parallel_loop3A_676 = arith.select %parallel_loop3A_670, %parallel_loop3A_660, %parallel_loop3A_645 : vector<16xi1>, vector<16xf32>
          %parallel_loop3A_677 = arith.select %parallel_loop3A_670, %parallel_loop3A_667, %parallel_loop3A_646 : vector<16xi1>, vector<16xf32>
          %parallel_loop3A_678 = arith.select %parallel_loop3A_671, %parallel_loop3A_664, %parallel_loop3A_647 : vector<16xi1>, vector<16xf32>
          %parallel_loop3A_679 = arith.select %parallel_loop3A_671, %parallel_loop3A_667, %parallel_loop3A_648 : vector<16xi1>, vector<16xf32>
          %parallel_loop3A_680 = arith.constant 384 : i32
          %parallel_loop3A_681 = arith.addi %parallel_loop3A_581, %parallel_loop3A_680 : i32
          %parallel_loop3A_682 = arith.index_cast %parallel_loop3A_681 : i32 to index
          %parallel_loop3A_683 = tpu.vector_load %arg9[%parallel_loop3A_682] {strides = array<i32>} : memref<40960xf32, #tpu.memory_space<vmem>>, vector<16xf32>,
          %parallel_loop3A_684 = arith.constant 2944 : i32
          %parallel_loop3A_685 = arith.addi %parallel_loop3A_581, %parallel_loop3A_684 : i32
          %parallel_loop3A_686 = arith.index_cast %parallel_loop3A_685 : i32 to index
          %parallel_loop3A_687 = tpu.vector_load %arg9[%parallel_loop3A_686] {strides = array<i32>} : memref<40960xf32, #tpu.memory_space<vmem>>, vector<16xf32>,
          %parallel_loop3A_688 = arith.constant 5504 : i32
          %parallel_loop3A_689 = arith.addi %parallel_loop3A_581, %parallel_loop3A_688 : i32
          %parallel_loop3A_690 = arith.index_cast %parallel_loop3A_689 : i32 to index
          %parallel_loop3A_691 = tpu.vector_load %arg9[%parallel_loop3A_690] {strides = array<i32>} : memref<40960xf32, #tpu.memory_space<vmem>>, vector<16xf32>,
          %parallel_loop3A_692 = arith.constant 8064 : i32
          %parallel_loop3A_693 = arith.addi %parallel_loop3A_581, %parallel_loop3A_692 : i32
          %parallel_loop3A_694 = arith.index_cast %parallel_loop3A_693 : i32 to index
          %parallel_loop3A_695 = tpu.vector_load %arg9[%parallel_loop3A_694] {strides = array<i32>} : memref<40960xf32, #tpu.memory_space<vmem>>, vector<16xf32>,
          %parallel_loop3A_696 = arith.constant 3.000000e+00 : f32
          %parallel_loop3A_697 = vector.broadcast %parallel_loop3A_696 : f32 to vector<16xf32>
          %parallel_loop3A_698 = arith.addf %parallel_loop3A_586, %parallel_loop3A_697 : vector<16xf32>
          %parallel_loop3A_699 = arith.cmpf ogt, %parallel_loop3A_683, %parallel_loop3A_672 : vector<16xf32>
          %parallel_loop3A_700 = arith.cmpf ogt, %parallel_loop3A_687, %parallel_loop3A_674 : vector<16xf32>
          %parallel_loop3A_701 = arith.cmpf ogt, %parallel_loop3A_691, %parallel_loop3A_676 : vector<16xf32>
          %parallel_loop3A_702 = arith.cmpf ogt, %parallel_loop3A_695, %parallel_loop3A_678 : vector<16xf32>
          %parallel_loop3A_703 = arith.select %parallel_loop3A_699, %parallel_loop3A_683, %parallel_loop3A_672 : vector<16xi1>, vector<16xf32>
          %parallel_loop3A_704 = arith.select %parallel_loop3A_699, %parallel_loop3A_698, %parallel_loop3A_673 : vector<16xi1>, vector<16xf32>
          %parallel_loop3A_705 = arith.select %parallel_loop3A_700, %parallel_loop3A_687, %parallel_loop3A_674 : vector<16xi1>, vector<16xf32>
          %parallel_loop3A_706 = arith.select %parallel_loop3A_700, %parallel_loop3A_698, %parallel_loop3A_675 : vector<16xi1>, vector<16xf32>
          %parallel_loop3A_707 = arith.select %parallel_loop3A_701, %parallel_loop3A_691, %parallel_loop3A_676 : vector<16xi1>, vector<16xf32>
          %parallel_loop3A_708 = arith.select %parallel_loop3A_701, %parallel_loop3A_698, %parallel_loop3A_677 : vector<16xi1>, vector<16xf32>
          %parallel_loop3A_709 = arith.select %parallel_loop3A_702, %parallel_loop3A_695, %parallel_loop3A_678 : vector<16xi1>, vector<16xf32>
          %parallel_loop3A_710 = arith.select %parallel_loop3A_702, %parallel_loop3A_698, %parallel_loop3A_679 : vector<16xi1>, vector<16xf32>
          scf.yield %parallel_loop3A_703, %parallel_loop3A_704, %parallel_loop3A_705, %parallel_loop3A_706, %parallel_loop3A_707, %parallel_loop3A_708, %parallel_loop3A_709, %parallel_loop3A_710 : vector<16xf32>, vector<16xf32>, vector<16xf32>, vector<16xf32>, vector<16xf32>, vector<16xf32>, vector<16xf32>, vector<16xf32>
        } {sc.loop_unroll_factor = 1 : i64, sc.parallel_access}
        %parallel_loop3A_410 = arith.constant 2.000000e+01 : f32
        %parallel_loop3A_411 = vector.broadcast %parallel_loop3A_410 : f32 to vector<16xf32>
        %parallel_loop3A_412 = arith.addf %parallel_loop3A_409#3, %parallel_loop3A_411 : vector<16xf32>
        %parallel_loop3A_413 = arith.constant 4.000000e+01 : f32
        %parallel_loop3A_414 = vector.broadcast %parallel_loop3A_413 : f32 to vector<16xf32>
        %parallel_loop3A_415 = arith.addf %parallel_loop3A_409#5, %parallel_loop3A_414 : vector<16xf32>
        %parallel_loop3A_416 = arith.constant 6.000000e+01 : f32
        %parallel_loop3A_417 = vector.broadcast %parallel_loop3A_416 : f32 to vector<16xf32>
        %parallel_loop3A_418 = arith.addf %parallel_loop3A_409#7, %parallel_loop3A_417 : vector<16xf32>
        %parallel_loop3A_419 = arith.cmpf ogt, %parallel_loop3A_409#2, %parallel_loop3A_409#0 : vector<16xf32>
        %parallel_loop3A_420 = arith.select %parallel_loop3A_419, %parallel_loop3A_409#2, %parallel_loop3A_409#0 : vector<16xi1>, vector<16xf32>
        %parallel_loop3A_421 = arith.select %parallel_loop3A_419, %parallel_loop3A_412, %parallel_loop3A_409#1 : vector<16xi1>, vector<16xf32>
        %parallel_loop3A_422 = arith.cmpf ogt, %parallel_loop3A_409#6, %parallel_loop3A_409#4 : vector<16xf32>
        %parallel_loop3A_423 = arith.select %parallel_loop3A_422, %parallel_loop3A_409#6, %parallel_loop3A_409#4 : vector<16xi1>, vector<16xf32>
        %parallel_loop3A_424 = arith.select %parallel_loop3A_422, %parallel_loop3A_418, %parallel_loop3A_415 : vector<16xi1>, vector<16xf32>
        %parallel_loop3A_425 = arith.cmpf ogt, %parallel_loop3A_423, %parallel_loop3A_420 : vector<16xf32>
        %parallel_loop3A_426 = arith.select %parallel_loop3A_425, %parallel_loop3A_423, %parallel_loop3A_420 : vector<16xi1>, vector<16xf32>
        %parallel_loop3A_427 = arith.select %parallel_loop3A_425, %parallel_loop3A_424, %parallel_loop3A_421 : vector<16xi1>, vector<16xf32>
        %parallel_loop3A_428 = arith.fptosi %parallel_loop3A_427 : vector<16xf32> to vector<16xi32>
        %parallel_loop3A_429 = arith.constant 128 : i32
        %parallel_loop3A_430 = arith.muli %parallel_loop3A_387, %parallel_loop3A_429 : i32
        %parallel_loop3A_431 = arith.addi %parallel_loop3A_430, %parallel_loop3A_391 : i32
        %parallel_loop3A_432 = arith.index_cast %parallel_loop3A_431 : i32 to index
        %parallel_loop3A_433 = tpu.vector_load %arg13[%parallel_loop3A_432] {strides = array<i32>} : memref<512xf32, #tpu.memory_space<vmem>>, vector<16xf32>,
        %parallel_loop3A_434 = arith.constant 0.000000e+00 : f32
        %parallel_loop3A_435 = vector.broadcast %parallel_loop3A_434 : f32 to vector<16xf32>
        %parallel_loop3A_436 = arith.subf %parallel_loop3A_435, %parallel_loop3A_433 : vector<16xf32>
        %parallel_loop3A_437 = math.exp %parallel_loop3A_436 : vector<16xf32>
        %parallel_loop3A_438 = arith.constant 1.000000e+00 : f32
        %parallel_loop3A_439 = vector.broadcast %parallel_loop3A_438 : f32 to vector<16xf32>
        %parallel_loop3A_440 = arith.addf %parallel_loop3A_439, %parallel_loop3A_437 : vector<16xf32>
        %parallel_loop3A_441 = arith.constant 1.000000e+00 : f32
        %parallel_loop3A_442 = vector.broadcast %parallel_loop3A_441 : f32 to vector<16xf32>
        %parallel_loop3A_443 = arith.divf %parallel_loop3A_442, %parallel_loop3A_440 : vector<16xf32>
        %parallel_loop3A_444 = arith.constant 0.000000e+00 : f32
        %parallel_loop3A_445 = vector.broadcast %parallel_loop3A_444 : f32 to vector<16xf32>
        %parallel_loop3A_446 = arith.subf %parallel_loop3A_445, %parallel_loop3A_426 : vector<16xf32>
        %parallel_loop3A_447 = math.exp %parallel_loop3A_446 : vector<16xf32>
        %parallel_loop3A_448 = arith.constant 1.000000e+00 : f32
        %parallel_loop3A_449 = vector.broadcast %parallel_loop3A_448 : f32 to vector<16xf32>
        %parallel_loop3A_450 = arith.addf %parallel_loop3A_449, %parallel_loop3A_447 : vector<16xf32>
        %parallel_loop3A_451 = arith.constant 1.000000e+00 : f32
        %parallel_loop3A_452 = vector.broadcast %parallel_loop3A_451 : f32 to vector<16xf32>
        %parallel_loop3A_453 = arith.divf %parallel_loop3A_452, %parallel_loop3A_450 : vector<16xf32>
        %parallel_loop3A_454 = arith.mulf %parallel_loop3A_443, %parallel_loop3A_453 : vector<16xf32>
        %parallel_loop3A_455 = vector.bitcast %parallel_loop3A_454 : vector<16xf32> to vector<16xi32>
        %parallel_loop3A_456 = arith.constant 1 : i32
        %parallel_loop3A_457 = vector.broadcast %parallel_loop3A_456 : i32 to vector<16xi32>
        %parallel_loop3A_458 = arith.shrsi %parallel_loop3A_455, %parallel_loop3A_457 : vector<16xi32>
        %parallel_loop3A_459 = arith.constant 1597463007 : i32
        %parallel_loop3A_460 = vector.broadcast %parallel_loop3A_459 : i32 to vector<16xi32>
        %parallel_loop3A_461 = arith.subi %parallel_loop3A_460, %parallel_loop3A_458 : vector<16xi32>
        %parallel_loop3A_462 = vector.bitcast %parallel_loop3A_461 : vector<16xi32> to vector<16xf32>
        %parallel_loop3A_463 = arith.constant 5.000000e-01 : f32
        %parallel_loop3A_464 = vector.broadcast %parallel_loop3A_463 : f32 to vector<16xf32>
        %parallel_loop3A_465 = arith.mulf %parallel_loop3A_464, %parallel_loop3A_454 : vector<16xf32>
        %parallel_loop3A_466 = arith.mulf %parallel_loop3A_465, %parallel_loop3A_462 : vector<16xf32>
        %parallel_loop3A_467 = arith.mulf %parallel_loop3A_466, %parallel_loop3A_462 : vector<16xf32>
        %parallel_loop3A_468 = arith.constant 1.500000e+00 : f32
        %parallel_loop3A_469 = vector.broadcast %parallel_loop3A_468 : f32 to vector<16xf32>
        %parallel_loop3A_470 = arith.subf %parallel_loop3A_469, %parallel_loop3A_467 : vector<16xf32>
        %parallel_loop3A_471 = arith.mulf %parallel_loop3A_462, %parallel_loop3A_470 : vector<16xf32>
        %parallel_loop3A_472 = arith.constant 5.000000e-01 : f32
        %parallel_loop3A_473 = vector.broadcast %parallel_loop3A_472 : f32 to vector<16xf32>
        %parallel_loop3A_474 = arith.mulf %parallel_loop3A_473, %parallel_loop3A_454 : vector<16xf32>
        %parallel_loop3A_475 = arith.mulf %parallel_loop3A_474, %parallel_loop3A_471 : vector<16xf32>
        %parallel_loop3A_476 = arith.mulf %parallel_loop3A_475, %parallel_loop3A_471 : vector<16xf32>
        %parallel_loop3A_477 = arith.constant 1.500000e+00 : f32
        %parallel_loop3A_478 = vector.broadcast %parallel_loop3A_477 : f32 to vector<16xf32>
        %parallel_loop3A_479 = arith.subf %parallel_loop3A_478, %parallel_loop3A_476 : vector<16xf32>
        %parallel_loop3A_480 = arith.mulf %parallel_loop3A_471, %parallel_loop3A_479 : vector<16xf32>
        %parallel_loop3A_481 = arith.mulf %parallel_loop3A_454, %parallel_loop3A_480 : vector<16xf32>
        %parallel_loop3A_482 = arith.constant 512 : i32
        %parallel_loop3A_483 = arith.muli %parallel_loop3A_387, %parallel_loop3A_482 : i32
        %parallel_loop3A_484 = arith.addi %parallel_loop3A_483, %parallel_loop3A_391 : i32
        %parallel_loop3A_485 = arith.index_cast %parallel_loop3A_484 : i32 to index
        %parallel_loop3A_486 = tpu.vector_load %arg11[%parallel_loop3A_485] {strides = array<i32>} : memref<2048xf32, #tpu.memory_space<vmem>>, vector<16xf32>,
        %parallel_loop3A_487 = arith.constant 128 : i32
        %parallel_loop3A_488 = arith.addi %parallel_loop3A_484, %parallel_loop3A_487 : i32
        %parallel_loop3A_489 = arith.index_cast %parallel_loop3A_488 : i32 to index
        %parallel_loop3A_490 = tpu.vector_load %arg11[%parallel_loop3A_489] {strides = array<i32>} : memref<2048xf32, #tpu.memory_space<vmem>>, vector<16xf32>,
        %parallel_loop3A_491 = arith.constant 256 : i32
        %parallel_loop3A_492 = arith.addi %parallel_loop3A_484, %parallel_loop3A_491 : i32
        %parallel_loop3A_493 = arith.index_cast %parallel_loop3A_492 : i32 to index
        %parallel_loop3A_494 = tpu.vector_load %arg11[%parallel_loop3A_493] {strides = array<i32>} : memref<2048xf32, #tpu.memory_space<vmem>>, vector<16xf32>,
        %parallel_loop3A_495 = arith.constant 384 : i32
        %parallel_loop3A_496 = arith.addi %parallel_loop3A_484, %parallel_loop3A_495 : i32
        %parallel_loop3A_497 = arith.index_cast %parallel_loop3A_496 : i32 to index
        %parallel_loop3A_498 = tpu.vector_load %arg11[%parallel_loop3A_497] {strides = array<i32>} : memref<2048xf32, #tpu.memory_space<vmem>>, vector<16xf32>,
        %parallel_loop3A_499 = math.exp %parallel_loop3A_486 : vector<16xf32>
        %parallel_loop3A_500 = math.exp %parallel_loop3A_490 : vector<16xf32>
        %parallel_loop3A_501 = math.exp %parallel_loop3A_494 : vector<16xf32>
        %parallel_loop3A_502 = math.exp %parallel_loop3A_498 : vector<16xf32>
        %parallel_loop3A_503 = arith.constant 128 : i32
        %parallel_loop3A_504 = arith.muli %add3A_279, %parallel_loop3A_503 : i32
        %parallel_loop3A_505 = arith.addi %parallel_loop3A_385, %parallel_loop3A_504 : i32
        %parallel_loop3A_506 = vector.broadcast %parallel_loop3A_505 : i32 to vector<16xi32>
        %parallel_loop3A_507 = arith.addi %iota3A, %parallel_loop3A_506 : vector<16xi32>
        %parallel_loop3A_508 = arith.constant 127 : i32
        %parallel_loop3A_509 = vector.broadcast %parallel_loop3A_508 : i32 to vector<16xi32>
        %parallel_loop3A_510 = arith.andi %parallel_loop3A_507, %parallel_loop3A_509 : vector<16xi32>
        %parallel_loop3A_511 = arith.constant 7 : i32
        %parallel_loop3A_512 = vector.broadcast %parallel_loop3A_511 : i32 to vector<16xi32>
        %parallel_loop3A_513 = arith.shrsi %parallel_loop3A_507, %parallel_loop3A_512 : vector<16xi32>
        %parallel_loop3A_514 = arith.constant 127 : i32
        %parallel_loop3A_515 = vector.broadcast %parallel_loop3A_514 : i32 to vector<16xi32>
        %parallel_loop3A_516 = arith.andi %parallel_loop3A_513, %parallel_loop3A_515 : vector<16xi32>
        %parallel_loop3A_517 = arith.sitofp %parallel_loop3A_510 : vector<16xi32> to vector<16xf32>
        %parallel_loop3A_518 = arith.constant 8.000000e+00 : f32
        %parallel_loop3A_519 = vector.broadcast %parallel_loop3A_518 : f32 to vector<16xf32>
        %parallel_loop3A_520 = arith.mulf %parallel_loop3A_517, %parallel_loop3A_519 : vector<16xf32>
        %parallel_loop3A_521 = arith.constant 4.000000e+00 : f32
        %parallel_loop3A_522 = vector.broadcast %parallel_loop3A_521 : f32 to vector<16xf32>
        %parallel_loop3A_523 = arith.addf %parallel_loop3A_520, %parallel_loop3A_522 : vector<16xf32>
        %parallel_loop3A_524 = arith.sitofp %parallel_loop3A_516 : vector<16xi32> to vector<16xf32>
        %parallel_loop3A_525 = arith.constant 8.000000e+00 : f32
        %parallel_loop3A_526 = vector.broadcast %parallel_loop3A_525 : f32 to vector<16xf32>
        %parallel_loop3A_527 = arith.mulf %parallel_loop3A_524, %parallel_loop3A_526 : vector<16xf32>
        %parallel_loop3A_528 = arith.constant 4.000000e+00 : f32
        %parallel_loop3A_529 = vector.broadcast %parallel_loop3A_528 : f32 to vector<16xf32>
        %parallel_loop3A_530 = arith.addf %parallel_loop3A_527, %parallel_loop3A_529 : vector<16xf32>
        %parallel_loop3A_531 = arith.subf %parallel_loop3A_499, %parallel_loop3A_501 : vector<16xf32>
        %parallel_loop3A_532 = arith.constant 4.000000e+00 : f32
        %parallel_loop3A_533 = vector.broadcast %parallel_loop3A_532 : f32 to vector<16xf32>
        %parallel_loop3A_534 = arith.mulf %parallel_loop3A_531, %parallel_loop3A_533 : vector<16xf32>
        %parallel_loop3A_535 = arith.subf %parallel_loop3A_523, %parallel_loop3A_534 : vector<16xf32>
        %parallel_loop3A_536 = arith.subf %parallel_loop3A_500, %parallel_loop3A_502 : vector<16xf32>
        %parallel_loop3A_537 = arith.constant 4.000000e+00 : f32
        %parallel_loop3A_538 = vector.broadcast %parallel_loop3A_537 : f32 to vector<16xf32>
        %parallel_loop3A_539 = arith.mulf %parallel_loop3A_536, %parallel_loop3A_538 : vector<16xf32>
        %parallel_loop3A_540 = arith.subf %parallel_loop3A_530, %parallel_loop3A_539 : vector<16xf32>
        %parallel_loop3A_541 = arith.addf %parallel_loop3A_499, %parallel_loop3A_501 : vector<16xf32>
        %parallel_loop3A_542 = arith.constant 8.000000e+00 : f32
        %parallel_loop3A_543 = vector.broadcast %parallel_loop3A_542 : f32 to vector<16xf32>
        %parallel_loop3A_544 = arith.mulf %parallel_loop3A_541, %parallel_loop3A_543 : vector<16xf32>
        %parallel_loop3A_545 = arith.addf %parallel_loop3A_500, %parallel_loop3A_502 : vector<16xf32>
        %parallel_loop3A_546 = arith.constant 8.000000e+00 : f32
        %parallel_loop3A_547 = vector.broadcast %parallel_loop3A_546 : f32 to vector<16xf32>
        %parallel_loop3A_548 = arith.mulf %parallel_loop3A_545, %parallel_loop3A_547 : vector<16xf32>
        %parallel_loop3A_549 = arith.index_cast %parallel_loop3A_385 : i32 to index
        %parallel_loop3A_550 = tpu.vector_load %arg15[%parallel_loop3A_549] {strides = array<i32>} : memref<512xf32, #tpu.memory_space<vmem>>, vector<16xf32>,
        tpu.vector_store %arg15[%parallel_loop3A_549], %parallel_loop3A_481 {strides = array<i32>} : memref<512xf32, #tpu.memory_space<vmem>>, vector<16xf32>,
        %parallel_loop3A_551 = arith.index_cast %parallel_loop3A_385 : i32 to index
        %parallel_loop3A_552 = tpu.vector_load %arg17[%parallel_loop3A_551] {strides = array<i32>} : memref<512xi32, #tpu.memory_space<vmem>>, vector<16xi32>,
        tpu.vector_store %arg17[%parallel_loop3A_551], %parallel_loop3A_428 {strides = array<i32>} : memref<512xi32, #tpu.memory_space<vmem>>, vector<16xi32>,
        %parallel_loop3A_553 = arith.constant 512 : i32
        %parallel_loop3A_554 = arith.muli %parallel_loop3A_387, %parallel_loop3A_553 : i32
        %parallel_loop3A_555 = arith.addi %parallel_loop3A_554, %parallel_loop3A_391 : i32
        %parallel_loop3A_556 = arith.index_cast %parallel_loop3A_555 : i32 to index
        %parallel_loop3A_557 = tpu.vector_load %arg19[%parallel_loop3A_556] {strides = array<i32>} : memref<2048xf32, #tpu.memory_space<vmem>>, vector<16xf32>,
        tpu.vector_store %arg19[%parallel_loop3A_556], %parallel_loop3A_535 {strides = array<i32>} : memref<2048xf32, #tpu.memory_space<vmem>>, vector<16xf32>,
        %parallel_loop3A_558 = arith.constant 128 : i32
        %parallel_loop3A_559 = arith.addi %parallel_loop3A_555, %parallel_loop3A_558 : i32
        %parallel_loop3A_560 = arith.index_cast %parallel_loop3A_559 : i32 to index
        %parallel_loop3A_561 = tpu.vector_load %arg19[%parallel_loop3A_560] {strides = array<i32>} : memref<2048xf32, #tpu.memory_space<vmem>>, vector<16xf32>,
        tpu.vector_store %arg19[%parallel_loop3A_560], %parallel_loop3A_540 {strides = array<i32>} : memref<2048xf32, #tpu.memory_space<vmem>>, vector<16xf32>,
        %parallel_loop3A_562 = arith.constant 256 : i32
        %parallel_loop3A_563 = arith.addi %parallel_loop3A_555, %parallel_loop3A_562 : i32
        %parallel_loop3A_564 = arith.index_cast %parallel_loop3A_563 : i32 to index
        %parallel_loop3A_565 = tpu.vector_load %arg19[%parallel_loop3A_564] {strides = array<i32>} : memref<2048xf32, #tpu.memory_space<vmem>>, vector<16xf32>,
        tpu.vector_store %arg19[%parallel_loop3A_564], %parallel_loop3A_544 {strides = array<i32>} : memref<2048xf32, #tpu.memory_space<vmem>>, vector<16xf32>,
        %parallel_loop3A_566 = arith.constant 384 : i32
        %parallel_loop3A_567 = arith.addi %parallel_loop3A_555, %parallel_loop3A_566 : i32
        %parallel_loop3A_568 = arith.index_cast %parallel_loop3A_567 : i32 to index
        %parallel_loop3A_569 = tpu.vector_load %arg19[%parallel_loop3A_568] {strides = array<i32>} : memref<2048xf32, #tpu.memory_space<vmem>>, vector<16xf32>,
        tpu.vector_store %arg19[%parallel_loop3A_568], %parallel_loop3A_548 {strides = array<i32>} : memref<2048xf32, #tpu.memory_space<vmem>>, vector<16xf32>,
      } {sc.loop_unroll_factor = 2 : i64, sc.parallel_access}
      %shift_right_arithmetic3A_307 = arith.constant 7 : i32
      %shift_right_arithmetic3A_308 = arith.shrsi %add3A_279, %shift_right_arithmetic3A_307 : i32
      %and3A_309 = arith.constant 127 : i32
      %and3A_310 = arith.andi %add3A_279, %and3A_309 : i32
      %mul3A_311 = arith.constant 1024 : i32
      %mul3A_312 = arith.muli %and3A_310, %mul3A_311 : i32
      %mul3A_313 = arith.constant 128 : i32
      %mul3A_314 = arith.muli %shift_right_arithmetic3A_308, %mul3A_313 : i32
      %add3A_315 = arith.addi %mul3A_312, %mul3A_314 : i32
      %add3A_316 = arith.constant 0 : i32
      %add3A_317 = arith.addi %add3A_315, %add3A_316 : i32
      %dma_start3A_318 = arith.constant 0 : i32
      %dma_start3A_319 = tpu.memref_slice %arg15[%dma_start3A_318] : memref<512xf32, #tpu.memory_space<vmem>> -> memref<128xf32, #tpu.memory_space<vmem>>
      %dma_start3A_320 = tpu.memref_slice %arg5[%add3A_317] : memref<131072xf32, #tpu.memory_space<hbm>> -> memref<128xf32, #tpu.memory_space<hbm>>
      %dma_start3A_321 = tpu.memref_slice %arg5[%add3A_317] : memref<131072xf32, #tpu.memory_space<hbm>> -> memref<128xf32, #tpu.memory_space<hbm>>
      %dma_start3A_322 = arith.constant 0 : i32
      %dma_start3A_323 = tpu.memref_slice %arg15[%dma_start3A_322] : memref<512xf32, #tpu.memory_space<vmem>> -> memref<128xf32, #tpu.memory_space<vmem>>
      tpu.enqueue_dma source(%dma_start3A_323 : memref<128xf32, #tpu.memory_space<vmem>>) target(%dma_start3A_321 : memref<128xf32, #tpu.memory_space<hbm>>) target_semaphore(%arg23 : memref<!tpu.dma_semaphore, #tpu.memory_space<semaphore_mem>>)
      %dma_start3A_324 = arith.constant 0 : i32
      %dma_start3A_325 = tpu.memref_slice %arg17[%dma_start3A_324] : memref<512xi32, #tpu.memory_space<vmem>> -> memref<128xi32, #tpu.memory_space<vmem>>
      %dma_start3A_326 = tpu.memref_slice %arg6[%add3A_317] : memref<131072xi32, #tpu.memory_space<hbm>> -> memref<128xi32, #tpu.memory_space<hbm>>
      %dma_start3A_327 = tpu.memref_slice %arg6[%add3A_317] : memref<131072xi32, #tpu.memory_space<hbm>> -> memref<128xi32, #tpu.memory_space<hbm>>
      %dma_start3A_328 = arith.constant 0 : i32
      %dma_start3A_329 = tpu.memref_slice %arg17[%dma_start3A_328] : memref<512xi32, #tpu.memory_space<vmem>> -> memref<128xi32, #tpu.memory_space<vmem>>
      tpu.enqueue_dma source(%dma_start3A_329 : memref<128xi32, #tpu.memory_space<vmem>>) target(%dma_start3A_327 : memref<128xi32, #tpu.memory_space<hbm>>) target_semaphore(%arg23 : memref<!tpu.dma_semaphore, #tpu.memory_space<semaphore_mem>>)
      %add3A_330 = arith.constant 1024 : i32
      %add3A_331 = arith.addi %add3A_315, %add3A_330 : i32
      %dma_start3A_332 = arith.constant 128 : i32
      %dma_start3A_333 = tpu.memref_slice %arg15[%dma_start3A_332] : memref<512xf32, #tpu.memory_space<vmem>> -> memref<128xf32, #tpu.memory_space<vmem>>
      %dma_start3A_334 = tpu.memref_slice %arg5[%add3A_331] : memref<131072xf32, #tpu.memory_space<hbm>> -> memref<128xf32, #tpu.memory_space<hbm>>
      %dma_start3A_335 = tpu.memref_slice %arg5[%add3A_331] : memref<131072xf32, #tpu.memory_space<hbm>> -> memref<128xf32, #tpu.memory_space<hbm>>
      %dma_start3A_336 = arith.constant 128 : i32
      %dma_start3A_337 = tpu.memref_slice %arg15[%dma_start3A_336] : memref<512xf32, #tpu.memory_space<vmem>> -> memref<128xf32, #tpu.memory_space<vmem>>
      tpu.enqueue_dma source(%dma_start3A_337 : memref<128xf32, #tpu.memory_space<vmem>>) target(%dma_start3A_335 : memref<128xf32, #tpu.memory_space<hbm>>) target_semaphore(%arg23 : memref<!tpu.dma_semaphore, #tpu.memory_space<semaphore_mem>>)
      %dma_start3A_338 = arith.constant 128 : i32
      %dma_start3A_339 = tpu.memref_slice %arg17[%dma_start3A_338] : memref<512xi32, #tpu.memory_space<vmem>> -> memref<128xi32, #tpu.memory_space<vmem>>
      %dma_start3A_340 = tpu.memref_slice %arg6[%add3A_331] : memref<131072xi32, #tpu.memory_space<hbm>> -> memref<128xi32, #tpu.memory_space<hbm>>
      %dma_start3A_341 = tpu.memref_slice %arg6[%add3A_331] : memref<131072xi32, #tpu.memory_space<hbm>> -> memref<128xi32, #tpu.memory_space<hbm>>
      %dma_start3A_342 = arith.constant 128 : i32
      %dma_start3A_343 = tpu.memref_slice %arg17[%dma_start3A_342] : memref<512xi32, #tpu.memory_space<vmem>> -> memref<128xi32, #tpu.memory_space<vmem>>
      tpu.enqueue_dma source(%dma_start3A_343 : memref<128xi32, #tpu.memory_space<vmem>>) target(%dma_start3A_341 : memref<128xi32, #tpu.memory_space<hbm>>) target_semaphore(%arg23 : memref<!tpu.dma_semaphore, #tpu.memory_space<semaphore_mem>>)
      %add3A_344 = arith.constant 2048 : i32
      %add3A_345 = arith.addi %add3A_315, %add3A_344 : i32
      %dma_start3A_346 = arith.constant 256 : i32
      %dma_start3A_347 = tpu.memref_slice %arg15[%dma_start3A_346] : memref<512xf32, #tpu.memory_space<vmem>> -> memref<128xf32, #tpu.memory_space<vmem>>
      %dma_start3A_348 = tpu.memref_slice %arg5[%add3A_345] : memref<131072xf32, #tpu.memory_space<hbm>> -> memref<128xf32, #tpu.memory_space<hbm>>
      %dma_start3A_349 = tpu.memref_slice %arg5[%add3A_345] : memref<131072xf32, #tpu.memory_space<hbm>> -> memref<128xf32, #tpu.memory_space<hbm>>
      %dma_start3A_350 = arith.constant 256 : i32
      %dma_start3A_351 = tpu.memref_slice %arg15[%dma_start3A_350] : memref<512xf32, #tpu.memory_space<vmem>> -> memref<128xf32, #tpu.memory_space<vmem>>
      tpu.enqueue_dma source(%dma_start3A_351 : memref<128xf32, #tpu.memory_space<vmem>>) target(%dma_start3A_349 : memref<128xf32, #tpu.memory_space<hbm>>) target_semaphore(%arg23 : memref<!tpu.dma_semaphore, #tpu.memory_space<semaphore_mem>>)
      %dma_start3A_352 = arith.constant 256 : i32
      %dma_start3A_353 = tpu.memref_slice %arg17[%dma_start3A_352] : memref<512xi32, #tpu.memory_space<vmem>> -> memref<128xi32, #tpu.memory_space<vmem>>
      %dma_start3A_354 = tpu.memref_slice %arg6[%add3A_345] : memref<131072xi32, #tpu.memory_space<hbm>> -> memref<128xi32, #tpu.memory_space<hbm>>
      %dma_start3A_355 = tpu.memref_slice %arg6[%add3A_345] : memref<131072xi32, #tpu.memory_space<hbm>> -> memref<128xi32, #tpu.memory_space<hbm>>
      %dma_start3A_356 = arith.constant 256 : i32
      %dma_start3A_357 = tpu.memref_slice %arg17[%dma_start3A_356] : memref<512xi32, #tpu.memory_space<vmem>> -> memref<128xi32, #tpu.memory_space<vmem>>
      tpu.enqueue_dma source(%dma_start3A_357 : memref<128xi32, #tpu.memory_space<vmem>>) target(%dma_start3A_355 : memref<128xi32, #tpu.memory_space<hbm>>) target_semaphore(%arg23 : memref<!tpu.dma_semaphore, #tpu.memory_space<semaphore_mem>>)
      %add3A_358 = arith.constant 3072 : i32
      %add3A_359 = arith.addi %add3A_315, %add3A_358 : i32
      %dma_start3A_360 = arith.constant 384 : i32
      %dma_start3A_361 = tpu.memref_slice %arg15[%dma_start3A_360] : memref<512xf32, #tpu.memory_space<vmem>> -> memref<128xf32, #tpu.memory_space<vmem>>
      %dma_start3A_362 = tpu.memref_slice %arg5[%add3A_359] : memref<131072xf32, #tpu.memory_space<hbm>> -> memref<128xf32, #tpu.memory_space<hbm>>
      %dma_start3A_363 = tpu.memref_slice %arg5[%add3A_359] : memref<131072xf32, #tpu.memory_space<hbm>> -> memref<128xf32, #tpu.memory_space<hbm>>
      %dma_start3A_364 = arith.constant 384 : i32
      %dma_start3A_365 = tpu.memref_slice %arg15[%dma_start3A_364] : memref<512xf32, #tpu.memory_space<vmem>> -> memref<128xf32, #tpu.memory_space<vmem>>
      tpu.enqueue_dma source(%dma_start3A_365 : memref<128xf32, #tpu.memory_space<vmem>>) target(%dma_start3A_363 : memref<128xf32, #tpu.memory_space<hbm>>) target_semaphore(%arg23 : memref<!tpu.dma_semaphore, #tpu.memory_space<semaphore_mem>>)
      %dma_start3A_366 = arith.constant 384 : i32
      %dma_start3A_367 = tpu.memref_slice %arg17[%dma_start3A_366] : memref<512xi32, #tpu.memory_space<vmem>> -> memref<128xi32, #tpu.memory_space<vmem>>
      %dma_start3A_368 = tpu.memref_slice %arg6[%add3A_359] : memref<131072xi32, #tpu.memory_space<hbm>> -> memref<128xi32, #tpu.memory_space<hbm>>
      %dma_start3A_369 = tpu.memref_slice %arg6[%add3A_359] : memref<131072xi32, #tpu.memory_space<hbm>> -> memref<128xi32, #tpu.memory_space<hbm>>
      %dma_start3A_370 = arith.constant 384 : i32
      %dma_start3A_371 = tpu.memref_slice %arg17[%dma_start3A_370] : memref<512xi32, #tpu.memory_space<vmem>> -> memref<128xi32, #tpu.memory_space<vmem>>
      tpu.enqueue_dma source(%dma_start3A_371 : memref<128xi32, #tpu.memory_space<vmem>>) target(%dma_start3A_369 : memref<128xi32, #tpu.memory_space<hbm>>) target_semaphore(%arg23 : memref<!tpu.dma_semaphore, #tpu.memory_space<semaphore_mem>>)
      %mul3A_372 = arith.constant 4 : i32
      %mul3A_373 = arith.muli %shift_right_arithmetic3A_308, %mul3A_372 : i32
      %mul3A_374 = arith.constant 16384 : i32
      %mul3A_375 = arith.muli %mul3A_373, %mul3A_374 : i32
      %mul3A_376 = arith.constant 4 : i32
      %mul3A_377 = arith.muli %and3A_310, %mul3A_376 : i32
      %mul3A_378 = arith.constant 128 : i32
      %mul3A_379 = arith.muli %mul3A_377, %mul3A_378 : i32
      %add3A_380 = arith.addi %mul3A_375, %mul3A_379 : i32
      %dma_start3A_381 = tpu.memref_slice %arg7[%add3A_380] : memref<524288xf32, #tpu.memory_space<hbm>> -> memref<2048xf32, #tpu.memory_space<hbm>>
      %dma_start3A_382 = tpu.memref_slice %arg7[%add3A_380] : memref<524288xf32, #tpu.memory_space<hbm>> -> memref<2048xf32, #tpu.memory_space<hbm>>
      tpu.enqueue_dma source(%arg19 : memref<2048xf32, #tpu.memory_space<vmem>>) target(%dma_start3A_382 : memref<2048xf32, #tpu.memory_space<hbm>>) target_semaphore(%arg23 : memref<!tpu.dma_semaphore, #tpu.memory_space<semaphore_mem>>)
    }
    %scan3A_17 = arith.constant 4 : i32
    %add3A_18 = arith.constant 24 : i32
    %add3A_19 = arith.addi %mul3A_2, %add3A_18 : i32
    %shift_right_arithmetic3A = arith.constant 7 : i32
    %shift_right_arithmetic3A_20 = arith.shrsi %add3A_19, %shift_right_arithmetic3A : i32
    %and3A = arith.constant 127 : i32
    %and3A_21 = arith.andi %add3A_19, %and3A : i32
    %mul3A_22 = arith.constant 1024 : i32
    %mul3A_23 = arith.muli %and3A_21, %mul3A_22 : i32
    %mul3A_24 = arith.constant 128 : i32
    %mul3A_25 = arith.muli %shift_right_arithmetic3A_20, %mul3A_24 : i32
    %add3A_26 = arith.addi %mul3A_23, %mul3A_25 : i32
    %add3A_27 = arith.constant 0 : i32
    %add3A_28 = arith.addi %add3A_26, %add3A_27 : i32
    %add3A_29 = arith.constant 1024 : i32
    %add3A_30 = arith.addi %add3A_26, %add3A_29 : i32
    %add3A_31 = arith.constant 2048 : i32
    %add3A_32 = arith.addi %add3A_26, %add3A_31 : i32
    %add3A_33 = arith.constant 3072 : i32
    %add3A_34 = arith.addi %add3A_26, %add3A_33 : i32
    %mul3A_35 = arith.constant 4 : i32
    %mul3A_36 = arith.muli %shift_right_arithmetic3A_20, %mul3A_35 : i32
    %mul3A_37 = arith.constant 16384 : i32
    %mul3A_38 = arith.muli %mul3A_36, %mul3A_37 : i32
    %mul3A_39 = arith.constant 4 : i32
    %mul3A_40 = arith.muli %and3A_21, %mul3A_39 : i32
    %mul3A_41 = arith.constant 128 : i32
    %mul3A_42 = arith.muli %mul3A_40, %mul3A_41 : i32
    %add3A_43 = arith.addi %mul3A_38, %mul3A_42 : i32
    %dma_wait3A = arith.constant 0 : i32
    %dma_wait3A_44 = tpu.memref_slice %arg14[%dma_wait3A] : memref<512xf32, #tpu.memory_space<vmem>> -> memref<128xf32, #tpu.memory_space<vmem>>
    %dma_wait3A_45 = tpu.memref_slice %arg5[%add3A_28] : memref<131072xf32, #tpu.memory_space<hbm>> -> memref<128xf32, #tpu.memory_space<hbm>>
    %dma_wait3A_46 = tpu.memref_slice %arg5[%add3A_28] : memref<131072xf32, #tpu.memory_space<hbm>> -> memref<128xf32, #tpu.memory_space<hbm>>
    %dma_wait3A_47 = arith.constant 0 : i32
    %dma_wait3A_48 = tpu.memref_slice %arg14[%dma_wait3A_47] : memref<512xf32, #tpu.memory_space<vmem>> -> memref<128xf32, #tpu.memory_space<vmem>>
    tpu.wait_dma2 semaphore(%arg22 : memref<!tpu.dma_semaphore, #tpu.memory_space<semaphore_mem>>) src(%dma_wait3A_48 : memref<128xf32, #tpu.memory_space<vmem>>) dst(%dma_wait3A_46 : memref<128xf32, #tpu.memory_space<hbm>>)
    %dma_wait3A_49 = arith.constant 0 : i32
    %dma_wait3A_50 = tpu.memref_slice %arg16[%dma_wait3A_49] : memref<512xi32, #tpu.memory_space<vmem>> -> memref<128xi32, #tpu.memory_space<vmem>>
    %dma_wait3A_51 = tpu.memref_slice %arg6[%add3A_28] : memref<131072xi32, #tpu.memory_space<hbm>> -> memref<128xi32, #tpu.memory_space<hbm>>
    %dma_wait3A_52 = tpu.memref_slice %arg6[%add3A_28] : memref<131072xi32, #tpu.memory_space<hbm>> -> memref<128xi32, #tpu.memory_space<hbm>>
    %dma_wait3A_53 = arith.constant 0 : i32
    %dma_wait3A_54 = tpu.memref_slice %arg16[%dma_wait3A_53] : memref<512xi32, #tpu.memory_space<vmem>> -> memref<128xi32, #tpu.memory_space<vmem>>
    tpu.wait_dma2 semaphore(%arg22 : memref<!tpu.dma_semaphore, #tpu.memory_space<semaphore_mem>>) src(%dma_wait3A_54 : memref<128xi32, #tpu.memory_space<vmem>>) dst(%dma_wait3A_52 : memref<128xi32, #tpu.memory_space<hbm>>)
    %dma_wait3A_55 = arith.constant 128 : i32
    %dma_wait3A_56 = tpu.memref_slice %arg14[%dma_wait3A_55] : memref<512xf32, #tpu.memory_space<vmem>> -> memref<128xf32, #tpu.memory_space<vmem>>
    %dma_wait3A_57 = tpu.memref_slice %arg5[%add3A_30] : memref<131072xf32, #tpu.memory_space<hbm>> -> memref<128xf32, #tpu.memory_space<hbm>>
    %dma_wait3A_58 = tpu.memref_slice %arg5[%add3A_30] : memref<131072xf32, #tpu.memory_space<hbm>> -> memref<128xf32, #tpu.memory_space<hbm>>
    %dma_wait3A_59 = arith.constant 128 : i32
    %dma_wait3A_60 = tpu.memref_slice %arg14[%dma_wait3A_59] : memref<512xf32, #tpu.memory_space<vmem>> -> memref<128xf32, #tpu.memory_space<vmem>>
    tpu.wait_dma2 semaphore(%arg22 : memref<!tpu.dma_semaphore, #tpu.memory_space<semaphore_mem>>) src(%dma_wait3A_60 : memref<128xf32, #tpu.memory_space<vmem>>) dst(%dma_wait3A_58 : memref<128xf32, #tpu.memory_space<hbm>>)
    %dma_wait3A_61 = arith.constant 128 : i32
    %dma_wait3A_62 = tpu.memref_slice %arg16[%dma_wait3A_61] : memref<512xi32, #tpu.memory_space<vmem>> -> memref<128xi32, #tpu.memory_space<vmem>>
    %dma_wait3A_63 = tpu.memref_slice %arg6[%add3A_30] : memref<131072xi32, #tpu.memory_space<hbm>> -> memref<128xi32, #tpu.memory_space<hbm>>
    %dma_wait3A_64 = tpu.memref_slice %arg6[%add3A_30] : memref<131072xi32, #tpu.memory_space<hbm>> -> memref<128xi32, #tpu.memory_space<hbm>>
    %dma_wait3A_65 = arith.constant 128 : i32
    %dma_wait3A_66 = tpu.memref_slice %arg16[%dma_wait3A_65] : memref<512xi32, #tpu.memory_space<vmem>> -> memref<128xi32, #tpu.memory_space<vmem>>
    tpu.wait_dma2 semaphore(%arg22 : memref<!tpu.dma_semaphore, #tpu.memory_space<semaphore_mem>>) src(%dma_wait3A_66 : memref<128xi32, #tpu.memory_space<vmem>>) dst(%dma_wait3A_64 : memref<128xi32, #tpu.memory_space<hbm>>)
    %dma_wait3A_67 = arith.constant 256 : i32
    %dma_wait3A_68 = tpu.memref_slice %arg14[%dma_wait3A_67] : memref<512xf32, #tpu.memory_space<vmem>> -> memref<128xf32, #tpu.memory_space<vmem>>
    %dma_wait3A_69 = tpu.memref_slice %arg5[%add3A_32] : memref<131072xf32, #tpu.memory_space<hbm>> -> memref<128xf32, #tpu.memory_space<hbm>>
    %dma_wait3A_70 = tpu.memref_slice %arg5[%add3A_32] : memref<131072xf32, #tpu.memory_space<hbm>> -> memref<128xf32, #tpu.memory_space<hbm>>
    %dma_wait3A_71 = arith.constant 256 : i32
    %dma_wait3A_72 = tpu.memref_slice %arg14[%dma_wait3A_71] : memref<512xf32, #tpu.memory_space<vmem>> -> memref<128xf32, #tpu.memory_space<vmem>>
    tpu.wait_dma2 semaphore(%arg22 : memref<!tpu.dma_semaphore, #tpu.memory_space<semaphore_mem>>) src(%dma_wait3A_72 : memref<128xf32, #tpu.memory_space<vmem>>) dst(%dma_wait3A_70 : memref<128xf32, #tpu.memory_space<hbm>>)
    %dma_wait3A_73 = arith.constant 256 : i32
    %dma_wait3A_74 = tpu.memref_slice %arg16[%dma_wait3A_73] : memref<512xi32, #tpu.memory_space<vmem>> -> memref<128xi32, #tpu.memory_space<vmem>>
    %dma_wait3A_75 = tpu.memref_slice %arg6[%add3A_32] : memref<131072xi32, #tpu.memory_space<hbm>> -> memref<128xi32, #tpu.memory_space<hbm>>
    %dma_wait3A_76 = tpu.memref_slice %arg6[%add3A_32] : memref<131072xi32, #tpu.memory_space<hbm>> -> memref<128xi32, #tpu.memory_space<hbm>>
    %dma_wait3A_77 = arith.constant 256 : i32
    %dma_wait3A_78 = tpu.memref_slice %arg16[%dma_wait3A_77] : memref<512xi32, #tpu.memory_space<vmem>> -> memref<128xi32, #tpu.memory_space<vmem>>
    tpu.wait_dma2 semaphore(%arg22 : memref<!tpu.dma_semaphore, #tpu.memory_space<semaphore_mem>>) src(%dma_wait3A_78 : memref<128xi32, #tpu.memory_space<vmem>>) dst(%dma_wait3A_76 : memref<128xi32, #tpu.memory_space<hbm>>)
    %dma_wait3A_79 = arith.constant 384 : i32
    %dma_wait3A_80 = tpu.memref_slice %arg14[%dma_wait3A_79] : memref<512xf32, #tpu.memory_space<vmem>> -> memref<128xf32, #tpu.memory_space<vmem>>
    %dma_wait3A_81 = tpu.memref_slice %arg5[%add3A_34] : memref<131072xf32, #tpu.memory_space<hbm>> -> memref<128xf32, #tpu.memory_space<hbm>>
    %dma_wait3A_82 = tpu.memref_slice %arg5[%add3A_34] : memref<131072xf32, #tpu.memory_space<hbm>> -> memref<128xf32, #tpu.memory_space<hbm>>
    %dma_wait3A_83 = arith.constant 384 : i32
    %dma_wait3A_84 = tpu.memref_slice %arg14[%dma_wait3A_83] : memref<512xf32, #tpu.memory_space<vmem>> -> memref<128xf32, #tpu.memory_space<vmem>>
    tpu.wait_dma2 semaphore(%arg22 : memref<!tpu.dma_semaphore, #tpu.memory_space<semaphore_mem>>) src(%dma_wait3A_84 : memref<128xf32, #tpu.memory_space<vmem>>) dst(%dma_wait3A_82 : memref<128xf32, #tpu.memory_space<hbm>>)
    %dma_wait3A_85 = arith.constant 384 : i32
    %dma_wait3A_86 = tpu.memref_slice %arg16[%dma_wait3A_85] : memref<512xi32, #tpu.memory_space<vmem>> -> memref<128xi32, #tpu.memory_space<vmem>>
    %dma_wait3A_87 = tpu.memref_slice %arg6[%add3A_34] : memref<131072xi32, #tpu.memory_space<hbm>> -> memref<128xi32, #tpu.memory_space<hbm>>
    %dma_wait3A_88 = tpu.memref_slice %arg6[%add3A_34] : memref<131072xi32, #tpu.memory_space<hbm>> -> memref<128xi32, #tpu.memory_space<hbm>>
    %dma_wait3A_89 = arith.constant 384 : i32
    %dma_wait3A_90 = tpu.memref_slice %arg16[%dma_wait3A_89] : memref<512xi32, #tpu.memory_space<vmem>> -> memref<128xi32, #tpu.memory_space<vmem>>
    tpu.wait_dma2 semaphore(%arg22 : memref<!tpu.dma_semaphore, #tpu.memory_space<semaphore_mem>>) src(%dma_wait3A_90 : memref<128xi32, #tpu.memory_space<vmem>>) dst(%dma_wait3A_88 : memref<128xi32, #tpu.memory_space<hbm>>)
    %dma_wait3A_91 = tpu.memref_slice %arg7[%add3A_43] : memref<524288xf32, #tpu.memory_space<hbm>> -> memref<2048xf32, #tpu.memory_space<hbm>>
    %dma_wait3A_92 = tpu.memref_slice %arg7[%add3A_43] : memref<524288xf32, #tpu.memory_space<hbm>> -> memref<2048xf32, #tpu.memory_space<hbm>>
    tpu.wait_dma2 semaphore(%arg22 : memref<!tpu.dma_semaphore, #tpu.memory_space<semaphore_mem>>) src(%arg18 : memref<2048xf32, #tpu.memory_space<vmem>>) dst(%dma_wait3A_92 : memref<2048xf32, #tpu.memory_space<hbm>>)
    %add3A_93 = arith.constant 28 : i32
    %add3A_94 = arith.addi %mul3A_2, %add3A_93 : i32
    %shift_right_arithmetic3A_95 = arith.constant 7 : i32
    %shift_right_arithmetic3A_96 = arith.shrsi %add3A_94, %shift_right_arithmetic3A_95 : i32
    %and3A_97 = arith.constant 127 : i32
    %and3A_98 = arith.andi %add3A_94, %and3A_97 : i32
    %mul3A_99 = arith.constant 1024 : i32
    %mul3A_100 = arith.muli %and3A_98, %mul3A_99 : i32
    %mul3A_101 = arith.constant 128 : i32
    %mul3A_102 = arith.muli %shift_right_arithmetic3A_96, %mul3A_101 : i32
    %add3A_103 = arith.addi %mul3A_100, %mul3A_102 : i32
    %add3A_104 = arith.constant 0 : i32
    %add3A_105 = arith.addi %add3A_103, %add3A_104 : i32
    %add3A_106 = arith.constant 1024 : i32
    %add3A_107 = arith.addi %add3A_103, %add3A_106 : i32
    %add3A_108 = arith.constant 2048 : i32
    %add3A_109 = arith.addi %add3A_103, %add3A_108 : i32
    %add3A_110 = arith.constant 3072 : i32
    %add3A_111 = arith.addi %add3A_103, %add3A_110 : i32
    %mul3A_112 = arith.constant 4 : i32
    %mul3A_113 = arith.muli %shift_right_arithmetic3A_96, %mul3A_112 : i32
    %mul3A_114 = arith.constant 16384 : i32
    %mul3A_115 = arith.muli %mul3A_113, %mul3A_114 : i32
    %mul3A_116 = arith.constant 4 : i32
    %mul3A_117 = arith.muli %and3A_98, %mul3A_116 : i32
    %mul3A_118 = arith.constant 128 : i32
    %mul3A_119 = arith.muli %mul3A_117, %mul3A_118 : i32
    %add3A_120 = arith.addi %mul3A_115, %mul3A_119 : i32
    %dma_wait3A_121 = arith.constant 0 : i32
    %dma_wait3A_122 = tpu.memref_slice %arg15[%dma_wait3A_121] : memref<512xf32, #tpu.memory_space<vmem>> -> memref<128xf32, #tpu.memory_space<vmem>>
    %dma_wait3A_123 = tpu.memref_slice %arg5[%add3A_105] : memref<131072xf32, #tpu.memory_space<hbm>> -> memref<128xf32, #tpu.memory_space<hbm>>
    %dma_wait3A_124 = tpu.memref_slice %arg5[%add3A_105] : memref<131072xf32, #tpu.memory_space<hbm>> -> memref<128xf32, #tpu.memory_space<hbm>>
    %dma_wait3A_125 = arith.constant 0 : i32
    %dma_wait3A_126 = tpu.memref_slice %arg15[%dma_wait3A_125] : memref<512xf32, #tpu.memory_space<vmem>> -> memref<128xf32, #tpu.memory_space<vmem>>
    tpu.wait_dma2 semaphore(%arg23 : memref<!tpu.dma_semaphore, #tpu.memory_space<semaphore_mem>>) src(%dma_wait3A_126 : memref<128xf32, #tpu.memory_space<vmem>>) dst(%dma_wait3A_124 : memref<128xf32, #tpu.memory_space<hbm>>)
    %dma_wait3A_127 = arith.constant 0 : i32
    %dma_wait3A_128 = tpu.memref_slice %arg17[%dma_wait3A_127] : memref<512xi32, #tpu.memory_space<vmem>> -> memref<128xi32, #tpu.memory_space<vmem>>
    %dma_wait3A_129 = tpu.memref_slice %arg6[%add3A_105] : memref<131072xi32, #tpu.memory_space<hbm>> -> memref<128xi32, #tpu.memory_space<hbm>>
    %dma_wait3A_130 = tpu.memref_slice %arg6[%add3A_105] : memref<131072xi32, #tpu.memory_space<hbm>> -> memref<128xi32, #tpu.memory_space<hbm>>
    %dma_wait3A_131 = arith.constant 0 : i32
    %dma_wait3A_132 = tpu.memref_slice %arg17[%dma_wait3A_131] : memref<512xi32, #tpu.memory_space<vmem>> -> memref<128xi32, #tpu.memory_space<vmem>>
    tpu.wait_dma2 semaphore(%arg23 : memref<!tpu.dma_semaphore, #tpu.memory_space<semaphore_mem>>) src(%dma_wait3A_132 : memref<128xi32, #tpu.memory_space<vmem>>) dst(%dma_wait3A_130 : memref<128xi32, #tpu.memory_space<hbm>>)
    %dma_wait3A_133 = arith.constant 128 : i32
    %dma_wait3A_134 = tpu.memref_slice %arg15[%dma_wait3A_133] : memref<512xf32, #tpu.memory_space<vmem>> -> memref<128xf32, #tpu.memory_space<vmem>>
    %dma_wait3A_135 = tpu.memref_slice %arg5[%add3A_107] : memref<131072xf32, #tpu.memory_space<hbm>> -> memref<128xf32, #tpu.memory_space<hbm>>
    %dma_wait3A_136 = tpu.memref_slice %arg5[%add3A_107] : memref<131072xf32, #tpu.memory_space<hbm>> -> memref<128xf32, #tpu.memory_space<hbm>>
    %dma_wait3A_137 = arith.constant 128 : i32
    %dma_wait3A_138 = tpu.memref_slice %arg15[%dma_wait3A_137] : memref<512xf32, #tpu.memory_space<vmem>> -> memref<128xf32, #tpu.memory_space<vmem>>
    tpu.wait_dma2 semaphore(%arg23 : memref<!tpu.dma_semaphore, #tpu.memory_space<semaphore_mem>>) src(%dma_wait3A_138 : memref<128xf32, #tpu.memory_space<vmem>>) dst(%dma_wait3A_136 : memref<128xf32, #tpu.memory_space<hbm>>)
    %dma_wait3A_139 = arith.constant 128 : i32
    %dma_wait3A_140 = tpu.memref_slice %arg17[%dma_wait3A_139] : memref<512xi32, #tpu.memory_space<vmem>> -> memref<128xi32, #tpu.memory_space<vmem>>
    %dma_wait3A_141 = tpu.memref_slice %arg6[%add3A_107] : memref<131072xi32, #tpu.memory_space<hbm>> -> memref<128xi32, #tpu.memory_space<hbm>>
    %dma_wait3A_142 = tpu.memref_slice %arg6[%add3A_107] : memref<131072xi32, #tpu.memory_space<hbm>> -> memref<128xi32, #tpu.memory_space<hbm>>
    %dma_wait3A_143 = arith.constant 128 : i32
    %dma_wait3A_144 = tpu.memref_slice %arg17[%dma_wait3A_143] : memref<512xi32, #tpu.memory_space<vmem>> -> memref<128xi32, #tpu.memory_space<vmem>>
    tpu.wait_dma2 semaphore(%arg23 : memref<!tpu.dma_semaphore, #tpu.memory_space<semaphore_mem>>) src(%dma_wait3A_144 : memref<128xi32, #tpu.memory_space<vmem>>) dst(%dma_wait3A_142 : memref<128xi32, #tpu.memory_space<hbm>>)
    %dma_wait3A_145 = arith.constant 256 : i32
    %dma_wait3A_146 = tpu.memref_slice %arg15[%dma_wait3A_145] : memref<512xf32, #tpu.memory_space<vmem>> -> memref<128xf32, #tpu.memory_space<vmem>>
    %dma_wait3A_147 = tpu.memref_slice %arg5[%add3A_109] : memref<131072xf32, #tpu.memory_space<hbm>> -> memref<128xf32, #tpu.memory_space<hbm>>
    %dma_wait3A_148 = tpu.memref_slice %arg5[%add3A_109] : memref<131072xf32, #tpu.memory_space<hbm>> -> memref<128xf32, #tpu.memory_space<hbm>>
    %dma_wait3A_149 = arith.constant 256 : i32
    %dma_wait3A_150 = tpu.memref_slice %arg15[%dma_wait3A_149] : memref<512xf32, #tpu.memory_space<vmem>> -> memref<128xf32, #tpu.memory_space<vmem>>
    tpu.wait_dma2 semaphore(%arg23 : memref<!tpu.dma_semaphore, #tpu.memory_space<semaphore_mem>>) src(%dma_wait3A_150 : memref<128xf32, #tpu.memory_space<vmem>>) dst(%dma_wait3A_148 : memref<128xf32, #tpu.memory_space<hbm>>)
    %dma_wait3A_151 = arith.constant 256 : i32
    %dma_wait3A_152 = tpu.memref_slice %arg17[%dma_wait3A_151] : memref<512xi32, #tpu.memory_space<vmem>> -> memref<128xi32, #tpu.memory_space<vmem>>
    %dma_wait3A_153 = tpu.memref_slice %arg6[%add3A_109] : memref<131072xi32, #tpu.memory_space<hbm>> -> memref<128xi32, #tpu.memory_space<hbm>>
    %dma_wait3A_154 = tpu.memref_slice %arg6[%add3A_109] : memref<131072xi32, #tpu.memory_space<hbm>> -> memref<128xi32, #tpu.memory_space<hbm>>
    %dma_wait3A_155 = arith.constant 256 : i32
    %dma_wait3A_156 = tpu.memref_slice %arg17[%dma_wait3A_155] : memref<512xi32, #tpu.memory_space<vmem>> -> memref<128xi32, #tpu.memory_space<vmem>>
    tpu.wait_dma2 semaphore(%arg23 : memref<!tpu.dma_semaphore, #tpu.memory_space<semaphore_mem>>) src(%dma_wait3A_156 : memref<128xi32, #tpu.memory_space<vmem>>) dst(%dma_wait3A_154 : memref<128xi32, #tpu.memory_space<hbm>>)
    %dma_wait3A_157 = arith.constant 384 : i32
    %dma_wait3A_158 = tpu.memref_slice %arg15[%dma_wait3A_157] : memref<512xf32, #tpu.memory_space<vmem>> -> memref<128xf32, #tpu.memory_space<vmem>>
    %dma_wait3A_159 = tpu.memref_slice %arg5[%add3A_111] : memref<131072xf32, #tpu.memory_space<hbm>> -> memref<128xf32, #tpu.memory_space<hbm>>
    %dma_wait3A_160 = tpu.memref_slice %arg5[%add3A_111] : memref<131072xf32, #tpu.memory_space<hbm>> -> memref<128xf32, #tpu.memory_space<hbm>>
    %dma_wait3A_161 = arith.constant 384 : i32
    %dma_wait3A_162 = tpu.memref_slice %arg15[%dma_wait3A_161] : memref<512xf32, #tpu.memory_space<vmem>> -> memref<128xf32, #tpu.memory_space<vmem>>
    tpu.wait_dma2 semaphore(%arg23 : memref<!tpu.dma_semaphore, #tpu.memory_space<semaphore_mem>>) src(%dma_wait3A_162 : memref<128xf32, #tpu.memory_space<vmem>>) dst(%dma_wait3A_160 : memref<128xf32, #tpu.memory_space<hbm>>)
    %dma_wait3A_163 = arith.constant 384 : i32
    %dma_wait3A_164 = tpu.memref_slice %arg17[%dma_wait3A_163] : memref<512xi32, #tpu.memory_space<vmem>> -> memref<128xi32, #tpu.memory_space<vmem>>
    %dma_wait3A_165 = tpu.memref_slice %arg6[%add3A_111] : memref<131072xi32, #tpu.memory_space<hbm>> -> memref<128xi32, #tpu.memory_space<hbm>>
    %dma_wait3A_166 = tpu.memref_slice %arg6[%add3A_111] : memref<131072xi32, #tpu.memory_space<hbm>> -> memref<128xi32, #tpu.memory_space<hbm>>
    %dma_wait3A_167 = arith.constant 384 : i32
    %dma_wait3A_168 = tpu.memref_slice %arg17[%dma_wait3A_167] : memref<512xi32, #tpu.memory_space<vmem>> -> memref<128xi32, #tpu.memory_space<vmem>>
    tpu.wait_dma2 semaphore(%arg23 : memref<!tpu.dma_semaphore, #tpu.memory_space<semaphore_mem>>) src(%dma_wait3A_168 : memref<128xi32, #tpu.memory_space<vmem>>) dst(%dma_wait3A_166 : memref<128xi32, #tpu.memory_space<hbm>>)
    %dma_wait3A_169 = tpu.memref_slice %arg7[%add3A_120] : memref<524288xf32, #tpu.memory_space<hbm>> -> memref<2048xf32, #tpu.memory_space<hbm>>
    %dma_wait3A_170 = tpu.memref_slice %arg7[%add3A_120] : memref<524288xf32, #tpu.memory_space<hbm>> -> memref<2048xf32, #tpu.memory_space<hbm>>
    tpu.wait_dma2 semaphore(%arg23 : memref<!tpu.dma_semaphore, #tpu.memory_space<semaphore_mem>>) src(%arg19 : memref<2048xf32, #tpu.memory_space<vmem>>) dst(%dma_wait3A_170 : memref<2048xf32, #tpu.memory_space<hbm>>)
    return
  }
}

</mosaic_0001>

<sc_bundles>
// kernel: kernel.3.cloned.1.call-start
scs
__scs_entry_jumppad:
0x0: {  	(pc) =	sbr.rel $0x88, $3  }
0x1: {  	(tag) =	ssettag $0x0;
	lr =	simm.s32 $0x1  }
0x2: {  	[smem:$0x3F9E] =	sst lr;
	_ =	strace $0xD0000000  }
0x3: {  	_ = 	snop  }
0x4: {  	_ = 	snop  }
0x5: {  	_ = 	snop  }
0x6: {  	_ = 	snop  }
0x7: {  	_ = 	snop  }
__scs_overlays_trampoline_lowered:
0x8: {  	[smem:$0x3FAD] =	sst s0  }
0x9: {  	[smem:$0x3FAE] =	sst s1  }
0xa: {  	[smem:$0x3FAF] =	sst s2  }
0xb: {  	[smem:$0x3FB0] =	sst s3  }
0xc: {  	[smem:$0x3FB1] =	sst s4  }
0xd: {  	[smem:$0x3FB2] =	sst s5  }
0xe: {  	[smem:$0x3FB3] =	sst s6  }
0xf: {  	[smem:$0x3FB4] =	sst s7  }
0x10: {  	[smem:$0x3FB5] =	sst s8  }
0x11: {  	[smem:$0x3FB6] =	sst s9;
	s0 =	simm.s32 @!p0 $0x0  }
0x12: {  	s1 =	sld [smem:$0x3F9C];
	s0 =	simm.s32 @p0 $0x1  }
0x13: {  	[smem:$0x3FB7] =	sst s0;
	s0 =	simm.s32 @!p1 $0x0  }
0x14: {  	s2 =	sld [smem:$0x3F9B];
	s0 =	simm.s32 @p1 $0x1  }
0x15: {  	[smem:$0x3FB8] =	sst s0;
	s0 =	simm.s32 @!p2 $0x0  }
0x16: {  	s3 =	sld [smem:$0x3FDB];
	s0 =	simm.s32 @p2 $0x1  }
0x17: {  	s4 =	simm.s32 $0x1BF5;
	[smem:$0x3FBA] =	sst s0  }
0x18: {  	s0 =	sld [smem:$0x3F9D];
	_ =	swait.ge [sflag:s4], $0x0  }
0x19: {  	s7 =	sld [smem:$0x3F9E]  }
0x1a: {  	s8 =	sadd.s32 $0xFFFFE003, lr  }
0x1b: {  	s9 =	sadd.s32 $0xFFFFFEF7, lr;
	s5 =	simm.s32 $0xFFFFFFFF;
	p2 =	slt.u32 s8, $0xFFFFF086  }
0x1c: {  	p1 =	slt.u32 s9, $0xF7A;
	s5 =	simm.s32 @!p2 $0x0  }
0x1d: {  	s5 =	simm.s32 @p1 $0x1;
	p0 =	seq.s32 s7, s2  }
0x1e: {  	s7 =	smul.u32 @!p0 $0xF7A, s2;
	p2 =	seq.s32 @!p0 s5, $0x0  }
0x1f: {  	s9 =	smul.u32 $0xF7A, s1;
	s8 =	simm.s32 @!p0 $0x1BF5;
	p2 =	por !p2, p0  }
0x20: {  	[sflag:s8] =	ssyncset.s32 @!p0 $0xFFFFF086;
	s6 =	sadd.s32 @!p0 s3, s7;
	s7 =	simm.s32 @!p0 $0x108  }
0x21: {  	s3 =	sadd.s32 s3, s9;
	s6 =	sadd.s32 @!p0 $0x88, s6;
	s7 =	simm.s32 @p2 $0x1082  }
0x22: {  	[simem:s7], [sflag:s8] =	dma.local @!p0 [hbm:s6], $0xF7A  }
0x23: {  	s9 =	sor.u32 $0xD0000000, s2;
	s6 =	simm.s32 $0x108;
	_ =	swait.ge @!p0 [sflag:s8], $0x0  }
0x24: {  	s3 =	sadd.s32 $0x88, s3;
	s6 =	simm.s32 @!p1 $0x1082;
	[sflag:s4] =	ssyncset.s32 $0xFFFFF086  }
0x25: {  	[simem:s6], [sflag:s4] =	dma.local [hbm:s3], $0xF7A  }
0x26: {  	[smem:$0x3F9E] =	sst s1;
	(tag) =	ssettag s2;
	_ =	strace s9  }
0x27: {  	s1 =	sld [smem:$0x3FAE]  }
0x28: {  	s2 =	sld [smem:$0x3FAF]  }
0x29: {  	s4 =	sld [smem:$0x3FB1]  }
0x2a: {  	p0 =	seq.s32 s5, $0x0;
	s5 =	sld [smem:$0x3FB2]  }
0x2b: {  	s6 =	sld [smem:$0x3FB3]  }
0x2c: {  	s7 =	sld [smem:$0x3FB4]  }
0x2d: {  	s3 =	simm.s32 $0x108;
	s8 =	sld [smem:$0x3FB5]  }
0x2e: {  	s3 =	simm.s32 @!p0 $0x1082;
	s9 =	sld [smem:$0x3FB6]  }
0x2f: {  	lr =	sadd.s32 s0, s3;
	s0 =	sld [smem:$0x3FAD]  }
0x30: {  	s3 =	sld [smem:$0x3FB0]  }
0x31: {  	[smem:$0x3FB9] =	sst s10  }
0x32: {  	s10 =	sld [smem:$0x3FB7];
	_ =	sdelay $0x3  }
0x33: {  	p0 =	seq.s32 s10, $0x1;
	s10 =	sld [smem:$0x3FB9];
	_ =	sdelay $0x3  }
0x34: {  	[smem:$0x3FB9] =	sst s10  }
0x35: {  	s10 =	sld [smem:$0x3FB8];
	_ =	sdelay $0x3  }
0x36: {  	p1 =	seq.s32 s10, $0x1;
	s10 =	sld [smem:$0x3FB9];
	_ =	sdelay $0x3  }
0x37: {  	[smem:$0x3FB9] =	sst s10  }
0x38: {  	s10 =	sld [smem:$0x3FBA]  }
0x39: {  	_ = 	snop;
	(pc) =	sbr.ind lr, $3  }
0x3a: {  	_ = 	snop  }
0x3b: {  	_ = 	snop  }
0x3c: {  	p2 =	seq.s32 s10, $0x1;
	s10 =	sld [smem:$0x3FB9]  }
0x3d: {  	_ =	shalt  }
0x3e: {  	_ =	shalt  }
0x3f: {  	_ =	shalt  }
0x40: {  	_ =	shalt  }
0x41: {  	_ =	shalt  }
0x42: {  	_ =	shalt  }
0x43: {  	_ =	shalt  }
0x44: {  	_ =	shalt  }
0x45: {  	_ =	shalt  }
0x46: {  	_ =	shalt  }
0x47: {  	_ =	shalt  }
0x48: {  	_ =	shalt  }
0x49: {  	_ =	shalt  }
0x4a: {  	_ =	shalt  }
0x4b: {  	_ =	shalt  }
0x4c: {  	_ =	shalt  }
0x4d: {  	_ =	shalt  }
0x4e: {  	_ =	shalt  }
0x4f: {  	_ =	shalt  }
0x50: {  	_ =	shalt  }
0x51: {  	_ =	shalt  }
0x52: {  	_ =	shalt  }
0x53: {  	_ =	shalt  }
0x54: {  	_ =	shalt  }
0x55: {  	_ =	shalt  }
0x56: {  	_ =	shalt  }
0x57: {  	_ =	shalt  }
0x58: {  	_ =	shalt  }
0x59: {  	_ =	shalt  }
0x5a: {  	_ =	shalt  }
0x5b: {  	_ =	shalt  }
0x5c: {  	_ =	shalt  }
0x5d: {  	_ =	shalt  }
0x5e: {  	_ =	shalt  }
0x5f: {  	_ =	shalt  }
0x60: {  	_ =	shalt  }
0x61: {  	_ =	shalt  }
0x62: {  	_ =	shalt  }
0x63: {  	_ =	shalt  }
0x64: {  	_ =	shalt  }
0x65: {  	_ =	shalt  }
0x66: {  	_ =	shalt  }
0x67: {  	_ =	shalt  }
0x68: {  	_ =	shalt  }
0x69: {  	_ =	shalt  }
0x6a: {  	_ =	shalt  }
0x6b: {  	_ =	shalt  }
0x6c: {  	_ =	shalt  }
0x6d: {  	_ =	shalt  }
0x6e: {  	_ =	shalt  }
0x6f: {  	_ =	shalt  }
0x70: {  	_ =	shalt  }
0x71: {  	_ =	shalt  }
0x72: {  	_ =	shalt  }
0x73: {  	_ =	shalt  }
0x74: {  	_ =	shalt  }
0x75: {  	_ =	shalt  }
0x76: {  	_ =	shalt  }
0x77: {  	_ =	shalt  }
0x78: {  	_ =	shalt  }
0x79: {  	_ =	shalt  }
0x7a: {  	_ =	shalt  }
0x7b: {  	_ =	shalt  }
0x7c: {  	_ =	shalt  }
0x7d: {  	_ =	shalt  }
0x7e: {  	_ =	shalt  }
0x7f: {  	_ =	shalt  }
0x80: {  	_ =	shalt  }
0x81: {  	_ =	shalt  }
0x82: {  	_ =	shalt  }
0x83: {  	_ =	shalt  }
0x84: {  	_ =	shalt  }
0x85: {  	_ =	shalt  }
0x86: {  	_ =	shalt  }
0x87: {  	_ =	shalt  }
.Lfunc_end0:
.L_simem_size_0:
called_computation_lowered:
.L_overlay_start_0:
0x88: {  	s2 =	sld [smem:$0x3FD9]  }
0x89: {  	s3 =	sld [smem:$0x3FFE];
	_ =	sdelay $0x1  }
0x8a: {  	s1 =	srdreg.scid  }
0x8b: {  	s0 =	sand.u32 $0x1, s1  }
0x8c: {  	s15 =	sshll.u32 s0, $0xA;
	s2 =	sadd.s32 s3, s2  }
0x8d: {  	s2 =	sadd.s32 s2, s15  }
0x8e: {  	[smem:$0x3FC5] =	sst s2  }
0x8f: {  	_ = 	snop  }
0x90: {  	s2 =	sld [smem:$0x3FD0]  }
0x91: {  	s16 =	sld [smem:$0x3FC9]  }
0x92: {  	s4 =	sld [smem:$0x3FC8]  }
0x93: {  	s6 =	simm.s32 $0xA;
	s7 =	simm.s32 $0x10;
	s5 =	sld [smem:$0x3FC7]  }
0x94: {  	[smem:s7], [sflag:s6] =	dma.local [hbm:s2], $0x1  }
0x95: {  	_ =	swait.eq [sflag:s6], $0x1  }
0x96: {  	s17 =	sld [smem:$0x10];
	[sflag:s6] =	ssyncset.done $0x0  }
0x97: {  	s18 =	sld [smem:$0x11];
	[sflag:s6] =	ssyncadd.s32 $0xFFFFFFFF  }
0x98: {  	s19 =	sld [smem:$0x12];
	(tm) =	ssettm $0x1  }
0x99: {  	s8 =	sld [smem:$0x3FFB];
	_ =	sdelay $0x3  }
0x9a: {  	_ =	strace s8  }
0x9b: {  	s8 =	sld [smem:$0x3FFC];
	_ =	sdelay $0x3  }
0x9c: {  	_ =	strace s8  }
0x9d: {  	s8 =	sld [smem:$0x3FFD];
	_ =	sdelay $0x3  }
0x9e: {  	_ =	strace s8  }
0x9f: {  	_ =	strace $0x8FFFFFFF  }
0xa0: {  	s20 =	sld [smem:$0x3FDB];
	_ =	sdelay $0x1  }
0xa1: {  	s9 =	simm.s32 $_scs_section_size  }
0xa2: {  	s10 =	simm.s32 $_size__tile_overlayer_lowered;
	s11 =	simm.s32 $_tile_overlayer_lowered  }
0xa3: {  	s23 =	simm.s32 $0x1BFF;
	s22 =	sshll.u32 s11, $0x1;
	s8 =	sadd.s32 s9, s20  }
0xa4: {  	s12 =	simm.s32 $0x0;
	s21 =	sshll.u32 s10, $0x1;
	s10 =	sadd.s32 s22, s8  }
0xa5: {  	[timem:s12], [sflag:s23] =	dma.local [hbm:s10], s21  }
0xa6: {  	_ =	swait.ge [sflag:s23], s21  }
0xa7: {  	s9 =	ssub.s32 $0x0, s21;
	[sflag:s23] =	ssyncset.done $0x0  }
0xa8: {  	[sflag:s23] =	ssyncadd.s32 s9;
	_ =	sdelay $0x1  }
0xa9: {  	s24 =	simm.s32 $0x1B8B  }
0xaa: {  	_ =	swait.ge [sflag:s24], $0x1  }
0xab: {  	[sflag:s24] =	ssyncset.done $0x0  }
0xac: {  	s25 =	simm.s32 $0x1B8E;
	[sflag:s24] =	ssyncadd.s32 $0xFFFFFFFF  }
0xad: {  	s26 =	simm.s32 $execute0_lowered;
	[smem:$0x3FD2] =	sst s25  }
0xae: {  	s9 =	sshll.u32 s26, $0x1;
	_ =	strace $0x80000046;
	[dreg:$0x1] =	wrdreg $0xFFFFFFFF  }
0xaf: {  	s28 =	simm.s32 $_size_execute0_lowered;
	s8 =	sadd.s32 s8, s9;
	[dreg:$0x0] =	wrdreg $0x0  }
0xb0: {  	s9 =	sshll.u32 s28, $0x1;
	[dreg:$0x2] =	wrdreg s8  }
0xb1: {  	[dreg:$0x3] =	wrdreg s9  }
0xb2: {  	[dreg:$0x4] =	wrdreg $0xC0  }
0xb3: {  	_ =	task [dreg:s12], $0x5FFFF  }
0xb4: {  	[dreg:$0x1] =	wrdreg $0xFFFFFFFF  }
0xb5: {  	[dreg:$0x0] =	wrdreg $0x60  }
0xb6: {  	[dreg:$0x2] =	wrdreg s5  }
0xb7: {  	[dreg:$0x3] =	wrdreg s16  }
0xb8: {  	[dreg:$0x4] =	wrdreg s4  }
0xb9: {  	[dreg:$0x5] =	wrdreg s19  }
0xba: {  	[dreg:$0x6] =	wrdreg s18  }
0xbb: {  	[dreg:$0x7] =	wrdreg s17  }
0xbc: {  	[dreg:$0x8] =	wrdreg $0x9  }
0xbd: {  	_ =	task.clear_ibuf [dreg:s12], $0x9FFFF;
	_ =	strace $0x90000046  }
0xbe: {  	s29 =	simm.s32 $0x9;
	_ =	strace $0x80000048  }
0xbf: {  	_ =	swait.ge [sflag:s29], $0x1  }
0xc0: {  	[sflag:s29] =	ssyncadd.s32 $0xFFFFFFFF  }
0xc1: {  	_ =	strace $0x90000048  }
0xc2: {  	_ =	sfence  }
0xc3: {  	s30 =	sld [smem:$0x0];
	_ =	sdelay $0x2  }
0xc4: {  	s31 =	sshll.u32 s1, $0xD;
	s1 =	sshrl.u32 s1, $0x2  }
0xc5: {  	s3 =	sand.u32 $0x4000, s31;
	s1 =	sadd.s32 s1, s30  }
0xc6: {  	s0 =	sor.u32 s3, s0;
	s1 =	sshll.u32 s1, $0x11  }
0xc7: {  	s0 =	sor.u32 s1, s0  }
0xc8: {  	s0 =	sadd.s32 $0x8F2B, s0  }
0xc9: {  	[sflag:s0] =	ssyncadd.remote.s32 $0x1  }
0xca: {  	_ =	sfence.sel $0xFFFF  }
0xcb: {  	[dreg:$0x0] =	wrdreg $0xFFFFFFFF;
	(pc) =	sbr.abs _section_cstart, $3  }
0xcc: {  	[dreg:$0x1] =	wrdreg $0xFFFFFFFF  }
0xcd: {  	_ =	task.clear_ibuf [dreg:s12], $0x2FFFF;
	_ =	strace $0x9FFFFFFF  }
0xce: {  	(tm) =	ssettm $0x7FFFFFFF  }
0xcf: {  	_ =	shalt  }
tec
execute0_lowered:
.L_overlay_start_1:
0x0: {  	(tag) =	ssettag $0x1  }
0x1: {  	s30 =	rddreg [dreg:$0x0]  }
0x2: {  	s2 =	rddreg [dreg:$0x1]  }
0x3: {  	s11 =	rddreg [dreg:$0x2]  }
0x4: {  	s4 =	rddreg [dreg:$0x3]  }
0x5: {  	s5 =	rddreg [dreg:$0x4];
	s0 =	srdreg.scid;
	s8 =	simm.s32 $0x0  }
0x6: {  	s3 =	stileid.u32;
	s20 =	simm.s32 $0x1;
	s0 =	sand.u32 $0x1, s0  }
0x7: {  	[smem:$0x7FF] =	sst s8;
	s1 =	ssub.s32 $0x2, s0;
	s0 =	sshll.u32 s0, $0x4  }
0x8: {  	_ =	strace $0x80000047;
	s7 =	sshrl.u32 s1, $0x1;
	s0 =	sor.u32 s3, s0  }
0x9: {  	s3 =	smov.u32 s2;
	s26 =	smul.u32 $0xA000, s0;
	s10 =	sshll.u32 s0, $0xB  }
0xa: {  	s9 =	sshll.u32 s0, $0x5;
	s0 =	sshll.u32 s0, $0x9;
	s2 =	sadd.s32 s2, s10  }
0xb: {  	s1 =	ssub.s32 s1, s7;
	s0 =	sadd.s32 s11, s0;
	[dreg:$0x8] =	wrdreg s2  }
0xc: {  	s31 =	simm.s32 $0x2;
	s29 =	smax.u32 s1, $0x1;
	[dreg:$0x9] =	wrdreg s0  }
0xd: {  	s6 =	smov.u32 s11;
	s28 =	sadd.s32 s30, s26;
	[dreg:$0xa] =	wrdreg s29  }
0xe: {  	v0 =	vlaneseq.u32;
	s13 =	sand.u32 $0x380, s9;
	s2 =	simm.s32 $0x0;
	[dreg:$0x7] =	wrdreg s28  }
.LBB2_1:
0xf: {  	[dreg:$0xb] =	wrdreg s2  }
0x10: {  	s0 =	rddreg [dreg:$0x7]  }
0x11: {  	[tilespmem:s8], [sflag:$0x1] =	stream.linear.gather [hbm4b:s0+s8], $0xA000, $0x38;
	[tilespmem:$0x16C00] =	vst v63  }
0x12: {  	s26 =	rddreg [dreg:$0x8];
	s1 =	simm.s32 $0x14000  }
0x13: {  	[tilespmem:s1], [sflag:$0x1] =	stream.linear.gather [hbm4b:s26+s8], $0x800, $0x38;
	[tilespmem:$0x16C00] =	vst v63  }
0x14: {  	s28 =	rddreg [dreg:$0x9];
	s29 =	simm.s32 $0x15000;
	s18 =	simm.s32 $0x0  }
0x15: {  	[tilespmem:s29], [sflag:$0x1] =	stream.linear.gather [hbm4b:s28+s8], $0x200, $0x38;
	[tilespmem:$0x16C00] =	vst v63  }
.LBB2_2:
0x16: {  	s0 =	sshll.u32 s18, $0x3  }
0x17: {  	s22 =	sor.u32 s9, s0  }
0x18: {  	s21 =	sor.u32 $0x4, s22  }
0x19: {  	s24 =	smul.u32 $0x500, s21  }
0x1a: {  	s25 =	sshll.u32 s21, $0x6  }
0x1b: {  	s1 =	simm.s32 $0xA000;
	s19 =	sand.u32 $0x1FFFFF00, s25;
	s0 =	sadd.s32 s30, s24  }
0x1c: {  	[tilespmem:s1], [sflag:$0x2] =	stream.linear.gather [hbm4b:s0+s8], $0xA000, $0x38;
	[tilespmem:$0x16C00] =	vst v63  }
0x1d: {  	s26 =	simm.s32 $0x14800;
	s29 =	sshll.u32 s21, $0x4;
	s0 =	sadd.s32 s3, s19  }
0x1e: {  	[tilespmem:s26], [sflag:$0x2] =	stream.linear.gather [hbm4b:s0+s8], $0x800, $0x38;
	[tilespmem:$0x16C00] =	vst v63  }
0x1f: {  	s0 =	sand.u32 $0x1FFFFFC0, s29  }
0x20: {  	s2 =	smov.u32 s30;
	s30 =	simm.s32 $0x15200;
	s0 =	sadd.s32 s6, s0  }
0x21: {  	[tilespmem:s30], [sflag:$0x2] =	stream.linear.gather [hbm4b:s0+s8], $0x200, $0x38;
	[tilespmem:$0x16C00] =	vst v63  }
0x22: {  	_ =	swait.ge [sflag:s20], $0xA000  }
0x23: {  	[sflag:s20] =	ssyncset.done $0x0  }
0x24: {  	[sflag:s20] =	ssyncadd.s32 $0xFFFF6000  }
0x25: {  	_ =	swait.ge [sflag:s20], $0x800  }
0x26: {  	[sflag:s20] =	ssyncset.done $0x0  }
0x27: {  	[sflag:s20] =	ssyncadd.s32 $0xFFFFF800  }
0x28: {  	_ =	swait.ge [sflag:s20], $0x200  }
0x29: {  	p0 =	seq.s32 s18, $0x0;
	[sflag:s20] =	ssyncset.done $0x0  }
0x2a: {  	s0 =	simm.s32 @!p0 $0x3;
	[sflag:s20] =	ssyncadd.s32 $0xFFFFFE00  }
0x2b: {  	_ =	swait.ge @!p0 [sflag:s0], $0x80  }
0x2c: {  	[sflag:s0] =	ssyncset.done @!p0 $0x0  }
0x2d: {  	[sflag:s0] =	ssyncadd.s32 @!p0 $0xFFFFFF80  }
0x2e: {  	_ =	swait.ge @!p0 [sflag:s0], $0x80  }
0x2f: {  	[sflag:s0] =	ssyncset.done @!p0 $0x0  }
0x30: {  	[sflag:s0] =	ssyncadd.s32 @!p0 $0xFFFFFF80  }
0x31: {  	_ =	swait.ge @!p0 [sflag:s0], $0x80  }
0x32: {  	[sflag:s0] =	ssyncset.done @!p0 $0x0  }
0x33: {  	[sflag:s0] =	ssyncadd.s32 @!p0 $0xFFFFFF80  }
0x34: {  	_ =	swait.ge @!p0 [sflag:s0], $0x80  }
0x35: {  	[sflag:s0] =	ssyncset.done @!p0 $0x0  }
0x36: {  	[sflag:s0] =	ssyncadd.s32 @!p0 $0xFFFFFF80  }
0x37: {  	_ =	swait.ge @!p0 [sflag:s0], $0x80  }
0x38: {  	[sflag:s0] =	ssyncset.done @!p0 $0x0  }
0x39: {  	[sflag:s0] =	ssyncadd.s32 @!p0 $0xFFFFFF80  }
0x3a: {  	_ =	swait.ge @!p0 [sflag:s0], $0x80  }
0x3b: {  	[sflag:s0] =	ssyncset.done @!p0 $0x0  }
0x3c: {  	[sflag:s0] =	ssyncadd.s32 @!p0 $0xFFFFFF80  }
0x3d: {  	_ =	swait.ge @!p0 [sflag:s0], $0x80  }
0x3e: {  	[sflag:s0] =	ssyncset.done @!p0 $0x0  }
0x3f: {  	[sflag:s0] =	ssyncadd.s32 @!p0 $0xFFFFFF80  }
0x40: {  	_ =	swait.ge @!p0 [sflag:s0], $0x80  }
0x41: {  	[sflag:s0] =	ssyncset.done @!p0 $0x0  }
0x42: {  	[sflag:s0] =	ssyncadd.s32 @!p0 $0xFFFFFF80  }
0x43: {  	s28 =	simm.s32 $0x0;
	_ =	swait.ge @!p0 [sflag:s0], $0x800  }
0x44: {  	s23 =	sshll.u32 s22, $0x7;
	s25 =	simm.s32 $0x0;
	[sflag:s0] =	ssyncset.done @!p0 $0x0  }
0x45: {  	s24 =	simm.s32 $0x0;
	s26 =	simm.s32 $0x0;
	[sflag:s0] =	ssyncadd.s32 @!p0 $0xFFFFF800  }
.LBB2_3:
0x46: {  	s1 =	sshrl.u32 s28, $0x3  }
0x47: {  	s7 =	sshll.u32 s26, $0x7;
	s0 =	smul.u32 $0xA000, s1  }
0x48: {  	s7 =	sand.u32 $0x180, s7  }
0x49: {  	s10 =	sor.u32 s0, s7  }
0x4a: {  	s11 =	sand.u32 $0xFFFFE000, s10  }
0x4b: {  	s11 =	sor.u32 s7, s11  }
0x4c: {  	s11 =	sshrl.u32 s11, $0x2  }
0x4d: {  	s11 =	sadd.s32 $0xB00, s11  }
0x4e: {  	v3 =	vmov s11;
	_ =	sdelay $0x1  }
0x4f: {  	s15 =	sadd.s32 $0x2A00, s10  }
0x50: {  	s11 =	sand.u32 $0xFFFFEA00, s15  }
0x51: {  	s12 =	simm.s32 $0x0;
	s14 =	sadd.s32 $0x5200, s10;
	s11 =	sor.u32 s7, s11  }
0x52: {  	s16 =	sand.u32 $0xFFFFF200, s14;
	s11 =	sshrl.u32 s11, $0x2;
	v1 =	vld.idx.msk [tilespmem:v3+s12+$0xFFFFF500 ss:$0x1], $0xffff  }
0x53: {  	v7 =	vmov s11;
	s11 =	sor.u32 s7, s16;
	v2 =	vld.idx.msk [tilespmem:v3+s12+$0xFFFFF580 ss:$0x1], $0xffff  }
0x54: {  	s10 =	sadd.s32 $0x7A00, s10;
	s11 =	sshrl.u32 s11, $0x2;
	v13 =	vld.idx.msk [tilespmem:v3+s12+$0xFFFFFF00 ss:$0x1], $0xffff  }
0x55: {  	s10 =	sand.u32 $0xFFFFFA00, s10;
	v8 =	vmov s11;
	v16 =	vld.idx.msk [tilespmem:v3+s12+$0x900 ss:$0x1], $0xffff  }
0x56: {  	s7 =	sor.u32 s7, s10;
	s10 =	scvt.s32.f32 s24;
	v17 =	vld.idx.msk [tilespmem:v3+s12+$0x1300 ss:$0x1], $0xffff  }
0x57: {  	v12 =	vimm.f32 $-Inf;
	s7 =	sshrl.u32 s7, $0x2;
	v10 =	vld.idx.msk [tilespmem:v3+s12+$0xFFFFF680 ss:$0x1], $0xffff  }
0x58: {  	v19 =	vimm.f32 $0.0e+00;
	v5 =	vld.idx.msk [tilespmem:v3+s12+$0xFFFFF600 ss:$0x1], $0xffff;
	v9 =	vmov s7;
	v6 =	vmov s10  }
0x59: {  	v11 =	vld.idx.msk [tilespmem:v3+s12+$0x80 ss:$0x1], $0xffff;
	v23 =	vadd.f32 $1.000000000e+00, v6;
	v4 =	vadd.f32 $2.000000000e+00, v6;
	vm0 =	vgt.f32 v1, v12  }
0x5a: {  	s17 =	simm.s32 $0x4;
	v6 =	vadd.f32 $3.000000000e+00, v6;
	v20 =	vld.idx.msk [tilespmem:v8+s12+$0x0 ss:$0x1], $0xffff;
	vm2 =	vgt.f32 v13, v12;
	v1 =	vsel vm0, v1, v12  }
0x5b: {  	s16 =	scvt.s32.f32 s17;
	v24 =	vld.idx.msk [tilespmem:v3+s12+$0xA00 ss:$0x1], $0xffff;
	vm3 =	vgt.f32 v16, v12;
	vm4 =	vgt.f32 v17, v12;
	vm1 =	vgt.f32 v2, v1  }
0x5c: {  	v14 =	vld.idx.msk [tilespmem:v7+s12+$0x0 ss:$0x1], $0xffff;
	v18 =	vsel vm0, s10, v19;
	v16 =	vsel vm3, v16, v12;
	v2 =	vsel vm1, v2, v1  }
0x5d: {  	v21 =	vld.idx.msk [tilespmem:v9+s12+$0x0 ss:$0x1], $0xffff;
	v18 =	vsel vm1, v23, v18;
	v1 =	vmov s16;
	vm0 =	vgt.f32 v5, v2  }
0x5e: {  	v15 =	vld.idx.msk [tilespmem:v3+s12+$0x0 ss:$0x1], $0xffff;
	v22 =	vsel vm0, v5, v2;
	v18 =	vsel vm0, v4, v18;
	v2 =	vadd.f32 $2.000000000e+00, v1  }
0x5f: {  	v25 =	vld.idx.msk [tilespmem:v3+s12+$0x1400 ss:$0x1], $0xffff;
	v5 =	vadd.f32 $1.000000000e+00, v1;
	vm6 =	vgt.f32 v20, v16;
	vm0 =	vgt.f32 v10, v22  }
0x60: {  	s11 =	sshll.u32 s25, $0x6;
	v26 =	vsel vm0, v10, v22;
	v10 =	vsel vm0, v6, v18;
	v18 =	vld.idx.msk [tilespmem:v3+s12+$0xA80 ss:$0x1], $0xffff;
	v22 =	vsel vm2, v13, v12  }
0x61: {  	v27 =	vld.idx.msk [tilespmem:v3+s12+$0x1480 ss:$0x1], $0xffff;
	s11 =	sand.u32 $0x1C0, s11;
	v16 =	vsel vm6, v20, v16;
	v12 =	vsel vm4, v17, v12;
	s12 =	simm.s32 $0x200;
	vm5 =	vgt.f32 v14, v22  }
0x62: {  	s0 =	sor.u32 s0, s11;
	vm8 =	vgt.f32 v24, v16;
	vm7 =	vgt.f32 v21, v12;
	v13 =	vld.idx.msk [tilespmem:v3+s12+$0xFFFFF680 ss:$0x1], $0xffff;
	v17 =	vsel vm5, v14, v22  }
0x63: {  	s30 =	sshll.u32 s28, $0x4;
	s14 =	sadd.s32 $0x2A40, s0;
	s15 =	sadd.s32 $0x5240, s0;
	v28 =	vld.idx.msk [tilespmem:v3+s12+$0xFFFFF500 ss:$0x1], $0xffff;
	v16 =	vsel vm8, v24, v16;
	v12 =	vsel vm7, v21, v12;
	vm0 =	vgt.f32 v15, v17  }
0x64: {  	s29 =	simm.s32 $0x8;
	s7 =	sand.u32 $0xFFFFEE00, s14;
	s14 =	sand.u32 $0xFFFFF600, s15;
	v24 =	vsel vm4, s10, v19;
	v14 =	vld.idx.msk [tilespmem:v3+s12+$0x80 ss:$0x1], $0xffff;
	vm9 =	vgt.f32 v25, v12;
	v15 =	vsel vm0, v15, v17  }
0x65: {  	s15 =	sadd.s32 $0x7A40, s0;
	s0 =	sadd.s32 $0x40, s0;
	s7 =	sor.u32 s11, s7;
	v22 =	vld.idx.msk [tilespmem:v3+s12+$0xFFFFF580 ss:$0x1], $0xffff;
	v12 =	vsel vm9, v25, v12;
	vm1 =	vgt.f32 v11, v15;
	vm10 =	vgt.f32 v18, v16  }
0x66: {  	s14 =	sor.u32 s11, s14;
	s15 =	sand.u32 $0xFFFFFE00, s15;
	s0 =	sand.u32 $0xFFFFE000, s0;
	v21 =	vld.idx.msk [tilespmem:v3+s12+$0xFFFFF600 ss:$0x1], $0xffff;
	vm11 =	vgt.f32 v27, v12;
	v17 =	vsel vm1, v11, v15;
	v18 =	vsel vm10, v18, v16  }
0x67: {  	s7 =	sshrl.u32 s7, $0x2;
	s14 =	sshrl.u32 s14, $0x2;
	s17 =	sor.u32 s11, s15;
	v16 =	vsel vm11, v27, v12;
	v15 =	vld.idx.msk [tilespmem:v3+s12+$0x0 ss:$0x1], $0xffff;
	v11 =	vsel vm2, s10, v19;
	v12 =	vsel vm3, s10, v19  }
0x68: {  	s0 =	sor.u32 s11, s0;
	s7 =	sadd.s32 $0x10, s7;
	s15 =	sadd.s32 $0x10, s14;
	v19 =	vld.idx.msk [tilespmem:v7+s12+$0x0 ss:$0x1], $0xffff;
	v20 =	vsel vm5, v23, v11;
	v11 =	vsel vm6, v23, v12;
	v12 =	vsel vm7, v23, v24  }
0x69: {  	s17 =	sshrl.u32 s17, $0x2;
	s0 =	sshrl.u32 s0, $0x2;
	s14 =	sand.u32 $0x60, s30;
	vm4 =	vgt.f32 v28, v26;
	v23 =	vld.idx.msk [tilespmem:v3+s12+$0xFFFFFF00 ss:$0x1], $0xffff;
	v11 =	vsel vm8, v4, v11;
	v12 =	vsel vm9, v4, v12  }
0x6a: {  	s11 =	sadd.s32 $0xB10, s0;
	s10 =	sadd.s32 $0x10, s17;
	s17 =	simm.s32 $0x1000;
	v24 =	vld.idx.msk [tilespmem:v3+s12+$0x900 ss:$0x1], $0xffff;
	v25 =	vsel vm4, v28, v26;
	v11 =	vsel vm10, v6, v11;
	v12 =	vsel vm11, v6, v12  }
.LBB2_4:
0x6b: {  	s0 =	scvt.s32.f32 s29;
	p1 =	sne.s32 s17, $0x2000;
	v26 =	vld.idx.msk [tilespmem:v3+s12+$0x1300 ss:$0x1], $0xffff;
	v10 =	vsel vm4, s16, v10;
	vm2 =	vgt.f32 v22, v25;
	v20 =	vsel vm0, v4, v20;
	v4 =	vmovc v2  }
0x6c: {  	v27 =	vld.idx.msk [tilespmem:v8+s12+$0x0 ss:$0x1], $0xffff;
	v2 =	vsel vm2, v22, v25;
	v10 =	vsel vm2, v5, v10;
	v20 =	vsel vm1, v6, v20  }
0x6d: {  	v28 =	vmovc v5;
	v29 =	vmov v14;
	v22 =	vmov s0;
	v25 =	vld.idx.msk [tilespmem:v9+s12+$0x0 ss:$0x1], $0xffff;
	vm0 =	vgt.f32 v21, v2  }
0x6e: {  	v6 =	vadd.f32 $3.000000000e+00, v1;
	v30 =	vld.idx.msk [tilespmem:v3+s12+$0xA00 ss:$0x1], $0xffff;
	v14 =	vsel vm0, v21, v2;
	v10 =	vsel vm0, v4, v10;
	v1 =	vmovc v22  }
0x6f: {  	v2 =	vadd.f32 $2.000000000e+00, v1;
	v21 =	vld.idx.msk [tilespmem:v3+s12+$0x1400 ss:$0x1], $0xffff;
	vm0 =	vgt.f32 v13, v14  }
0x70: {  	v5 =	vadd.f32 $1.000000000e+00, v1;
	v31 =	vld.idx.msk [tilespmem:v3+s12+$0xA80 ss:$0x1], $0xffff;
	v32 =	vsel vm0, v13, v14;
	v10 =	vsel vm0, v6, v10  }
0x71: {  	vm2 =	vgt.f32 v23, v17;
	vm3 =	vgt.f32 v24, v18;
	vm4 =	vgt.f32 v26, v16;
	v33 =	vld.idx.msk [tilespmem:v3+s12+$0x1480 ss:$0x1], $0xffff  }
0x72: {  	v14 =	vsel vm2, v23, v17;
	v17 =	vsel vm3, v24, v18;
	v16 =	vsel vm4, v26, v16  }
0x73: {  	s12 =	sshra.s32 s17, $0x2;
	vm5 =	vgt.f32 v19, v14;
	vm6 =	vgt.f32 v27, v17;
	vm7 =	vgt.f32 v25, v16  }
0x74: {  	v18 =	vsel vm5, v19, v14;
	v17 =	vsel vm6, v27, v17;
	v16 =	vsel vm7, v25, v16;
	v13 =	vld.idx.msk [tilespmem:v3+s12+$0xFFFFF680 ss:$0x1], $0xffff  }
0x75: {  	vm0 =	vgt.f32 v15, v18;
	vm8 =	vgt.f32 v30, v17;
	vm9 =	vgt.f32 v21, v16;
	v25 =	vld.idx.msk [tilespmem:v3+s12+$0xFFFFF500 ss:$0x1], $0xffff  }
0x76: {  	v15 =	vsel vm0, v15, v18;
	v18 =	vsel vm8, v30, v17;
	v16 =	vsel vm9, v21, v16;
	v14 =	vld.idx.msk [tilespmem:v3+s12+$0x80 ss:$0x1], $0xffff  }
0x77: {  	vm1 =	vgt.f32 v29, v15;
	vm10 =	vgt.f32 v31, v18;
	vm11 =	vgt.f32 v33, v16;
	v22 =	vld.idx.msk [tilespmem:v3+s12+$0xFFFFF580 ss:$0x1], $0xffff  }
.Ltmp0:
0x78: {  	v17 =	vsel vm1, v29, v15;
	v18 =	vsel vm10, v31, v18;
	v16 =	vsel vm11, v33, v16;
	v21 =	vld.idx.msk [tilespmem:v3+s12+$0xFFFFF600 ss:$0x1], $0xffff;
	(pc) =	sbr.rel @p1 .LBB2_4-.Ltmp0, $4  }
0x79: {  	v20 =	vsel vm2, s16, v20;
	v11 =	vsel vm3, s16, v11;
	v12 =	vsel vm4, s16, v12;
	s16 =	smov.u32 s0;
	v15 =	vld.idx.msk [tilespmem:v3+s12+$0x0 ss:$0x1], $0xffff  }
0x7a: {  	v20 =	vsel vm5, v28, v20;
	v11 =	vsel vm6, v28, v11;
	v12 =	vsel vm7, v28, v12;
	v19 =	vld.idx.msk [tilespmem:v7+s12+$0x0 ss:$0x1], $0xffff  }
0x7b: {  	v11 =	vsel vm8, v4, v11;
	v12 =	vsel vm9, v4, v12;
	vm4 =	vgt.f32 v25, v32;
	v23 =	vld.idx.msk [tilespmem:v3+s12+$0xFFFFFF00 ss:$0x1], $0xffff  }
0x7c: {  	s29 =	sadd.s32 $0x4, s29;
	s17 =	sadd.s32 $0x800, s17;
	v11 =	vsel vm10, v6, v11;
	v12 =	vsel vm11, v6, v12;
	v25 =	vsel vm4, v25, v32;
	v24 =	vld.idx.msk [tilespmem:v3+s12+$0x900 ss:$0x1], $0xffff  }
0x7d: {  	s29 =	sshll.u32 s1, $0x9  }
0x7e: {  	vm2 =	vgt.f32 v22, v25;
	s0 =	sshrl.u32 s29, $0x2  }
0x7f: {  	v7 =	vimm.s32 $0x0;
	v22 =	vsel vm2, v22, v25;
	s1 =	sadd.s32 $0x15000, s0  }
0x80: {  	v26 =	vimm.s32 $0x0;
	v7 =	vsel vm2, $0xFFFFFFFF, v7;
	vm2 =	vgt.f32 v21, v22;
	s0 =	sor.u32 s14, s1  }
0x81: {  	[tilespmem:$0x1FFB0] =	vst v7;
	v26 =	vsel vm2, $0xFFFFFFFF, v26;
	v21 =	vsel vm2, v21, v22;
	v7 =	vld [tilespmem:s0+$0x0]  }
0x82: {  	v25 =	vld.idx.msk [tilespmem:v3+s12+$0x1300 ss:$0x1], $0xffff;
	v22 =	vimm.s32 $0x0;
	[tilespmem:$0x1FFD0] =	vst v26;
	vm2 =	vgt.f32 v13, v21  }
0x83: {  	v8 =	vld.idx.msk [tilespmem:v8+s12+$0x0 ss:$0x1], $0xffff;
	v22 =	vsel vm2, $0xFFFFFFFF, v22  }
0x84: {  	vm8 =	vgt.f32 v23, v17;
	v9 =	vld.idx.msk [tilespmem:v9+s12+$0x0 ss:$0x1], $0xffff;
	[tilespmem:$0x1FFE0] =	vst v22  }
0x85: {  	vm12 =	vgt.f32 v24, v18;
	v17 =	vsel vm8, v23, v17;
	v22 =	vld.idx.msk [tilespmem:v3+s12+$0xA00 ss:$0x1], $0xffff  }
0x86: {  	v13 =	vsel vm2, v13, v21;
	vm5 =	vgt.f32 v19, v17;
	v21 =	vld.idx.msk [tilespmem:v3+s12+$0x1400 ss:$0x1], $0xffff;
	v7 =	vsub.f32 $0.0e+00, v7  }
0x87: {  	v18 =	vsel vm12, v24, v18;
	v17 =	vsel vm5, v19, v17;
	v26 =	vld.idx.msk [tilespmem:v3+s12+$0xA80 ss:$0x1], $0xffff;
	vm15 =	vgt.f32 v25, v16  }
0x88: {  	v3 =	vld.idx.msk [tilespmem:v3+s12+$0x1480 ss:$0x1], $0xffff;
	v16 =	vsel vm15, v25, v16;
	vm6 =	vgt.f32 v8, v18;
	v7 =	vmul.f32 $1.442695020e+00, v7  }
0x89: {  	vm2 =	vgt.f32 v15, v17;
	vm13 =	vgt.f32 v9, v16;
	v8 =	vsel vm6, v8, v18  }
0x8a: {  	v9 =	vsel vm13, v9, v16;
	(erf) = vpow2.f32 v7;
	v7 =	vimm.s32 $0x0  }
0x8b: {  	vm7 =	vgt.f32 v22, v8;
	vm9 =	vgt.f32 v21, v9;
	v7 =	vsel vm2, $0xFFFFFFFF, v7  }
0x8c: {  	v8 =	vsel vm7, v22, v8;
	v9 =	vsel vm9, v21, v9;
	[tilespmem:$0x1FFC0] =	vst v7;
	v7 =	vsel vm2, v15, v17  }
0x8d: {  	vm14 =	vgt.f32 v26, v8;
	vm11 =	vgt.f32 v3, v9;
	vm10 =	vgt.f32 v14, v7  }
0x8e: {  	v8 =	vsel vm14, v26, v8;
	v3 =	vsel vm11, v3, v9;
	v7 =	vsel vm10, v14, v7  }
0x8f: {  	vm3 =	vgt.f32 v3, v8;
	vm2 =	vgt.f32 v7, v13  }
0x90: {  	v9 =	vimm.s32 $0x0;
	v3 =	vsel vm3, v3, v8;
	v7 =	vsel vm2, v7, v13  }
0x91: {  	v9 =	vsel vm2, $0xFFFFFFFF, v9;
	vm2 =	vgt.f32 v3, v7  }
0x92: {  	v3 =	vsel vm2, v3, v7  }
0x93: {  	v7 =	vpop (erf);
	v3 =	vsub.f32 $0.0e+00, v3  }
0x94: {  	v7 =	vadd.f32 $1.000000000e+00, v7  }
0x95: {  	v3 =	vmul.f32 $1.442695020e+00, v3  }
0x96: {  	(erf) = vrcp.f32 v7  }
0x97: {  	(erf) = vpow2.f32 v3;
	_ =	sdelay $0x7  }
0x98: {  	v3 =	vpop (erf)  }
0x99: {  	v7 =	vpop (erf)  }
0x9a: {  	v7 =	vadd.f32 $1.000000000e+00, v7;
	_ =	sdelay $0x1  }
0x9b: {  	(erf) = vrcp.f32 v7;
	_ =	sdelay $0x1  }
0x9c: {  	s12 =	sor.u32 s14, s29;
	v8 =	vsel vm4, s16, v10;
	v10 =	vld [tilespmem:$0x1FFB0]  }
0x9d: {  	v7 =	vld [tilespmem:s12+$0x14000]  }
0x9e: {  	[tilespmem:$0x1FFF0] =	vst v9;
	v9 =	vld [tilespmem:s12+$0x14080];
	_ =	sdelay $0x2  }
0x9f: {  	v4 =	vsel vm0, v4, v20;
	s14 =	sor.u32 s29, s30  }
0xa0: {  	v4 =	vsel vm1, v6, v4;
	s14 =	sor.u32 $0x180, s14;
	vm0 =	vnez.u8 v10;
	v7 =	vmul.f32 $1.442695020e+00, v7  }
0xa1: {  	v10 =	vsel vm12, s16, v11;
	v11 =	vsel vm15, s16, v12;
	v12 =	vld [tilespmem:s14+$0x14000];
	v9 =	vmul.f32 $1.442695020e+00, v9;
	v6 =	vpop (erf)  }
0xa2: {  	(erf) = vpow2.f32 v7;
	v3 =	vmul.f32 v3, v6;
	v6 =	vld [tilespmem:s12+$0x14100]  }
0xa3: {  	(erf) = vpow2.f32 v9;
	v9 =	vld [tilespmem:$0x1FFC0]  }
0xa4: {  	v4 =	vsel vm8, s16, v4;
	v13 =	vshra.s32 v3, $0x1;
	v14 =	vmul.f32 $5.000000000e-01, v3  }
0xa5: {  	v4 =	vsel vm5, v5, v4;
	v8 =	vsel vm0, v5, v8;
	v13 =	vsub.s32 $0x5F3759DF, v13  }
0xa6: {  	v10 =	vsel vm6, v5, v10;
	v5 =	vsel vm13, v5, v11;
	v11 =	vmul.f32 v13, v14  }
0xa7: {  	v6 =	vmul.f32 $1.442695020e+00, v6  }
0xa8: {  	v7 =	vmul.f32 $1.442695020e+00, v12;
	vm0 =	vnez.u8 v9;
	v9 =	vmul.f32 v13, v11  }
0xa9: {  	(erf) = vpow2.f32 v6  }
0xaa: {  	(erf) = vpow2.f32 v7;
	v7 =	vsub.f32 $1.500000000e+00, v9;
	v9 =	vld [tilespmem:$0x1FFD0];
	_ =	sdelay $0x4  }
0xab: {  	v4 =	vsel vm0, v2, v4;
	vm0 =	vnez.u8 v9  }
0xac: {  	v10 =	vsel vm7, v2, v10;
	v5 =	vsel vm9, v2, v5;
	v2 =	vsel vm0, v2, v8;
	v8 =	vld [tilespmem:$0x1FFE0];
	_ =	sdelay $0x2  }
0xad: {  	v1 =	vadd.f32 $3.000000000e+00, v1;
	_ =	sdelay $0x1  }
0xae: {  	v5 =	vsel vm11, v1, v5;
	v4 =	vsel vm10, v1, v4;
	vm0 =	vnez.u8 v8  }
0xaf: {  	v6 =	vsel vm14, v1, v10;
	v1 =	vsel vm0, v1, v2;
	v2 =	vmul.f32 v13, v7;
	v7 =	vld [tilespmem:$0x1FFF0];
	_ =	sdelay $0x2  }
0xb0: {  	v5 =	vadd.f32 $6.000000000e+01, v5;
	v6 =	vadd.f32 $4.000000000e+01, v6  }
0xb1: {  	v4 =	vadd.f32 $2.000000000e+01, v4  }
0xb2: {  	v5 =	vsel vm3, v5, v6;
	vm0 =	vnez.u8 v7  }
0xb3: {  	v6 =	vmul.f32 v2, v14;
	v4 =	vsel vm0, v4, v1;
	v1 =	vmov s11  }
0xb4: {  	s17 =	sor.u32 s23, s30;
	v19 =	vimm.f32 $0.0e+00;
	v9 =	vpop (erf)  }
0xb5: {  	v10 =	vpop (erf);
	v8 =	vor.u32 s17, v0;
	v6 =	vmul.f32 v6, v2;
	v7 =	vmov s17  }
0xb6: {  	v11 =	vpop (erf);
	v7 =	vshrl.u32 v7, $0x7;
	v4 =	vsel vm2, v5, v4;
	v5 =	vand.u32 $0x6F, v8  }
0xb7: {  	v18 =	vimm.f32 $-Inf;
	s16 =	simm.s32 $0x0;
	v12 =	vpop (erf);
	s11 =	simm.s32 $0x0;
	v7 =	vand.u32 $0x7F, v7;
	v5 =	vcvt.s32.f32 v5  }
0xb8: {  	s0 =	scvt.s32.f32 s16;
	v15 =	vsub.f32 v10, v12;
	v6 =	vsub.f32 $1.500000000e+00, v6;
	v7 =	vcvt.s32.f32 v7;
	v13 =	vld.idx.msk [tilespmem:v1+s11+$0xFFFFF680 ss:$0x1], $0xffff  }
0xb9: {  	v10 =	vadd.f32 v12, v10;
	v8 =	vsub.f32 v9, v11;
	v5 =	vmul.f32 $8.000000000e+00, v5;
	v16 =	vld.idx.msk [tilespmem:v1+s11+$0xFFFFF500 ss:$0x1], $0xffff  }
0xba: {  	v12 =	vmov s0;
	v2 =	vmul.f32 v6, v2;
	v14 =	vmul.f32 $8.000000000e+00, v7;
	v21 =	vld.idx.msk [tilespmem:v1+s11+$0xFFFFFF00 ss:$0x1], $0xffff  }
0xbb: {  	v6 =	vmul.f32 $4.000000000e+00, v8;
	v7 =	vmov s7;
	v23 =	vld.idx.msk [tilespmem:v1+s11+$0x900 ss:$0x1], $0xffff;
	v5 =	vadd.f32 $4.000000000e+00, v5  }
0xbc: {  	v24 =	vadd.f32 $1.000000000e+00, v12;
	v26 =	vld.idx.msk [tilespmem:v1+s11+$0x1300 ss:$0x1], $0xffff;
	v8 =	vadd.f32 $4.000000000e+00, v14;
	v14 =	vmul.f32 $4.000000000e+00, v15  }
0xbd: {  	v4 =	vtrunc.f32 v4;
	v2 =	vmul.f32 v2, v3;
	v15 =	vld.idx.msk [tilespmem:v1+s11+$0xFFFFF580 ss:$0x1], $0xffff;
	v3 =	vsub.f32 v5, v6  }
0xbe: {  	v17 =	vld.idx.msk [tilespmem:v1+s11+$0x80 ss:$0x1], $0xffff;
	v14 =	vsub.f32 v8, v14;
	v8 =	vmov s15;
	v5 =	vadd.f32 v11, v9  }
0xbf: {  	v25 =	vmul.f32 $8.000000000e+00, v10;
	v4 =	vcvt.f32.s32 v4;
	v6 =	vld.idx.msk [tilespmem:v1+s11+$0xFFFFF600 ss:$0x1], $0xffff;
	v9 =	vmov s10  }
0xc0: {  	[tilespmem:s30+$0x15400] =	vst v2;
	v2 =	vadd.f32 $2.000000000e+00, v12;
	v11 =	vld.idx.msk [tilespmem:v7+s11+$0x0 ss:$0x1], $0xffff;
	vm0 =	vgt.f32 v16, v18;
	v22 =	vmul.f32 $8.000000000e+00, v5  }
0xc1: {  	s17 =	simm.s32 $0x4;
	[tilespmem:s30+$0x15800] =	vst v4;
	vm2 =	vgt.f32 v21, v18;
	vm3 =	vgt.f32 v23, v18;
	v16 =	vsel vm0, v16, v18  }
0xc2: {  	s7 =	scvt.s32.f32 s17;
	v20 =	vld.idx.msk [tilespmem:v1+s11+$0x0 ss:$0x1], $0xffff;
	[tilespmem:s12+$0x15C80] =	vst v14;
	vm4 =	vgt.f32 v26, v18;
	v5 =	vsel vm0, s0, v19;
	vm1 =	vgt.f32 v15, v16  }
0xc3: {  	v14 =	vsel vm2, v21, v18;
	[tilespmem:s12+$0x15D00] =	vst v22;
	v22 =	vsel vm4, s0, v19;
	v10 =	vsel vm1, v15, v16;
	v15 =	vld.idx.msk [tilespmem:v8+s11+$0x0 ss:$0x1], $0xffff  }
0xc4: {  	v16 =	vsel vm1, v24, v5;
	v5 =	vmov s7;
	v27 =	vld.idx.msk [tilespmem:v9+s11+$0x0 ss:$0x1], $0xffff;
	vm0 =	vgt.f32 v6, v10  }
0xc5: {  	v28 =	vld.idx.msk [tilespmem:v1+s11+$0x1400 ss:$0x1], $0xffff;
	[tilespmem:s12+$0x15C00] =	vst v3;
	v3 =	vadd.f32 $2.000000000e+00, v5;
	vm5 =	vgt.f32 v11, v14;
	v10 =	vsel vm0, v6, v10  }
0xc6: {  	v6 =	vadd.f32 $3.000000000e+00, v12;
	v12 =	vld.idx.msk [tilespmem:v1+s11+$0xA00 ss:$0x1], $0xffff;
	v16 =	vsel vm0, v2, v16;
	vm0 =	vgt.f32 v13, v10  }
0xc7: {  	v4 =	vadd.f32 $1.000000000e+00, v5;
	v11 =	vsel vm5, v11, v14;
	v29 =	vsel vm0, v13, v10;
	v13 =	vld.idx.msk [tilespmem:v1+s11+$0xA80 ss:$0x1], $0xffff  }
0xc8: {  	s12 =	simm.s32 $0x200;
	v10 =	vsel vm0, v6, v16;
	v16 =	vsel vm3, v23, v18;
	v18 =	vsel vm4, v26, v18;
	v26 =	vld.idx.msk [tilespmem:v1+s11+$0x1480 ss:$0x1], $0xffff  }
0xc9: {  	v21 =	vld.idx.msk [tilespmem:v1+s12+$0xFFFFF600 ss:$0x1], $0xffff;
	vm0 =	vgt.f32 v20, v11;
	vm6 =	vgt.f32 v15, v16;
	vm7 =	vgt.f32 v27, v18  }
0xca: {  	v14 =	vld.idx.msk [tilespmem:v1+s12+$0xFFFFF680 ss:$0x1], $0xffff;
	v11 =	vsel vm0, v20, v11;
	v16 =	vsel vm6, v15, v16;
	v18 =	vsel vm7, v27, v18  }
0xcb: {  	v27 =	vld.idx.msk [tilespmem:v1+s12+$0xFFFFF500 ss:$0x1], $0xffff;
	vm1 =	vgt.f32 v17, v11;
	vm12 =	vgt.f32 v12, v16;
	vm13 =	vgt.f32 v28, v18  }
0xcc: {  	v23 =	vld.idx.msk [tilespmem:v1+s12+$0xFFFFF580 ss:$0x1], $0xffff;
	v20 =	vsel vm1, v17, v11;
	v12 =	vsel vm12, v12, v16;
	v16 =	vsel vm13, v28, v18  }
0xcd: {  	v15 =	vld.idx.msk [tilespmem:v1+s12+$0x80 ss:$0x1], $0xffff;
	v11 =	vsel vm2, s0, v19;
	vm14 =	vgt.f32 v13, v12;
	vm15 =	vgt.f32 v26, v16  }
0xce: {  	[tilespmem:s14+$0x15C00] =	vst v25;
	v18 =	vsel vm14, v13, v12;
	v17 =	vsel vm15, v26, v16;
	v13 =	vld.idx.msk [tilespmem:v1+s12+$0x0 ss:$0x1], $0xffff;
	v12 =	vsel vm3, s0, v19  }
0xcf: {  	v19 =	vld.idx.msk [tilespmem:v7+s12+$0x0 ss:$0x1], $0xffff;
	v16 =	vsel vm5, v24, v11;
	v11 =	vsel vm6, v24, v12;
	v12 =	vsel vm7, v24, v22  }
0xd0: {  	s10 =	sor.u32 $0x10, s30;
	v22 =	vld.idx.msk [tilespmem:v1+s12+$0xFFFFFF00 ss:$0x1], $0xffff;
	vm2 =	vgt.f32 v27, v29;
	v11 =	vsel vm12, v2, v11;
	v26 =	vsel vm13, v2, v12  }
0xd1: {  	s15 =	simm.s32 $0x1000;
	s14 =	simm.s32 $0x8;
	s11 =	sand.u32 $0x70, s10;
	v24 =	vld.idx.msk [tilespmem:v1+s12+$0x900 ss:$0x1], $0xffff;
	v25 =	vsel vm2, v27, v29;
	v12 =	vsel vm14, v6, v11;
	v11 =	vsel vm15, v6, v26  }
.LBB2_6:
0xd2: {  	s0 =	scvt.s32.f32 s14;
	p1 =	sne.s32 s15, $0x2000;
	v26 =	vld.idx.msk [tilespmem:v1+s12+$0x1300 ss:$0x1], $0xffff;
	v10 =	vsel vm2, s7, v10;
	vm2 =	vgt.f32 v23, v25;
	v16 =	vsel vm0, v2, v16;
	v2 =	vmovc v3  }
0xd3: {  	v27 =	vld.idx.msk [tilespmem:v8+s12+$0x0 ss:$0x1], $0xffff;
	v3 =	vsel vm2, v23, v25;
	v10 =	vsel vm2, v4, v10;
	v16 =	vsel vm1, v6, v16  }
0xd4: {  	v28 =	vmovc v4;
	v29 =	vmov v15;
	v23 =	vmov s0;
	v25 =	vld.idx.msk [tilespmem:v9+s12+$0x0 ss:$0x1], $0xffff;
	vm0 =	vgt.f32 v21, v3  }
0xd5: {  	v6 =	vadd.f32 $3.000000000e+00, v5;
	v30 =	vld.idx.msk [tilespmem:v1+s12+$0xA00 ss:$0x1], $0xffff;
	v15 =	vsel vm0, v21, v3;
	v10 =	vsel vm0, v2, v10;
	v5 =	vmovc v23  }
0xd6: {  	v3 =	vadd.f32 $2.000000000e+00, v5;
	v21 =	vld.idx.msk [tilespmem:v1+s12+$0x1400 ss:$0x1], $0xffff;
	vm0 =	vgt.f32 v14, v15  }
0xd7: {  	v4 =	vadd.f32 $1.000000000e+00, v5;
	v31 =	vld.idx.msk [tilespmem:v1+s12+$0xA80 ss:$0x1], $0xffff;
	v32 =	vsel vm0, v14, v15;
	v10 =	vsel vm0, v6, v10  }
0xd8: {  	vm2 =	vgt.f32 v22, v20;
	vm3 =	vgt.f32 v24, v18;
	vm4 =	vgt.f32 v26, v17;
	v33 =	vld.idx.msk [tilespmem:v1+s12+$0x1480 ss:$0x1], $0xffff  }
0xd9: {  	v15 =	vsel vm2, v22, v20;
	v18 =	vsel vm3, v24, v18;
	v17 =	vsel vm4, v26, v17  }
0xda: {  	s12 =	sshra.s32 s15, $0x2;
	vm5 =	vgt.f32 v19, v15;
	vm6 =	vgt.f32 v27, v18;
	vm7 =	vgt.f32 v25, v17  }
0xdb: {  	v19 =	vsel vm5, v19, v15;
	v18 =	vsel vm6, v27, v18;
	v17 =	vsel vm7, v25, v17;
	v14 =	vld.idx.msk [tilespmem:v1+s12+$0xFFFFF680 ss:$0x1], $0xffff  }
0xdc: {  	vm0 =	vgt.f32 v13, v19;
	vm8 =	vgt.f32 v30, v18;
	vm9 =	vgt.f32 v21, v17;
	v25 =	vld.idx.msk [tilespmem:v1+s12+$0xFFFFF500 ss:$0x1], $0xffff  }
0xdd: {  	v13 =	vsel vm0, v13, v19;
	v18 =	vsel vm8, v30, v18;
	v17 =	vsel vm9, v21, v17;
	v15 =	vld.idx.msk [tilespmem:v1+s12+$0x80 ss:$0x1], $0xffff  }
0xde: {  	vm1 =	vgt.f32 v29, v13;
	vm10 =	vgt.f32 v31, v18;
	vm11 =	vgt.f32 v33, v17;
	v23 =	vld.idx.msk [tilespmem:v1+s12+$0xFFFFF580 ss:$0x1], $0xffff  }
.Ltmp1:
0xdf: {  	v20 =	vsel vm1, v29, v13;
	v18 =	vsel vm10, v31, v18;
	v17 =	vsel vm11, v33, v17;
	v21 =	vld.idx.msk [tilespmem:v1+s12+$0xFFFFF600 ss:$0x1], $0xffff;
	(pc) =	sbr.rel @p1 .LBB2_6-.Ltmp1, $4  }
0xe0: {  	v16 =	vsel vm2, s7, v16;
	v12 =	vsel vm3, s7, v12;
	v11 =	vsel vm4, s7, v11;
	s7 =	smov.u32 s0;
	v13 =	vld.idx.msk [tilespmem:v1+s12+$0x0 ss:$0x1], $0xffff  }
0xe1: {  	v16 =	vsel vm5, v28, v16;
	v12 =	vsel vm6, v28, v12;
	v11 =	vsel vm7, v28, v11;
	v19 =	vld.idx.msk [tilespmem:v7+s12+$0x0 ss:$0x1], $0xffff  }
0xe2: {  	v12 =	vsel vm8, v2, v12;
	v11 =	vsel vm9, v2, v11;
	vm2 =	vgt.f32 v25, v32;
	v22 =	vld.idx.msk [tilespmem:v1+s12+$0xFFFFFF00 ss:$0x1], $0xffff  }
0xe3: {  	s14 =	sadd.s32 $0x4, s14;
	s15 =	sadd.s32 $0x800, s15;
	v12 =	vsel vm10, v6, v12;
	v11 =	vsel vm11, v6, v11;
	v25 =	vsel vm2, v25, v32;
	v24 =	vld.idx.msk [tilespmem:v1+s12+$0x900 ss:$0x1], $0xffff  }
0xe4: {  	vm3 =	vgt.f32 v23, v25  }
0xe5: {  	v7 =	vimm.s32 $0x0;
	v57 =	vsel vm3, v23, v25  }
0xe6: {  	s0 =	sadd.s32 s11, s1;
	v26 =	vimm.s32 $0x0;
	v7 =	vsel vm3, $0xFFFFFFFF, v7;
	vm3 =	vgt.f32 v21, v57  }
0xe7: {  	v58 =	vld [tilespmem:s0+$0x0];
	[tilespmem:$0x1FF60] =	vst v7;
	v26 =	vsel vm3, $0xFFFFFFFF, v26;
	v7 =	vsel vm3, v21, v57  }
0xe8: {  	v60 =	vimm.s32 $0x0;
	v59 =	vld.idx.msk [tilespmem:v1+s12+$0x1300 ss:$0x1], $0xffff;
	[tilespmem:$0x1FF70] =	vst v26;
	vm3 =	vgt.f32 v14, v7  }
0xe9: {  	v8 =	vld.idx.msk [tilespmem:v8+s12+$0x0 ss:$0x1], $0xffff;
	v21 =	vsel vm3, $0xFFFFFFFF, v60  }
0xea: {  	v9 =	vld.idx.msk [tilespmem:v9+s12+$0x0 ss:$0x1], $0xffff;
	[tilespmem:$0x1FF80] =	vst v21  }
0xeb: {  	v63 =	vimm.s32 $0x0;
	vm12 =	vgt.f32 v22, v20;
	vm9 =	vgt.f32 v24, v18;
	v21 =	vld.idx.msk [tilespmem:v1+s12+$0xA00 ss:$0x1], $0xffff  }
0xec: {  	v20 =	vsel vm12, v22, v20;
	v7 =	vsel vm3, v14, v7;
	v23 =	vsub.f32 $0.0e+00, v58;
	v61 =	vld.idx.msk [tilespmem:v1+s12+$0x1400 ss:$0x1], $0xffff  }
0xed: {  	v18 =	vsel vm9, v24, v18;
	vm13 =	vgt.f32 v19, v20;
	v62 =	vld.idx.msk [tilespmem:v1+s12+$0xA80 ss:$0x1], $0xffff;
	vm10 =	vgt.f32 v59, v17  }
0xee: {  	v19 =	vsel vm13, v19, v20;
	v1 =	vld.idx.msk [tilespmem:v1+s12+$0x1480 ss:$0x1], $0xffff;
	v23 =	vmul.f32 $1.442695020e+00, v23;
	v17 =	vsel vm10, v59, v17  }
0xef: {  	vm5 =	vgt.f32 v13, v19;
	vm11 =	vgt.f32 v8, v18;
	vm8 =	vgt.f32 v9, v17  }
0xf0: {  	(erf) = vpow2.f32 v23;
	v8 =	vsel vm11, v8, v18;
	v9 =	vsel vm8, v9, v17  }
0xf1: {  	v13 =	vsel vm5, v13, v19;
	vm14 =	vgt.f32 v21, v8;
	vm15 =	vgt.f32 v61, v9  }
0xf2: {  	vm4 =	vgt.f32 v15, v13;
	v8 =	vsel vm14, v21, v8;
	v9 =	vsel vm15, v61, v9  }
0xf3: {  	v24 =	vsel vm8, $0xFFFFFFFF, v63;
	vm7 =	vgt.f32 v62, v8;
	vm8 =	vgt.f32 v1, v9  }
0xf4: {  	v13 =	vsel vm4, v15, v13;
	v8 =	vsel vm7, v62, v8;
	v1 =	vsel vm8, v1, v9  }
0xf5: {  	vm6 =	vgt.f32 v13, v7;
	vm3 =	vgt.f32 v1, v8  }
0xf6: {  	v28 =	vimm.s32 $0x0;
	v7 =	vsel vm6, v13, v7;
	v1 =	vsel vm3, v1, v8  }
0xf7: {  	v9 =	vsel vm3, $0xFFFFFFFF, v28;
	vm3 =	vgt.f32 v1, v7  }
0xf8: {  	v1 =	vsel vm3, v1, v7  }
0xf9: {  	v29 =	vpop (erf);
	v1 =	vsub.f32 $0.0e+00, v1  }
0xfa: {  	v7 =	vadd.f32 $1.000000000e+00, v29  }
0xfb: {  	v1 =	vmul.f32 $1.442695020e+00, v1  }
0xfc: {  	(erf) = vrcp.f32 v7  }
0xfd: {  	(erf) = vpow2.f32 v1;
	_ =	sdelay $0x7  }
0xfe: {  	v1 =	vpop (erf)  }
0xff: {  	v30 =	vpop (erf)  }
0x100: {  	v7 =	vadd.f32 $1.000000000e+00, v30;
	_ =	sdelay $0x1  }
0x101: {  	(erf) = vrcp.f32 v7;
	_ =	sdelay $0x2  }
0x102: {  	s15 =	sor.u32 s29, s11;
	s16 =	sor.u32 s10, s29  }
0x103: {  	v36 =	vld [tilespmem:s15+$0x14100];
	s17 =	sor.u32 $0x180, s16  }
0x104: {  	v38 =	vld [tilespmem:s17+$0x14000]  }
0x105: {  	v37 =	vld [tilespmem:$0x1FF60]  }
0x106: {  	v33 =	vsel vm2, s7, v10;
	v2 =	vsel vm0, v2, v16;
	s29 =	sor.u32 s23, s10;
	v31 =	vld [tilespmem:s15+$0x14000]  }
0x107: {  	v5 =	vadd.f32 $3.000000000e+00, v5;
	v2 =	vsel vm1, v6, v2;
	v51 =	vmov s29;
	v39 =	vld [tilespmem:$0x1FF70]  }
0x108: {  	v32 =	vld [tilespmem:s15+$0x14080];
	v52 =	vor.u32 s29, v0;
	v2 =	vsel vm12, s7, v2;
	v12 =	vsel vm9, s7, v12;
	v7 =	vpop (erf)  }
0x109: {  	v43 =	vmul.f32 $1.442695020e+00, v36;
	v2 =	vsel vm13, v4, v2;
	[tilespmem:$0x1FF90] =	vst v24;
	v1 =	vmul.f32 v1, v7  }
0x10a: {  	v44 =	vmul.f32 $1.442695020e+00, v38;
	vm2 =	vnez.u8 v37;
	v2 =	vsel vm5, v3, v2;
	v46 =	vld [tilespmem:$0x1FF90]  }
0x10b: {  	v41 =	vld [tilespmem:$0x1FF80];
	v11 =	vsel vm10, s7, v11;
	v34 =	vshra.s32 v1, $0x1;
	v35 =	vmul.f32 $5.000000000e-01, v1  }
0x10c: {  	vm0 =	vnez.u8 v39;
	v7 =	vmul.f32 $1.442695020e+00, v31;
	v10 =	vsub.s32 $0x5F3759DF, v34  }
0x10d: {  	v2 =	vsel vm4, v5, v2;
	v8 =	vmul.f32 $1.442695020e+00, v32;
	v40 =	vmul.f32 v10, v35  }
0x10e: {  	v2 =	vadd.f32 $2.000000000e+01, v2;
	[tilespmem:$0x1FFA0] =	vst v9;
	v9 =	vsel vm2, v4, v33;
	(erf) = vpow2.f32 v7  }
0x10f: {  	vm13 =	vnez.u8 v46;
	(erf) = vpow2.f32 v8;
	v42 =	vmul.f32 v10, v40  }
0x110: {  	v9 =	vsel vm0, v3, v9;
	vm0 =	vnez.u8 v41;
	(erf) = vpow2.f32 v43  }
0x111: {  	v54 =	vld [tilespmem:$0x1FFA0];
	v6 =	vsel vm0, v5, v9;
	(erf) = vpow2.f32 v44;
	v9 =	vsub.f32 $1.500000000e+00, v42  }
0x112: {  	v45 =	vsel vm11, v4, v12;
	v47 =	vsel vm13, v4, v11;
	v2 =	vsel vm6, v2, v6  }
0x113: {  	v7 =	vsel vm14, v3, v45;
	v3 =	vsel vm15, v3, v47;
	v48 =	vmul.f32 v10, v9  }
0x114: {  	v6 =	vshrl.u32 v51, $0x7;
	v49 =	vsel vm7, v5, v7;
	v3 =	vsel vm8, v5, v3  }
0x115: {  	v4 =	vadd.f32 $4.000000000e+01, v49;
	v3 =	vadd.f32 $6.000000000e+01, v3;
	v50 =	vmul.f32 v48, v35  }
0x116: {  	v55 =	vand.u32 $0x7F, v52;
	v6 =	vand.u32 $0x7F, v6;
	vm15 =	vnez.u8 v54  }
0x117: {  	v3 =	vsel vm15, v3, v4;
	v4 =	vcvt.s32.f32 v55;
	v53 =	vpop (erf);
	v5 =	vmul.f32 v50, v48  }
0x118: {  	v2 =	vsel vm3, v3, v2;
	v3 =	vcvt.s32.f32 v6;
	v56 =	vpop (erf)  }
0x119: {  	v4 =	vmul.f32 $8.000000000e+00, v4;
	v57 =	vpop (erf);
	v5 =	vsub.f32 $1.500000000e+00, v5  }
0x11a: {  	v2 =	vtrunc.f32 v2;
	v3 =	vmul.f32 $8.000000000e+00, v3;
	v58 =	vpop (erf);
	v59 =	vsub.f32 v53, v57  }
0x11b: {  	v2 =	vcvt.f32.s32 v2;
	v60 =	vsub.f32 v56, v58;
	v5 =	vmul.f32 v5, v48  }
0x11c: {  	v4 =	vadd.f32 $4.000000000e+00, v4;
	v3 =	vadd.f32 $4.000000000e+00, v3;
	v61 =	vmul.f32 $4.000000000e+00, v59  }
0x11d: {  	v63 =	vadd.f32 v57, v53;
	v62 =	vmul.f32 $4.000000000e+00, v60;
	v1 =	vmul.f32 v5, v1  }
0x11e: {  	p1 =	slt.u32 s28, $0x1E;
	[tilespmem:s10+$0x15800] =	vst v2;
	v4 =	vsub.f32 v4, v61  }
.Ltmp2:
0x11f: {  	v2 =	vmul.f32 $8.000000000e+00, v63;
	[tilespmem:s10+$0x15400] =	vst v1;
	v1 =	vsub.f32 v3, v62;
	v3 =	vadd.f32 v58, v56;
	(pc) =	sbr.rel @p1 .LBB2_3-.Ltmp2, $4  }
0x120: {  	[tilespmem:s15+$0x15C00] =	vst v4  }
0x121: {  	[tilespmem:s15+$0x15D00] =	vst v2;
	v3 =	vmul.f32 $8.000000000e+00, v3  }
0x122: {  	s30 =	sadd.s32 $0x2, s28;
	[tilespmem:s15+$0x15C80] =	vst v1  }
0x123: {  	s26 =	sadd.s32 $0x1, s26;
	s25 =	sadd.s32 $0x2, s25;
	s28 =	smov.u32 s30;
	[tilespmem:s17+$0x15C00] =	vst v3  }
0x124: {  	s0 =	sshll.u32 s22, $0xA  }
0x125: {  	s0 =	sand.u32 $0x1E000, s0  }
0x126: {  	s0 =	sor.u32 s13, s0  }
0x127: {  	s0 =	sshrl.u32 s0, $0x3  }
0x128: {  	s7 =	simm.s32 $0x15400;
	s1 =	sadd.s32 s4, s0  }
0x129: {  	[hbm4b:s1+s8] =	stream.linear.scatter [tilespmem:s7], [sflag:$0x3], $0x80, $0x38;
	[tilespmem:$0x16C00] =	vst v63  }
0x12a: {  	s28 =	simm.s32 $0x15800;
	s26 =	sadd.s32 s5, s0;
	s29 =	sor.u32 $0x80, s0  }
0x12b: {  	[hbm4b:s26+s8] =	stream.linear.scatter [tilespmem:s28], [sflag:$0x3], $0x80, $0x38;
	[tilespmem:$0x16C00] =	vst v63  }
0x12c: {  	s10 =	simm.s32 $0x15480;
	s12 =	simm.s32 $0x15880;
	s11 =	sadd.s32 s4, s29  }
0x12d: {  	[hbm4b:s11+s8] =	stream.linear.scatter [tilespmem:s10], [sflag:$0x3], $0x80, $0x38;
	[tilespmem:$0x16C00] =	vst v63  }
0x12e: {  	s16 =	simm.s32 $0x15500;
	s14 =	sor.u32 $0x100, s0;
	s1 =	sadd.s32 s5, s29  }
0x12f: {  	[hbm4b:s1+s8] =	stream.linear.scatter [tilespmem:s12], [sflag:$0x3], $0x80, $0x38;
	[tilespmem:$0x16C00] =	vst v63  }
0x130: {  	s17 =	simm.s32 $0x15900;
	s24 =	simm.s32 $0x15580;
	s15 =	sadd.s32 s4, s14  }
0x131: {  	[hbm4b:s15+s8] =	stream.linear.scatter [tilespmem:s16], [sflag:$0x3], $0x80, $0x38;
	[tilespmem:$0x16C00] =	vst v63  }
0x132: {  	s25 =	simm.s32 $0x15980;
	s0 =	sor.u32 $0x180, s0;
	s1 =	sadd.s32 s5, s14  }
0x133: {  	[hbm4b:s1+s8] =	stream.linear.scatter [tilespmem:s17], [sflag:$0x3], $0x80, $0x38;
	[tilespmem:$0x16C00] =	vst v63  }
0x134: {  	p1 =	seq.s32 s18, $0x3;
	s23 =	sadd.s32 s4, s0;
	s0 =	sadd.s32 s5, s0  }
0x135: {  	[hbm4b:s23+s8] =	stream.linear.scatter [tilespmem:s24], [sflag:$0x3], $0x80, $0x38;
	[tilespmem:$0x16C00] =	vst v63  }
0x136: {  	s26 =	sshll.u32 s22, $0x6;
	s28 =	rddreg [dreg:$0x5];
	s1 =	sadd.s32 @!p1 $0x8, s22  }
0x137: {  	[hbm4b:s0+s8] =	stream.linear.scatter [tilespmem:s25], [sflag:$0x3], $0x80, $0x38;
	[tilespmem:$0x16C00] =	vst v63  }
0x138: {  	s29 =	simm.s32 $0x15C00;
	s7 =	smul.u32 @!p1 $0x500, s1;
	s0 =	sadd.s32 s28, s26  }
0x139: {  	[hbm4b:s0+s8] =	stream.linear.scatter [tilespmem:s29], [sflag:$0x3], $0x800, $0x38;
	[tilespmem:$0x16C00] =	vst v63  }
0x13a: {  	s0 =	sadd.s32 @!p1 s2, s7;
	s7 =	simm.s32 @!p1 $0x0  }
0x13b: {  	[tilespmem:s7], [sflag:$0x1] =	stream.linear.gather @!p1 [hbm4b:s0+s7], $0xA000, $0x38;
	[tilespmem:$0x16C00] =	vst v63  }
0x13c: {  	s0 =	sshll.u32 @!p1 s1, $0x6  }
0x13d: {  	s0 =	sand.u32 @!p1 $0x1FFFFE00, s0  }
0x13e: {  	s10 =	simm.s32 @!p1 $0x14000;
	s0 =	sadd.s32 @!p1 s3, s0  }
0x13f: {  	[tilespmem:s10], [sflag:$0x1] =	stream.linear.gather @!p1 [hbm4b:s0+s7], $0x800, $0x38;
	[tilespmem:$0x16C00] =	vst v63  }
0x140: {  	s0 =	sshll.u32 @!p1 s1, $0x4  }
0x141: {  	s0 =	sand.u32 @!p1 $0x1FFFFF80, s0  }
0x142: {  	s1 =	simm.s32 @!p1 $0x15000;
	s0 =	sadd.s32 @!p1 s6, s0  }
0x143: {  	[tilespmem:s1], [sflag:$0x1] =	stream.linear.gather @!p1 [hbm4b:s0+s7], $0x200, $0x38;
	[tilespmem:$0x16C00] =	vst v63  }
0x144: {  	_ =	swait.ge [sflag:s31], $0xA000  }
0x145: {  	[sflag:s31] =	ssyncset.done $0x0  }
0x146: {  	[sflag:s31] =	ssyncadd.s32 $0xFFFF6000  }
0x147: {  	_ =	swait.ge [sflag:s31], $0x800  }
0x148: {  	[sflag:s31] =	ssyncset.done $0x0  }
0x149: {  	[sflag:s31] =	ssyncadd.s32 $0xFFFFF800  }
0x14a: {  	_ =	swait.ge [sflag:s31], $0x200  }
0x14b: {  	[sflag:s31] =	ssyncset.done $0x0  }
0x14c: {  	s0 =	simm.s32 @!p0 $0x4;
	[sflag:s31] =	ssyncadd.s32 $0xFFFFFE00  }
0x14d: {  	_ =	swait.ge @!p0 [sflag:s0], $0x80  }
0x14e: {  	[sflag:s0] =	ssyncset.done @!p0 $0x0  }
0x14f: {  	[sflag:s0] =	ssyncadd.s32 @!p0 $0xFFFFFF80  }
0x150: {  	_ =	swait.ge @!p0 [sflag:s0], $0x80  }
0x151: {  	[sflag:s0] =	ssyncset.done @!p0 $0x0  }
0x152: {  	[sflag:s0] =	ssyncadd.s32 @!p0 $0xFFFFFF80  }
0x153: {  	_ =	swait.ge @!p0 [sflag:s0], $0x80  }
0x154: {  	[sflag:s0] =	ssyncset.done @!p0 $0x0  }
0x155: {  	[sflag:s0] =	ssyncadd.s32 @!p0 $0xFFFFFF80  }
0x156: {  	_ =	swait.ge @!p0 [sflag:s0], $0x80  }
0x157: {  	[sflag:s0] =	ssyncset.done @!p0 $0x0  }
0x158: {  	[sflag:s0] =	ssyncadd.s32 @!p0 $0xFFFFFF80  }
0x159: {  	_ =	swait.ge @!p0 [sflag:s0], $0x80  }
0x15a: {  	[sflag:s0] =	ssyncset.done @!p0 $0x0  }
0x15b: {  	[sflag:s0] =	ssyncadd.s32 @!p0 $0xFFFFFF80  }
0x15c: {  	_ =	swait.ge @!p0 [sflag:s0], $0x80  }
0x15d: {  	[sflag:s0] =	ssyncset.done @!p0 $0x0  }
0x15e: {  	[sflag:s0] =	ssyncadd.s32 @!p0 $0xFFFFFF80  }
0x15f: {  	_ =	swait.ge @!p0 [sflag:s0], $0x80  }
0x160: {  	[sflag:s0] =	ssyncset.done @!p0 $0x0  }
0x161: {  	[sflag:s0] =	ssyncadd.s32 @!p0 $0xFFFFFF80  }
0x162: {  	_ =	swait.ge @!p0 [sflag:s0], $0x80  }
0x163: {  	[sflag:s0] =	ssyncset.done @!p0 $0x0  }
0x164: {  	[sflag:s0] =	ssyncadd.s32 @!p0 $0xFFFFFF80  }
0x165: {  	s30 =	smov.u32 s2;
	s22 =	sshll.u32 s21, $0x7;
	_ =	swait.ge @!p0 [sflag:s0], $0x800  }
0x166: {  	s23 =	simm.s32 $0x0;
	s24 =	simm.s32 $0x0;
	[sflag:s0] =	ssyncset.done @!p0 $0x0  }
0x167: {  	s25 =	simm.s32 $0x0;
	s26 =	simm.s32 $0x0;
	[sflag:s0] =	ssyncadd.s32 @!p0 $0xFFFFF800  }
.LBB2_9:
0x168: {  	s1 =	sshrl.u32 s26, $0x3  }
0x169: {  	s7 =	sshll.u32 s25, $0x7;
	s0 =	smul.u32 $0xA000, s1  }
0x16a: {  	s7 =	sand.u32 $0x180, s7  }
0x16b: {  	s10 =	sor.u32 s0, s7  }
0x16c: {  	s11 =	sand.u32 $0xFFFFE000, s10  }
0x16d: {  	s11 =	sor.u32 s7, s11  }
0x16e: {  	s11 =	sshrl.u32 s11, $0x2  }
0x16f: {  	s11 =	sadd.s32 $0xAB00, s11  }
0x170: {  	v3 =	vmov s11  }
0x171: {  	s12 =	sadd.s32 $0x2A00, s10  }
0x172: {  	s11 =	sand.u32 $0xFFFFEA00, s12  }
0x173: {  	s14 =	sadd.s32 $0x5200, s10;
	s11 =	sor.u32 s7, s11  }
0x174: {  	s14 =	sand.u32 $0xFFFFF200, s14;
	s12 =	simm.s32 $0x0;
	s11 =	sshrl.u32 s11, $0x2  }
0x175: {  	s14 =	sor.u32 s7, s14;
	s11 =	sadd.s32 $0xA000, s11;
	v1 =	vld.idx.msk [tilespmem:v3+s12+$0xFFFFF500 ss:$0x1], $0xffff  }
0x176: {  	s10 =	sadd.s32 $0x7A00, s10;
	v7 =	vmov s11;
	s11 =	sshrl.u32 s14, $0x2;
	v2 =	vld.idx.msk [tilespmem:v3+s12+$0xFFFFF580 ss:$0x1], $0xffff  }
0x177: {  	s10 =	sand.u32 $0xFFFFFA00, s10;
	s15 =	sadd.s32 $0xA000, s11;
	v13 =	vld.idx.msk [tilespmem:v3+s12+$0xFFFFFF00 ss:$0x1], $0xffff  }
0x178: {  	s7 =	sor.u32 s7, s10;
	v16 =	vld.idx.msk [tilespmem:v3+s12+$0x900 ss:$0x1], $0xffff;
	v8 =	vmov s15  }
0x179: {  	s10 =	scvt.s32.f32 s23;
	s7 =	sshrl.u32 s7, $0x2;
	v17 =	vld.idx.msk [tilespmem:v3+s12+$0x1300 ss:$0x1], $0xffff  }
0x17a: {  	v12 =	vimm.f32 $-Inf;
	s7 =	sadd.s32 $0xA000, s7;
	v10 =	vld.idx.msk [tilespmem:v3+s12+$0xFFFFF680 ss:$0x1], $0xffff  }
0x17b: {  	v19 =	vimm.f32 $0.0e+00;
	v6 =	vmov s10;
	v9 =	vmov s7;
	v5 =	vld.idx.msk [tilespmem:v3+s12+$0xFFFFF600 ss:$0x1], $0xffff  }
0x17c: {  	v23 =	vadd.f32 $1.000000000e+00, v6;
	v4 =	vadd.f32 $2.000000000e+00, v6;
	v11 =	vld.idx.msk [tilespmem:v3+s12+$0x80 ss:$0x1], $0xffff;
	vm0 =	vgt.f32 v1, v12  }
0x17d: {  	s16 =	simm.s32 $0x4;
	v6 =	vadd.f32 $3.000000000e+00, v6;
	vm2 =	vgt.f32 v13, v12;
	v1 =	vsel vm0, v1, v12;
	v20 =	vld.idx.msk [tilespmem:v8+s12+$0x0 ss:$0x1], $0xffff  }
0x17e: {  	s16 =	scvt.s32.f32 s16;
	v24 =	vld.idx.msk [tilespmem:v3+s12+$0xA00 ss:$0x1], $0xffff;
	vm3 =	vgt.f32 v16, v12;
	vm4 =	vgt.f32 v17, v12;
	vm1 =	vgt.f32 v2, v1  }
0x17f: {  	v14 =	vld.idx.msk [tilespmem:v7+s12+$0x0 ss:$0x1], $0xffff;
	v18 =	vsel vm0, s10, v19;
	v16 =	vsel vm3, v16, v12;
	v2 =	vsel vm1, v2, v1  }
0x180: {  	v21 =	vld.idx.msk [tilespmem:v9+s12+$0x0 ss:$0x1], $0xffff;
	v18 =	vsel vm1, v23, v18;
	v1 =	vmov s16;
	vm0 =	vgt.f32 v5, v2  }
0x181: {  	v15 =	vld.idx.msk [tilespmem:v3+s12+$0x0 ss:$0x1], $0xffff;
	v22 =	vsel vm0, v5, v2;
	v18 =	vsel vm0, v4, v18;
	v2 =	vadd.f32 $2.000000000e+00, v1  }
0x182: {  	s17 =	sshll.u32 s24, $0x6;
	v25 =	vld.idx.msk [tilespmem:v3+s12+$0x1400 ss:$0x1], $0xffff;
	v5 =	vadd.f32 $1.000000000e+00, v1;
	vm0 =	vgt.f32 v10, v22;
	vm6 =	vgt.f32 v20, v16  }
0x183: {  	s2 =	sand.u32 $0x1C0, s17;
	v26 =	vsel vm0, v10, v22;
	v10 =	vsel vm0, v6, v18;
	v18 =	vld.idx.msk [tilespmem:v3+s12+$0xA80 ss:$0x1], $0xffff;
	v22 =	vsel vm2, v13, v12  }
0x184: {  	s0 =	sor.u32 s0, s2;
	v27 =	vld.idx.msk [tilespmem:v3+s12+$0x1480 ss:$0x1], $0xffff;
	v12 =	vsel vm4, v17, v12;
	s12 =	simm.s32 $0x200;
	v16 =	vsel vm6, v20, v16;
	vm5 =	vgt.f32 v14, v22  }
0x185: {  	s14 =	sadd.s32 $0x2A40, s0;
	vm7 =	vgt.f32 v21, v12;
	v13 =	vld.idx.msk [tilespmem:v3+s12+$0xFFFFF680 ss:$0x1], $0xffff;
	vm8 =	vgt.f32 v24, v16;
	v17 =	vsel vm5, v14, v22  }
0x186: {  	s29 =	sshll.u32 s26, $0x4;
	s7 =	sand.u32 $0xFFFFEE00, s14;
	v28 =	vld.idx.msk [tilespmem:v3+s12+$0xFFFFF500 ss:$0x1], $0xffff;
	v12 =	vsel vm7, v21, v12;
	v16 =	vsel vm8, v24, v16;
	vm0 =	vgt.f32 v15, v17  }
0x187: {  	s28 =	simm.s32 $0x8;
	s7 =	sor.u32 s2, s7;
	s15 =	sadd.s32 $0x5240, s0;
	v14 =	vld.idx.msk [tilespmem:v3+s12+$0x80 ss:$0x1], $0xffff;
	v24 =	vsel vm4, s10, v19;
	vm9 =	vgt.f32 v25, v12;
	v15 =	vsel vm0, v15, v17  }
0x188: {  	s7 =	sshrl.u32 s7, $0x2;
	s14 =	sand.u32 $0xFFFFF600, s15;
	s15 =	sadd.s32 $0x7A40, s0;
	v22 =	vld.idx.msk [tilespmem:v3+s12+$0xFFFFF580 ss:$0x1], $0xffff;
	v12 =	vsel vm9, v25, v12;
	vm1 =	vgt.f32 v11, v15;
	vm10 =	vgt.f32 v18, v16  }
0x189: {  	s0 =	sadd.s32 $0x40, s0;
	s7 =	sadd.s32 $0xA010, s7;
	s14 =	sor.u32 s2, s14;
	v21 =	vld.idx.msk [tilespmem:v3+s12+$0xFFFFF600 ss:$0x1], $0xffff;
	vm11 =	vgt.f32 v27, v12;
	v17 =	vsel vm1, v11, v15;
	v18 =	vsel vm10, v18, v16  }
0x18a: {  	s15 =	sand.u32 $0xFFFFFE00, s15;
	s0 =	sand.u32 $0xFFFFE000, s0;
	s14 =	sshrl.u32 s14, $0x2;
	v16 =	vsel vm11, v27, v12;
	v15 =	vld.idx.msk [tilespmem:v3+s12+$0x0 ss:$0x1], $0xffff;
	v11 =	vsel vm2, s10, v19;
	v12 =	vsel vm3, s10, v19  }
0x18b: {  	s17 =	sor.u32 s2, s15;
	s0 =	sor.u32 s2, s0;
	s15 =	sadd.s32 $0xA010, s14;
	v19 =	vld.idx.msk [tilespmem:v7+s12+$0x0 ss:$0x1], $0xffff;
	v20 =	vsel vm5, v23, v11;
	v11 =	vsel vm6, v23, v12;
	v12 =	vsel vm7, v23, v24  }
0x18c: {  	s17 =	sshrl.u32 s17, $0x2;
	s0 =	sshrl.u32 s0, $0x2;
	s14 =	sand.u32 $0x60, s29;
	vm4 =	vgt.f32 v28, v26;
	v23 =	vld.idx.msk [tilespmem:v3+s12+$0xFFFFFF00 ss:$0x1], $0xffff;
	v11 =	vsel vm8, v4, v11;
	v12 =	vsel vm9, v4, v12  }
0x18d: {  	s11 =	sadd.s32 $0xAB10, s0;
	s10 =	sadd.s32 $0xA010, s17;
	s17 =	simm.s32 $0x1000;
	v24 =	vld.idx.msk [tilespmem:v3+s12+$0x900 ss:$0x1], $0xffff;
	v25 =	vsel vm4, v28, v26;
	v11 =	vsel vm10, v6, v11;
	v12 =	vsel vm11, v6, v12  }
.LBB2_10:
0x18e: {  	s0 =	scvt.s32.f32 s28;
	p0 =	sne.s32 s17, $0x2000;
	v26 =	vld.idx.msk [tilespmem:v3+s12+$0x1300 ss:$0x1], $0xffff;
	v10 =	vsel vm4, s16, v10;
	vm2 =	vgt.f32 v22, v25;
	v20 =	vsel vm0, v4, v20;
	v4 =	vmovc v2  }
0x18f: {  	v27 =	vld.idx.msk [tilespmem:v8+s12+$0x0 ss:$0x1], $0xffff;
	v2 =	vsel vm2, v22, v25;
	v10 =	vsel vm2, v5, v10;
	v20 =	vsel vm1, v6, v20  }
0x190: {  	v28 =	vmovc v5;
	v29 =	vmov v14;
	v22 =	vmov s0;
	v25 =	vld.idx.msk [tilespmem:v9+s12+$0x0 ss:$0x1], $0xffff;
	vm0 =	vgt.f32 v21, v2  }
0x191: {  	v6 =	vadd.f32 $3.000000000e+00, v1;
	v30 =	vld.idx.msk [tilespmem:v3+s12+$0xA00 ss:$0x1], $0xffff;
	v14 =	vsel vm0, v21, v2;
	v10 =	vsel vm0, v4, v10;
	v1 =	vmovc v22  }
0x192: {  	v2 =	vadd.f32 $2.000000000e+00, v1;
	v21 =	vld.idx.msk [tilespmem:v3+s12+$0x1400 ss:$0x1], $0xffff;
	vm0 =	vgt.f32 v13, v14  }
0x193: {  	v5 =	vadd.f32 $1.000000000e+00, v1;
	v31 =	vld.idx.msk [tilespmem:v3+s12+$0xA80 ss:$0x1], $0xffff;
	v32 =	vsel vm0, v13, v14;
	v10 =	vsel vm0, v6, v10  }
0x194: {  	vm2 =	vgt.f32 v23, v17;
	vm3 =	vgt.f32 v24, v18;
	vm4 =	vgt.f32 v26, v16;
	v33 =	vld.idx.msk [tilespmem:v3+s12+$0x1480 ss:$0x1], $0xffff  }
0x195: {  	v14 =	vsel vm2, v23, v17;
	v17 =	vsel vm3, v24, v18;
	v16 =	vsel vm4, v26, v16  }
0x196: {  	s12 =	sshra.s32 s17, $0x2;
	vm5 =	vgt.f32 v19, v14;
	vm6 =	vgt.f32 v27, v17;
	vm7 =	vgt.f32 v25, v16  }
0x197: {  	v18 =	vsel vm5, v19, v14;
	v17 =	vsel vm6, v27, v17;
	v16 =	vsel vm7, v25, v16;
	v13 =	vld.idx.msk [tilespmem:v3+s12+$0xFFFFF680 ss:$0x1], $0xffff  }
0x198: {  	vm0 =	vgt.f32 v15, v18;
	vm8 =	vgt.f32 v30, v17;
	vm9 =	vgt.f32 v21, v16;
	v25 =	vld.idx.msk [tilespmem:v3+s12+$0xFFFFF500 ss:$0x1], $0xffff  }
0x199: {  	v15 =	vsel vm0, v15, v18;
	v18 =	vsel vm8, v30, v17;
	v16 =	vsel vm9, v21, v16;
	v14 =	vld.idx.msk [tilespmem:v3+s12+$0x80 ss:$0x1], $0xffff  }
0x19a: {  	vm1 =	vgt.f32 v29, v15;
	vm10 =	vgt.f32 v31, v18;
	vm11 =	vgt.f32 v33, v16;
	v22 =	vld.idx.msk [tilespmem:v3+s12+$0xFFFFF580 ss:$0x1], $0xffff  }
.Ltmp3:
0x19b: {  	v17 =	vsel vm1, v29, v15;
	v18 =	vsel vm10, v31, v18;
	v16 =	vsel vm11, v33, v16;
	v21 =	vld.idx.msk [tilespmem:v3+s12+$0xFFFFF600 ss:$0x1], $0xffff;
	(pc) =	sbr.rel @p0 .LBB2_10-.Ltmp3, $4  }
0x19c: {  	v20 =	vsel vm2, s16, v20;
	v11 =	vsel vm3, s16, v11;
	v12 =	vsel vm4, s16, v12;
	s16 =	smov.u32 s0;
	v15 =	vld.idx.msk [tilespmem:v3+s12+$0x0 ss:$0x1], $0xffff  }
0x19d: {  	v20 =	vsel vm5, v28, v20;
	v11 =	vsel vm6, v28, v11;
	v12 =	vsel vm7, v28, v12;
	v19 =	vld.idx.msk [tilespmem:v7+s12+$0x0 ss:$0x1], $0xffff  }
0x19e: {  	v11 =	vsel vm8, v4, v11;
	v12 =	vsel vm9, v4, v12;
	vm4 =	vgt.f32 v25, v32;
	v23 =	vld.idx.msk [tilespmem:v3+s12+$0xFFFFFF00 ss:$0x1], $0xffff  }
0x19f: {  	s28 =	sadd.s32 $0x4, s28;
	s17 =	sadd.s32 $0x800, s17;
	v11 =	vsel vm10, v6, v11;
	v12 =	vsel vm11, v6, v12;
	v25 =	vsel vm4, v25, v32;
	v24 =	vld.idx.msk [tilespmem:v3+s12+$0x900 ss:$0x1], $0xffff  }
0x1a0: {  	s28 =	sshll.u32 s1, $0x9  }
0x1a1: {  	vm2 =	vgt.f32 v22, v25;
	s0 =	sshrl.u32 s28, $0x2  }
0x1a2: {  	v7 =	vimm.s32 $0x0;
	v22 =	vsel vm2, v22, v25;
	s1 =	sadd.s32 $0x15200, s0  }
0x1a3: {  	v26 =	vimm.s32 $0x0;
	v7 =	vsel vm2, $0xFFFFFFFF, v7;
	vm2 =	vgt.f32 v21, v22;
	s0 =	sor.u32 s14, s1  }
0x1a4: {  	[tilespmem:$0x1FF10] =	vst v7;
	v26 =	vsel vm2, $0xFFFFFFFF, v26;
	v21 =	vsel vm2, v21, v22;
	v7 =	vld [tilespmem:s0+$0x0]  }
0x1a5: {  	v25 =	vld.idx.msk [tilespmem:v3+s12+$0x1300 ss:$0x1], $0xffff;
	v22 =	vimm.s32 $0x0;
	[tilespmem:$0x1FF30] =	vst v26;
	vm2 =	vgt.f32 v13, v21  }
0x1a6: {  	v8 =	vld.idx.msk [tilespmem:v8+s12+$0x0 ss:$0x1], $0xffff;
	v22 =	vsel vm2, $0xFFFFFFFF, v22  }
0x1a7: {  	vm8 =	vgt.f32 v23, v17;
	v9 =	vld.idx.msk [tilespmem:v9+s12+$0x0 ss:$0x1], $0xffff;
	[tilespmem:$0x1FF40] =	vst v22  }
0x1a8: {  	vm12 =	vgt.f32 v24, v18;
	v17 =	vsel vm8, v23, v17;
	v22 =	vld.idx.msk [tilespmem:v3+s12+$0xA00 ss:$0x1], $0xffff  }
0x1a9: {  	v13 =	vsel vm2, v13, v21;
	vm5 =	vgt.f32 v19, v17;
	v21 =	vld.idx.msk [tilespmem:v3+s12+$0x1400 ss:$0x1], $0xffff;
	v7 =	vsub.f32 $0.0e+00, v7  }
0x1aa: {  	v18 =	vsel vm12, v24, v18;
	v17 =	vsel vm5, v19, v17;
	v26 =	vld.idx.msk [tilespmem:v3+s12+$0xA80 ss:$0x1], $0xffff;
	vm15 =	vgt.f32 v25, v16  }
0x1ab: {  	v3 =	vld.idx.msk [tilespmem:v3+s12+$0x1480 ss:$0x1], $0xffff;
	v16 =	vsel vm15, v25, v16;
	vm6 =	vgt.f32 v8, v18;
	v7 =	vmul.f32 $1.442695020e+00, v7  }
0x1ac: {  	vm2 =	vgt.f32 v15, v17;
	vm13 =	vgt.f32 v9, v16;
	v8 =	vsel vm6, v8, v18  }
0x1ad: {  	v9 =	vsel vm13, v9, v16;
	(erf) = vpow2.f32 v7;
	v7 =	vimm.s32 $0x0  }
0x1ae: {  	vm7 =	vgt.f32 v22, v8;
	vm9 =	vgt.f32 v21, v9;
	v7 =	vsel vm2, $0xFFFFFFFF, v7  }
0x1af: {  	v8 =	vsel vm7, v22, v8;
	v9 =	vsel vm9, v21, v9;
	[tilespmem:$0x1FF20] =	vst v7;
	v7 =	vsel vm2, v15, v17  }
0x1b0: {  	vm14 =	vgt.f32 v26, v8;
	vm11 =	vgt.f32 v3, v9;
	vm10 =	vgt.f32 v14, v7  }
0x1b1: {  	v8 =	vsel vm14, v26, v8;
	v3 =	vsel vm11, v3, v9;
	v7 =	vsel vm10, v14, v7  }
0x1b2: {  	vm3 =	vgt.f32 v3, v8;
	vm2 =	vgt.f32 v7, v13  }
0x1b3: {  	v9 =	vimm.s32 $0x0;
	v3 =	vsel vm3, v3, v8;
	v7 =	vsel vm2, v7, v13  }
0x1b4: {  	v9 =	vsel vm2, $0xFFFFFFFF, v9;
	vm2 =	vgt.f32 v3, v7  }
0x1b5: {  	v3 =	vsel vm2, v3, v7  }
0x1b6: {  	v7 =	vpop (erf);
	v3 =	vsub.f32 $0.0e+00, v3  }
0x1b7: {  	v7 =	vadd.f32 $1.000000000e+00, v7  }
0x1b8: {  	v3 =	vmul.f32 $1.442695020e+00, v3  }
0x1b9: {  	(erf) = vrcp.f32 v7  }
0x1ba: {  	(erf) = vpow2.f32 v3;
	_ =	sdelay $0x7  }
0x1bb: {  	v3 =	vpop (erf)  }
0x1bc: {  	v7 =	vpop (erf)  }
0x1bd: {  	v7 =	vadd.f32 $1.000000000e+00, v7;
	_ =	sdelay $0x1  }
0x1be: {  	(erf) = vrcp.f32 v7;
	_ =	sdelay $0x1  }
0x1bf: {  	s12 =	sor.u32 s14, s28;
	v8 =	vsel vm4, s16, v10;
	v10 =	vld [tilespmem:$0x1FF10]  }
0x1c0: {  	v7 =	vld [tilespmem:s12+$0x14800]  }
0x1c1: {  	[tilespmem:$0x1FF50] =	vst v9;
	v9 =	vld [tilespmem:s12+$0x14880];
	_ =	sdelay $0x2  }
0x1c2: {  	v4 =	vsel vm0, v4, v20;
	s14 =	sor.u32 s28, s29  }
0x1c3: {  	v4 =	vsel vm1, v6, v4;
	s14 =	sor.u32 $0x180, s14;
	vm0 =	vnez.u8 v10;
	v7 =	vmul.f32 $1.442695020e+00, v7  }
0x1c4: {  	v10 =	vsel vm12, s16, v11;
	v11 =	vsel vm15, s16, v12;
	v12 =	vld [tilespmem:s14+$0x14800];
	v9 =	vmul.f32 $1.442695020e+00, v9;
	v6 =	vpop (erf)  }
0x1c5: {  	(erf) = vpow2.f32 v7;
	v3 =	vmul.f32 v3, v6;
	v6 =	vld [tilespmem:s12+$0x14900]  }
0x1c6: {  	(erf) = vpow2.f32 v9;
	v9 =	vld [tilespmem:$0x1FF20]  }
0x1c7: {  	v4 =	vsel vm8, s16, v4;
	v13 =	vshra.s32 v3, $0x1;
	v14 =	vmul.f32 $5.000000000e-01, v3  }
0x1c8: {  	v4 =	vsel vm5, v5, v4;
	v8 =	vsel vm0, v5, v8;
	v13 =	vsub.s32 $0x5F3759DF, v13  }
0x1c9: {  	v10 =	vsel vm6, v5, v10;
	v5 =	vsel vm13, v5, v11;
	v11 =	vmul.f32 v13, v14  }
0x1ca: {  	v6 =	vmul.f32 $1.442695020e+00, v6  }
0x1cb: {  	v7 =	vmul.f32 $1.442695020e+00, v12;
	vm0 =	vnez.u8 v9;
	v9 =	vmul.f32 v13, v11  }
0x1cc: {  	(erf) = vpow2.f32 v6  }
0x1cd: {  	(erf) = vpow2.f32 v7;
	v7 =	vsub.f32 $1.500000000e+00, v9;
	v9 =	vld [tilespmem:$0x1FF30];
	_ =	sdelay $0x4  }
0x1ce: {  	v4 =	vsel vm0, v2, v4;
	vm0 =	vnez.u8 v9  }
0x1cf: {  	v10 =	vsel vm7, v2, v10;
	v5 =	vsel vm9, v2, v5;
	v2 =	vsel vm0, v2, v8;
	v8 =	vld [tilespmem:$0x1FF40];
	_ =	sdelay $0x2  }
0x1d0: {  	v1 =	vadd.f32 $3.000000000e+00, v1;
	_ =	sdelay $0x1  }
0x1d1: {  	v5 =	vsel vm11, v1, v5;
	v4 =	vsel vm10, v1, v4;
	vm0 =	vnez.u8 v8  }
0x1d2: {  	v6 =	vsel vm14, v1, v10;
	v1 =	vsel vm0, v1, v2;
	v2 =	vmul.f32 v13, v7;
	v7 =	vld [tilespmem:$0x1FF50];
	_ =	sdelay $0x2  }
0x1d3: {  	v5 =	vadd.f32 $6.000000000e+01, v5;
	v6 =	vadd.f32 $4.000000000e+01, v6  }
0x1d4: {  	v4 =	vadd.f32 $2.000000000e+01, v4  }
0x1d5: {  	v5 =	vsel vm3, v5, v6;
	vm0 =	vnez.u8 v7  }
0x1d6: {  	v6 =	vmul.f32 v2, v14;
	v4 =	vsel vm0, v4, v1;
	v1 =	vmov s11  }
0x1d7: {  	s17 =	sor.u32 s22, s29;
	v19 =	vimm.f32 $0.0e+00;
	v9 =	vpop (erf)  }
0x1d8: {  	v10 =	vpop (erf);
	v8 =	vor.u32 s17, v0;
	v6 =	vmul.f32 v6, v2;
	v7 =	vmov s17  }
0x1d9: {  	v11 =	vpop (erf);
	v7 =	vshrl.u32 v7, $0x7;
	v4 =	vsel vm2, v5, v4;
	v5 =	vand.u32 $0x6F, v8  }
0x1da: {  	s2 =	simm.s32 $0x0;
	v18 =	vimm.f32 $-Inf;
	s16 =	simm.s32 $0x0;
	v12 =	vpop (erf);
	v7 =	vand.u32 $0x7F, v7;
	v5 =	vcvt.s32.f32 v5  }
0x1db: {  	s0 =	scvt.s32.f32 s16;
	v15 =	vsub.f32 v10, v12;
	v6 =	vsub.f32 $1.500000000e+00, v6;
	v7 =	vcvt.s32.f32 v7;
	v13 =	vld.idx.msk [tilespmem:v1+s2+$0xFFFFF680 ss:$0x1], $0xffff  }
0x1dc: {  	v10 =	vadd.f32 v12, v10;
	v8 =	vsub.f32 v9, v11;
	v5 =	vmul.f32 $8.000000000e+00, v5;
	v16 =	vld.idx.msk [tilespmem:v1+s2+$0xFFFFF500 ss:$0x1], $0xffff  }
0x1dd: {  	v12 =	vmov s0;
	v2 =	vmul.f32 v6, v2;
	v14 =	vmul.f32 $8.000000000e+00, v7;
	v21 =	vld.idx.msk [tilespmem:v1+s2+$0xFFFFFF00 ss:$0x1], $0xffff  }
0x1de: {  	v6 =	vmul.f32 $4.000000000e+00, v8;
	v7 =	vmov s7;
	v23 =	vld.idx.msk [tilespmem:v1+s2+$0x900 ss:$0x1], $0xffff;
	v5 =	vadd.f32 $4.000000000e+00, v5  }
0x1df: {  	v24 =	vadd.f32 $1.000000000e+00, v12;
	v26 =	vld.idx.msk [tilespmem:v1+s2+$0x1300 ss:$0x1], $0xffff;
	v8 =	vadd.f32 $4.000000000e+00, v14;
	v14 =	vmul.f32 $4.000000000e+00, v15  }
0x1e0: {  	v4 =	vtrunc.f32 v4;
	v2 =	vmul.f32 v2, v3;
	v15 =	vld.idx.msk [tilespmem:v1+s2+$0xFFFFF580 ss:$0x1], $0xffff;
	v3 =	vsub.f32 v5, v6  }
0x1e1: {  	v17 =	vld.idx.msk [tilespmem:v1+s2+$0x80 ss:$0x1], $0xffff;
	v14 =	vsub.f32 v8, v14;
	v8 =	vmov s15;
	v5 =	vadd.f32 v11, v9  }
0x1e2: {  	v25 =	vmul.f32 $8.000000000e+00, v10;
	v4 =	vcvt.f32.s32 v4;
	v6 =	vld.idx.msk [tilespmem:v1+s2+$0xFFFFF600 ss:$0x1], $0xffff;
	v9 =	vmov s10  }
0x1e3: {  	[tilespmem:s29+$0x15600] =	vst v2;
	v2 =	vadd.f32 $2.000000000e+00, v12;
	v11 =	vld.idx.msk [tilespmem:v7+s2+$0x0 ss:$0x1], $0xffff;
	vm0 =	vgt.f32 v16, v18;
	v22 =	vmul.f32 $8.000000000e+00, v5  }
0x1e4: {  	s17 =	simm.s32 $0x4;
	[tilespmem:s29+$0x15A00] =	vst v4;
	vm2 =	vgt.f32 v21, v18;
	vm3 =	vgt.f32 v23, v18;
	v16 =	vsel vm0, v16, v18  }
0x1e5: {  	s7 =	scvt.s32.f32 s17;
	v20 =	vld.idx.msk [tilespmem:v1+s2+$0x0 ss:$0x1], $0xffff;
	[tilespmem:s12+$0x16480] =	vst v14;
	vm4 =	vgt.f32 v26, v18;
	v5 =	vsel vm0, s0, v19;
	vm1 =	vgt.f32 v15, v16  }
0x1e6: {  	v14 =	vsel vm2, v21, v18;
	[tilespmem:s12+$0x16500] =	vst v22;
	v22 =	vsel vm4, s0, v19;
	v10 =	vsel vm1, v15, v16;
	v15 =	vld.idx.msk [tilespmem:v8+s2+$0x0 ss:$0x1], $0xffff  }
0x1e7: {  	v16 =	vsel vm1, v24, v5;
	v5 =	vmov s7;
	v27 =	vld.idx.msk [tilespmem:v9+s2+$0x0 ss:$0x1], $0xffff;
	vm0 =	vgt.f32 v6, v10  }
0x1e8: {  	v28 =	vld.idx.msk [tilespmem:v1+s2+$0x1400 ss:$0x1], $0xffff;
	[tilespmem:s12+$0x16400] =	vst v3;
	v3 =	vadd.f32 $2.000000000e+00, v5;
	vm5 =	vgt.f32 v11, v14;
	v10 =	vsel vm0, v6, v10  }
0x1e9: {  	v6 =	vadd.f32 $3.000000000e+00, v12;
	v12 =	vld.idx.msk [tilespmem:v1+s2+$0xA00 ss:$0x1], $0xffff;
	v16 =	vsel vm0, v2, v16;
	vm0 =	vgt.f32 v13, v10  }
0x1ea: {  	v4 =	vadd.f32 $1.000000000e+00, v5;
	v11 =	vsel vm5, v11, v14;
	v29 =	vsel vm0, v13, v10;
	v13 =	vld.idx.msk [tilespmem:v1+s2+$0xA80 ss:$0x1], $0xffff  }
0x1eb: {  	s12 =	simm.s32 $0x200;
	v10 =	vsel vm0, v6, v16;
	v16 =	vsel vm3, v23, v18;
	v18 =	vsel vm4, v26, v18;
	v26 =	vld.idx.msk [tilespmem:v1+s2+$0x1480 ss:$0x1], $0xffff  }
0x1ec: {  	v21 =	vld.idx.msk [tilespmem:v1+s12+$0xFFFFF600 ss:$0x1], $0xffff;
	vm0 =	vgt.f32 v20, v11;
	vm6 =	vgt.f32 v15, v16;
	vm7 =	vgt.f32 v27, v18  }
0x1ed: {  	v14 =	vld.idx.msk [tilespmem:v1+s12+$0xFFFFF680 ss:$0x1], $0xffff;
	v11 =	vsel vm0, v20, v11;
	v16 =	vsel vm6, v15, v16;
	v18 =	vsel vm7, v27, v18  }
0x1ee: {  	v27 =	vld.idx.msk [tilespmem:v1+s12+$0xFFFFF500 ss:$0x1], $0xffff;
	vm1 =	vgt.f32 v17, v11;
	vm12 =	vgt.f32 v12, v16;
	vm13 =	vgt.f32 v28, v18  }
0x1ef: {  	v23 =	vld.idx.msk [tilespmem:v1+s12+$0xFFFFF580 ss:$0x1], $0xffff;
	v20 =	vsel vm1, v17, v11;
	v12 =	vsel vm12, v12, v16;
	v16 =	vsel vm13, v28, v18  }
0x1f0: {  	v15 =	vld.idx.msk [tilespmem:v1+s12+$0x80 ss:$0x1], $0xffff;
	v11 =	vsel vm2, s0, v19;
	vm14 =	vgt.f32 v13, v12;
	vm15 =	vgt.f32 v26, v16  }
0x1f1: {  	[tilespmem:s14+$0x16400] =	vst v25;
	v18 =	vsel vm14, v13, v12;
	v17 =	vsel vm15, v26, v16;
	v13 =	vld.idx.msk [tilespmem:v1+s12+$0x0 ss:$0x1], $0xffff;
	v12 =	vsel vm3, s0, v19  }
0x1f2: {  	v19 =	vld.idx.msk [tilespmem:v7+s12+$0x0 ss:$0x1], $0xffff;
	v16 =	vsel vm5, v24, v11;
	v11 =	vsel vm6, v24, v12;
	v12 =	vsel vm7, v24, v22  }
0x1f3: {  	s10 =	sor.u32 $0x10, s29;
	v22 =	vld.idx.msk [tilespmem:v1+s12+$0xFFFFFF00 ss:$0x1], $0xffff;
	vm2 =	vgt.f32 v27, v29;
	v11 =	vsel vm12, v2, v11;
	v26 =	vsel vm13, v2, v12  }
0x1f4: {  	s15 =	simm.s32 $0x1000;
	s11 =	sand.u32 $0x70, s10;
	s14 =	simm.s32 $0x8;
	v24 =	vld.idx.msk [tilespmem:v1+s12+$0x900 ss:$0x1], $0xffff;
	v25 =	vsel vm2, v27, v29;
	v12 =	vsel vm14, v6, v11;
	v11 =	vsel vm15, v6, v26  }
.LBB2_12:
0x1f5: {  	s0 =	scvt.s32.f32 s14;
	p0 =	sne.s32 s15, $0x2000;
	v26 =	vld.idx.msk [tilespmem:v1+s12+$0x1300 ss:$0x1], $0xffff;
	v10 =	vsel vm2, s7, v10;
	vm2 =	vgt.f32 v23, v25;
	v16 =	vsel vm0, v2, v16;
	v2 =	vmovc v3  }
0x1f6: {  	v27 =	vld.idx.msk [tilespmem:v8+s12+$0x0 ss:$0x1], $0xffff;
	v3 =	vsel vm2, v23, v25;
	v10 =	vsel vm2, v4, v10;
	v16 =	vsel vm1, v6, v16  }
0x1f7: {  	v28 =	vmovc v4;
	v29 =	vmov v15;
	v23 =	vmov s0;
	v25 =	vld.idx.msk [tilespmem:v9+s12+$0x0 ss:$0x1], $0xffff;
	vm0 =	vgt.f32 v21, v3  }
0x1f8: {  	v6 =	vadd.f32 $3.000000000e+00, v5;
	v30 =	vld.idx.msk [tilespmem:v1+s12+$0xA00 ss:$0x1], $0xffff;
	v15 =	vsel vm0, v21, v3;
	v10 =	vsel vm0, v2, v10;
	v5 =	vmovc v23  }
0x1f9: {  	v3 =	vadd.f32 $2.000000000e+00, v5;
	v21 =	vld.idx.msk [tilespmem:v1+s12+$0x1400 ss:$0x1], $0xffff;
	vm0 =	vgt.f32 v14, v15  }
0x1fa: {  	v4 =	vadd.f32 $1.000000000e+00, v5;
	v31 =	vld.idx.msk [tilespmem:v1+s12+$0xA80 ss:$0x1], $0xffff;
	v32 =	vsel vm0, v14, v15;
	v10 =	vsel vm0, v6, v10  }
0x1fb: {  	vm2 =	vgt.f32 v22, v20;
	vm3 =	vgt.f32 v24, v18;
	vm4 =	vgt.f32 v26, v17;
	v33 =	vld.idx.msk [tilespmem:v1+s12+$0x1480 ss:$0x1], $0xffff  }
0x1fc: {  	v15 =	vsel vm2, v22, v20;
	v18 =	vsel vm3, v24, v18;
	v17 =	vsel vm4, v26, v17  }
0x1fd: {  	s12 =	sshra.s32 s15, $0x2;
	vm5 =	vgt.f32 v19, v15;
	vm6 =	vgt.f32 v27, v18;
	vm7 =	vgt.f32 v25, v17  }
0x1fe: {  	v19 =	vsel vm5, v19, v15;
	v18 =	vsel vm6, v27, v18;
	v17 =	vsel vm7, v25, v17;
	v14 =	vld.idx.msk [tilespmem:v1+s12+$0xFFFFF680 ss:$0x1], $0xffff  }
0x1ff: {  	vm0 =	vgt.f32 v13, v19;
	vm8 =	vgt.f32 v30, v18;
	vm9 =	vgt.f32 v21, v17;
	v25 =	vld.idx.msk [tilespmem:v1+s12+$0xFFFFF500 ss:$0x1], $0xffff  }
0x200: {  	v13 =	vsel vm0, v13, v19;
	v18 =	vsel vm8, v30, v18;
	v17 =	vsel vm9, v21, v17;
	v15 =	vld.idx.msk [tilespmem:v1+s12+$0x80 ss:$0x1], $0xffff  }
0x201: {  	vm1 =	vgt.f32 v29, v13;
	vm10 =	vgt.f32 v31, v18;
	vm11 =	vgt.f32 v33, v17;
	v23 =	vld.idx.msk [tilespmem:v1+s12+$0xFFFFF580 ss:$0x1], $0xffff  }
.Ltmp4:
0x202: {  	v20 =	vsel vm1, v29, v13;
	v18 =	vsel vm10, v31, v18;
	v17 =	vsel vm11, v33, v17;
	v21 =	vld.idx.msk [tilespmem:v1+s12+$0xFFFFF600 ss:$0x1], $0xffff;
	(pc) =	sbr.rel @p0 .LBB2_12-.Ltmp4, $4  }
0x203: {  	v16 =	vsel vm2, s7, v16;
	v12 =	vsel vm3, s7, v12;
	v11 =	vsel vm4, s7, v11;
	s7 =	smov.u32 s0;
	v13 =	vld.idx.msk [tilespmem:v1+s12+$0x0 ss:$0x1], $0xffff  }
0x204: {  	v16 =	vsel vm5, v28, v16;
	v12 =	vsel vm6, v28, v12;
	v11 =	vsel vm7, v28, v11;
	v19 =	vld.idx.msk [tilespmem:v7+s12+$0x0 ss:$0x1], $0xffff  }
0x205: {  	v12 =	vsel vm8, v2, v12;
	v11 =	vsel vm9, v2, v11;
	vm2 =	vgt.f32 v25, v32;
	v22 =	vld.idx.msk [tilespmem:v1+s12+$0xFFFFFF00 ss:$0x1], $0xffff  }
0x206: {  	s14 =	sadd.s32 $0x4, s14;
	s15 =	sadd.s32 $0x800, s15;
	v12 =	vsel vm10, v6, v12;
	v11 =	vsel vm11, v6, v11;
	v25 =	vsel vm2, v25, v32;
	v24 =	vld.idx.msk [tilespmem:v1+s12+$0x900 ss:$0x1], $0xffff  }
0x207: {  	vm3 =	vgt.f32 v23, v25  }
0x208: {  	v7 =	vimm.s32 $0x0;
	v57 =	vsel vm3, v23, v25  }
0x209: {  	s0 =	sadd.s32 s11, s1;
	v26 =	vimm.s32 $0x0;
	v7 =	vsel vm3, $0xFFFFFFFF, v7;
	vm3 =	vgt.f32 v21, v57  }
0x20a: {  	v58 =	vld [tilespmem:s0+$0x0];
	[tilespmem:$0x1FEC0] =	vst v7;
	v26 =	vsel vm3, $0xFFFFFFFF, v26;
	v7 =	vsel vm3, v21, v57  }
0x20b: {  	v60 =	vimm.s32 $0x0;
	v59 =	vld.idx.msk [tilespmem:v1+s12+$0x1300 ss:$0x1], $0xffff;
	[tilespmem:$0x1FED0] =	vst v26;
	vm3 =	vgt.f32 v14, v7  }
0x20c: {  	v8 =	vld.idx.msk [tilespmem:v8+s12+$0x0 ss:$0x1], $0xffff;
	v21 =	vsel vm3, $0xFFFFFFFF, v60  }
0x20d: {  	v9 =	vld.idx.msk [tilespmem:v9+s12+$0x0 ss:$0x1], $0xffff;
	[tilespmem:$0x1FEE0] =	vst v21  }
0x20e: {  	v63 =	vimm.s32 $0x0;
	vm12 =	vgt.f32 v22, v20;
	vm9 =	vgt.f32 v24, v18;
	v21 =	vld.idx.msk [tilespmem:v1+s12+$0xA00 ss:$0x1], $0xffff  }
0x20f: {  	v20 =	vsel vm12, v22, v20;
	v7 =	vsel vm3, v14, v7;
	v23 =	vsub.f32 $0.0e+00, v58;
	v61 =	vld.idx.msk [tilespmem:v1+s12+$0x1400 ss:$0x1], $0xffff  }
0x210: {  	v18 =	vsel vm9, v24, v18;
	vm13 =	vgt.f32 v19, v20;
	v62 =	vld.idx.msk [tilespmem:v1+s12+$0xA80 ss:$0x1], $0xffff;
	vm10 =	vgt.f32 v59, v17  }
0x211: {  	v19 =	vsel vm13, v19, v20;
	v1 =	vld.idx.msk [tilespmem:v1+s12+$0x1480 ss:$0x1], $0xffff;
	v23 =	vmul.f32 $1.442695020e+00, v23;
	v17 =	vsel vm10, v59, v17  }
0x212: {  	vm5 =	vgt.f32 v13, v19;
	vm11 =	vgt.f32 v8, v18;
	vm8 =	vgt.f32 v9, v17  }
0x213: {  	(erf) = vpow2.f32 v23;
	v8 =	vsel vm11, v8, v18;
	v9 =	vsel vm8, v9, v17  }
0x214: {  	v13 =	vsel vm5, v13, v19;
	vm14 =	vgt.f32 v21, v8;
	vm15 =	vgt.f32 v61, v9  }
0x215: {  	vm4 =	vgt.f32 v15, v13;
	v8 =	vsel vm14, v21, v8;
	v9 =	vsel vm15, v61, v9  }
0x216: {  	v24 =	vsel vm8, $0xFFFFFFFF, v63;
	vm7 =	vgt.f32 v62, v8;
	vm8 =	vgt.f32 v1, v9  }
0x217: {  	v13 =	vsel vm4, v15, v13;
	v8 =	vsel vm7, v62, v8;
	v1 =	vsel vm8, v1, v9  }
0x218: {  	vm6 =	vgt.f32 v13, v7;
	vm3 =	vgt.f32 v1, v8  }
0x219: {  	v28 =	vimm.s32 $0x0;
	v7 =	vsel vm6, v13, v7;
	v1 =	vsel vm3, v1, v8  }
0x21a: {  	v9 =	vsel vm3, $0xFFFFFFFF, v28;
	vm3 =	vgt.f32 v1, v7  }
0x21b: {  	v1 =	vsel vm3, v1, v7  }
0x21c: {  	v29 =	vpop (erf);
	v1 =	vsub.f32 $0.0e+00, v1  }
0x21d: {  	v7 =	vadd.f32 $1.000000000e+00, v29  }
0x21e: {  	v1 =	vmul.f32 $1.442695020e+00, v1  }
0x21f: {  	(erf) = vrcp.f32 v7  }
0x220: {  	(erf) = vpow2.f32 v1;
	_ =	sdelay $0x7  }
0x221: {  	v1 =	vpop (erf)  }
0x222: {  	v30 =	vpop (erf)  }
0x223: {  	v7 =	vadd.f32 $1.000000000e+00, v30;
	_ =	sdelay $0x1  }
0x224: {  	(erf) = vrcp.f32 v7;
	_ =	sdelay $0x2  }
0x225: {  	s15 =	sor.u32 s28, s11;
	s16 =	sor.u32 s10, s28  }
0x226: {  	v36 =	vld [tilespmem:s15+$0x14900];
	s17 =	sor.u32 $0x180, s16  }
0x227: {  	v38 =	vld [tilespmem:s17+$0x14800]  }
0x228: {  	v37 =	vld [tilespmem:$0x1FEC0]  }
0x229: {  	v33 =	vsel vm2, s7, v10;
	v2 =	vsel vm0, v2, v16;
	s28 =	sor.u32 s22, s10;
	v31 =	vld [tilespmem:s15+$0x14800]  }
0x22a: {  	v5 =	vadd.f32 $3.000000000e+00, v5;
	v2 =	vsel vm1, v6, v2;
	v51 =	vmov s28;
	v39 =	vld [tilespmem:$0x1FED0]  }
0x22b: {  	v32 =	vld [tilespmem:s15+$0x14880];
	v52 =	vor.u32 s28, v0;
	v2 =	vsel vm12, s7, v2;
	v12 =	vsel vm9, s7, v12;
	v7 =	vpop (erf)  }
0x22c: {  	v43 =	vmul.f32 $1.442695020e+00, v36;
	v2 =	vsel vm13, v4, v2;
	[tilespmem:$0x1FEF0] =	vst v24;
	v1 =	vmul.f32 v1, v7  }
0x22d: {  	v44 =	vmul.f32 $1.442695020e+00, v38;
	vm2 =	vnez.u8 v37;
	v2 =	vsel vm5, v3, v2;
	v46 =	vld [tilespmem:$0x1FEF0]  }
0x22e: {  	v41 =	vld [tilespmem:$0x1FEE0];
	v11 =	vsel vm10, s7, v11;
	v34 =	vshra.s32 v1, $0x1;
	v35 =	vmul.f32 $5.000000000e-01, v1  }
0x22f: {  	vm0 =	vnez.u8 v39;
	v7 =	vmul.f32 $1.442695020e+00, v31;
	v10 =	vsub.s32 $0x5F3759DF, v34  }
0x230: {  	v2 =	vsel vm4, v5, v2;
	v8 =	vmul.f32 $1.442695020e+00, v32;
	v40 =	vmul.f32 v10, v35  }
0x231: {  	v2 =	vadd.f32 $2.000000000e+01, v2;
	[tilespmem:$0x1FF00] =	vst v9;
	v9 =	vsel vm2, v4, v33;
	(erf) = vpow2.f32 v7  }
0x232: {  	vm13 =	vnez.u8 v46;
	(erf) = vpow2.f32 v8;
	v42 =	vmul.f32 v10, v40  }
0x233: {  	v9 =	vsel vm0, v3, v9;
	vm0 =	vnez.u8 v41;
	(erf) = vpow2.f32 v43  }
0x234: {  	v54 =	vld [tilespmem:$0x1FF00];
	v6 =	vsel vm0, v5, v9;
	(erf) = vpow2.f32 v44;
	v9 =	vsub.f32 $1.500000000e+00, v42  }
0x235: {  	v45 =	vsel vm11, v4, v12;
	v47 =	vsel vm13, v4, v11;
	v2 =	vsel vm6, v2, v6  }
0x236: {  	v7 =	vsel vm14, v3, v45;
	v3 =	vsel vm15, v3, v47;
	v48 =	vmul.f32 v10, v9  }
0x237: {  	v6 =	vshrl.u32 v51, $0x7;
	v49 =	vsel vm7, v5, v7;
	v3 =	vsel vm8, v5, v3  }
0x238: {  	v4 =	vadd.f32 $4.000000000e+01, v49;
	v3 =	vadd.f32 $6.000000000e+01, v3;
	v50 =	vmul.f32 v48, v35  }
0x239: {  	v55 =	vand.u32 $0x7F, v52;
	v6 =	vand.u32 $0x7F, v6;
	vm15 =	vnez.u8 v54  }
0x23a: {  	v3 =	vsel vm15, v3, v4;
	v4 =	vcvt.s32.f32 v55;
	v53 =	vpop (erf);
	v5 =	vmul.f32 v50, v48  }
0x23b: {  	v2 =	vsel vm3, v3, v2;
	v3 =	vcvt.s32.f32 v6;
	v56 =	vpop (erf)  }
0x23c: {  	v4 =	vmul.f32 $8.000000000e+00, v4;
	v57 =	vpop (erf);
	v5 =	vsub.f32 $1.500000000e+00, v5  }
0x23d: {  	v2 =	vtrunc.f32 v2;
	v3 =	vmul.f32 $8.000000000e+00, v3;
	v58 =	vpop (erf);
	v59 =	vsub.f32 v53, v57  }
0x23e: {  	v2 =	vcvt.f32.s32 v2;
	v60 =	vsub.f32 v56, v58;
	v5 =	vmul.f32 v5, v48  }
0x23f: {  	v4 =	vadd.f32 $4.000000000e+00, v4;
	v3 =	vadd.f32 $4.000000000e+00, v3;
	v61 =	vmul.f32 $4.000000000e+00, v59  }
0x240: {  	v63 =	vadd.f32 v57, v53;
	v62 =	vmul.f32 $4.000000000e+00, v60;
	v1 =	vmul.f32 v5, v1  }
0x241: {  	p0 =	slt.u32 s26, $0x1E;
	[tilespmem:s10+$0x15A00] =	vst v2;
	v4 =	vsub.f32 v4, v61  }
.Ltmp5:
0x242: {  	v2 =	vmul.f32 $8.000000000e+00, v63;
	[tilespmem:s10+$0x15600] =	vst v1;
	v1 =	vsub.f32 v3, v62;
	v3 =	vadd.f32 v58, v56;
	(pc) =	sbr.rel @p0 .LBB2_9-.Ltmp5, $4  }
0x243: {  	[tilespmem:s15+$0x16400] =	vst v4  }
0x244: {  	[tilespmem:s15+$0x16500] =	vst v2;
	v3 =	vmul.f32 $8.000000000e+00, v3  }
0x245: {  	s29 =	sadd.s32 $0x2, s26;
	[tilespmem:s15+$0x16480] =	vst v1  }
0x246: {  	s25 =	sadd.s32 $0x1, s25;
	s24 =	sadd.s32 $0x2, s24;
	s26 =	smov.u32 s29;
	[tilespmem:s17+$0x16400] =	vst v3  }
0x247: {  	s0 =	sshll.u32 s21, $0xA  }
0x248: {  	s0 =	sand.u32 $0x1F000, s0  }
0x249: {  	s0 =	sor.u32 s13, s0  }
0x24a: {  	s0 =	sshrl.u32 s0, $0x3  }
0x24b: {  	s2 =	simm.s32 $0x15600;
	s1 =	sadd.s32 s4, s0  }
0x24c: {  	[hbm4b:s1+s8] =	stream.linear.scatter [tilespmem:s2], [sflag:$0x4], $0x80, $0x38;
	[tilespmem:$0x16C00] =	vst v63  }
0x24d: {  	s12 =	simm.s32 $0x15A00;
	s11 =	sadd.s32 s5, s0;
	s14 =	sor.u32 $0x80, s0  }
0x24e: {  	[hbm4b:s11+s8] =	stream.linear.scatter [tilespmem:s12], [sflag:$0x4], $0x80, $0x38;
	[tilespmem:$0x16C00] =	vst v63  }
0x24f: {  	s15 =	simm.s32 $0x15680;
	s7 =	sadd.s32 s4, s14  }
0x250: {  	[hbm4b:s7+s8] =	stream.linear.scatter [tilespmem:s15], [sflag:$0x4], $0x80, $0x38;
	[tilespmem:$0x16C00] =	vst v63  }
0x251: {  	s16 =	simm.s32 $0x15A80;
	s17 =	sor.u32 $0x100, s0;
	s1 =	sadd.s32 s5, s14  }
0x252: {  	[hbm4b:s1+s8] =	stream.linear.scatter [tilespmem:s16], [sflag:$0x4], $0x80, $0x38;
	[tilespmem:$0x16C00] =	vst v63  }
0x253: {  	s22 =	simm.s32 $0x15700;
	s23 =	simm.s32 $0x15B00;
	s21 =	sadd.s32 s4, s17  }
0x254: {  	[hbm4b:s21+s8] =	stream.linear.scatter [tilespmem:s22], [sflag:$0x4], $0x80, $0x38;
	[tilespmem:$0x16C00] =	vst v63  }
0x255: {  	s18 =	sadd.s32 $0x1, s18;
	s0 =	sor.u32 $0x180, s0;
	s1 =	sadd.s32 s5, s17  }
0x256: {  	[hbm4b:s1+s8] =	stream.linear.scatter [tilespmem:s23], [sflag:$0x4], $0x80, $0x38;
	[tilespmem:$0x16C00] =	vst v63  }
0x257: {  	s25 =	simm.s32 $0x15780;
	p0 =	sne.s32 s18, $0x4;
	s24 =	sadd.s32 s4, s0  }
0x258: {  	[hbm4b:s24+s8] =	stream.linear.scatter [tilespmem:s25], [sflag:$0x4], $0x80, $0x38;
	[tilespmem:$0x16C00] =	vst v63  }
.Ltmp6:
0x259: {  	_ = 	snop;
	(pc) =	sbr.rel @p0 .LBB2_2-.Ltmp6, $4  }
0x25a: {  	s26 =	simm.s32 $0x15B80;
	s28 =	rddreg [dreg:$0x5];
	s0 =	sadd.s32 s5, s0  }
0x25b: {  	[hbm4b:s0+s8] =	stream.linear.scatter [tilespmem:s26], [sflag:$0x4], $0x80, $0x38;
	[tilespmem:$0x16C00] =	vst v63  }
0x25c: {  	s29 =	simm.s32 $0x16400;
	s0 =	sadd.s32 s28, s19  }
0x25d: {  	[hbm4b:s0+s8] =	stream.linear.scatter [tilespmem:s29], [sflag:$0x4], $0x800, $0x38;
	[tilespmem:$0x16C00] =	vst v63  }
0x25e: {  	s0 =	simm.s32 $0x3  }
0x25f: {  	_ =	swait.ge [sflag:s0], $0x80  }
0x260: {  	[sflag:s0] =	ssyncset.done $0x0  }
0x261: {  	[sflag:s0] =	ssyncadd.s32 $0xFFFFFF80  }
0x262: {  	_ =	swait.ge [sflag:s0], $0x80  }
0x263: {  	[sflag:s0] =	ssyncset.done $0x0  }
0x264: {  	[sflag:s0] =	ssyncadd.s32 $0xFFFFFF80  }
0x265: {  	_ =	swait.ge [sflag:s0], $0x80  }
0x266: {  	[sflag:s0] =	ssyncset.done $0x0  }
0x267: {  	[sflag:s0] =	ssyncadd.s32 $0xFFFFFF80  }
0x268: {  	_ =	swait.ge [sflag:s0], $0x80  }
0x269: {  	[sflag:s0] =	ssyncset.done $0x0  }
0x26a: {  	[sflag:s0] =	ssyncadd.s32 $0xFFFFFF80  }
0x26b: {  	_ =	swait.ge [sflag:s0], $0x80  }
0x26c: {  	[sflag:s0] =	ssyncset.done $0x0  }
0x26d: {  	[sflag:s0] =	ssyncadd.s32 $0xFFFFFF80  }
0x26e: {  	_ =	swait.ge [sflag:s0], $0x80  }
0x26f: {  	[sflag:s0] =	ssyncset.done $0x0  }
0x270: {  	[sflag:s0] =	ssyncadd.s32 $0xFFFFFF80  }
0x271: {  	_ =	swait.ge [sflag:s0], $0x80  }
0x272: {  	[sflag:s0] =	ssyncset.done $0x0  }
0x273: {  	[sflag:s0] =	ssyncadd.s32 $0xFFFFFF80  }
0x274: {  	_ =	swait.ge [sflag:s0], $0x80  }
0x275: {  	[sflag:s0] =	ssyncset.done $0x0  }
0x276: {  	[sflag:s0] =	ssyncadd.s32 $0xFFFFFF80  }
0x277: {  	_ =	swait.ge [sflag:s0], $0x800  }
0x278: {  	[sflag:s0] =	ssyncset.done $0x0  }
0x279: {  	s1 =	simm.s32 $0x4;
	[sflag:s0] =	ssyncadd.s32 $0xFFFFF800  }
0x27a: {  	_ =	swait.ge [sflag:s1], $0x80  }
0x27b: {  	[sflag:s1] =	ssyncset.done $0x0  }
0x27c: {  	[sflag:s1] =	ssyncadd.s32 $0xFFFFFF80  }
0x27d: {  	_ =	swait.ge [sflag:s1], $0x80  }
0x27e: {  	[sflag:s1] =	ssyncset.done $0x0  }
0x27f: {  	[sflag:s1] =	ssyncadd.s32 $0xFFFFFF80  }
0x280: {  	_ =	swait.ge [sflag:s1], $0x80  }
0x281: {  	[sflag:s1] =	ssyncset.done $0x0  }
0x282: {  	[sflag:s1] =	ssyncadd.s32 $0xFFFFFF80  }
0x283: {  	_ =	swait.ge [sflag:s1], $0x80  }
0x284: {  	[sflag:s1] =	ssyncset.done $0x0  }
0x285: {  	[sflag:s1] =	ssyncadd.s32 $0xFFFFFF80  }
0x286: {  	_ =	swait.ge [sflag:s1], $0x80  }
0x287: {  	[sflag:s1] =	ssyncset.done $0x0  }
0x288: {  	[sflag:s1] =	ssyncadd.s32 $0xFFFFFF80  }
0x289: {  	_ =	swait.ge [sflag:s1], $0x80  }
0x28a: {  	[sflag:s1] =	ssyncset.done $0x0  }
0x28b: {  	[sflag:s1] =	ssyncadd.s32 $0xFFFFFF80  }
0x28c: {  	_ =	swait.ge [sflag:s1], $0x80  }
0x28d: {  	[sflag:s1] =	ssyncset.done $0x0  }
0x28e: {  	[sflag:s1] =	ssyncadd.s32 $0xFFFFFF80  }
0x28f: {  	_ =	swait.ge [sflag:s1], $0x80  }
0x290: {  	[sflag:s1] =	ssyncset.done $0x0  }
0x291: {  	[sflag:s1] =	ssyncadd.s32 $0xFFFFFF80  }
0x292: {  	_ =	swait.ge [sflag:s1], $0x800  }
0x293: {  	s2 =	rddreg [dreg:$0xb]  }
0x294: {  	s29 =	rddreg [dreg:$0xa];
	s2 =	sadd.s32 $0x1, s2  }
0x295: {  	p0 =	sne.s32 s2, s29  }
.Ltmp7:
0x296: {  	_ = 	snop;
	(pc) =	sbr.rel @p0 .LBB2_1-.Ltmp7, $3  }
0x297: {  	_ =	sdelay $0x1  }
0x298: {  	[sflag:s1] =	ssyncset.done $0x0  }
0x299: {  	[sflag:s1] =	ssyncadd.s32 $0xFFFFF800  }
0x29a: {  	_ =	sfence.sel $0x180000  }
0x29b: {  	[bflag:$0x0] =	sbarrier.arrive $0xFFFF  }
0x29c: {  	_ =	strace $0x90000047  }
0x29d: {  	s0 =	stileid.u32;
	[bflag:$0x2] =	sbarrier.arrive $0xFFFF  }
0x29e: {  	p0 =	sne.s32 s0, $0x0;
	s0 =	rddreg [dreg:$0x6]  }
0x29f: {  	s0 =	sadd.s32 @!p0 $0x100000, s0  }
0x2a0: {  	[sflag:s0] =	ssyncadd.tile.s32 @!p0 $0x1;
	_ =	shalt  }
.Lfunc_end2:
_tile_overlayer_lowered:
.L_overlay_start_2:
0x2a1: {  	(tag) =	ssettag $0x2  }
0x2a2: {  	s0 =	rddreg [dreg:$0x0];
	s2 =	stileid.u32  }
0x2a3: {  	s1 =	rddreg [dreg:$0x1];
	p0 =	sne.s32 s2, $0x0  }
0x2a4: {  	s3 =	rddreg [dreg:$0x2];
	[bflag:$0x3] =	sbarrier.arrive $0xFFFF;
	s2 =	simm.s32 @!p0 $0x1C05  }
0x2a5: {  	[timem:s3], [sflag:s2] =	dma.local @!p0 [hbm:s0], s1  }
0x2a6: {  	s0 =	simm.s32 @!p0 $0x5  }
0x2a7: {  	_ =	swait.ge @!p0 [sflag:s0], s1  }
0x2a8: {  	s1 =	ssub.s32 @!p0 $0x0, s1;
	[sflag:s0] =	ssyncset.done @!p0 $0x0  }
0x2a9: {  	[sflag:s0] =	ssyncadd.s32 @!p0 s1  }
0x2aa: {  	[bflag:$0x3] =	sbarrier.arrive $0xFFFF  }
0x2ab: {  	_ =	shalt  }

</sc_bundles>
